<compile_context>
chip_gen: v7x
topology: tpu7x:2x2x1
jax: 0.10.2.dev20260603
libtpu: 0.0.44.dev20260713+nightly
codegen_flags: <defaults>
</compile_context>

<pallas_src>
import functools

import jax
import jax.numpy as jnp
from jax import lax
from jax.experimental import pallas as pl
from jax.experimental.pallas import tpu as pltpu
from jax.experimental.pallas import tpu_sc as plsc

NN = 10000
EE = 320000
DD = 128
NC = 2
NS = 16
NW = NC * NS
EPW = EE // NW
CH = 40
NCH = EPW // CH
SLAB = 624
SLAB_LAST = NN - SLAB * (NS - 1)
NBUF = 6
NFULL = (NCH // NBUF) * NBUF
MROWS = 10000


def _sc_spmm(table, src3, dst3, zer):
    mesh = plsc.VectorSubcoreMesh(core_axis_name="c", subcore_axis_name="s")

    @functools.partial(
        pl.kernel,
        out_type=[
            jax.ShapeDtypeStruct((NN, DD), jnp.float32),
            jax.ShapeDtypeStruct((NN, DD), jnp.float32),
        ],
        mesh=mesh,
        scratch_types=[
            pltpu.VMEM((NCH, CH), jnp.int32),
            pltpu.VMEM((NCH, CH), jnp.int32),
            [pltpu.VMEM((CH, DD), jnp.float32) for _ in range(NBUF)],
            [pltpu.SemaphoreType.DMA for _ in range(NBUF)],
            [pltpu.SemaphoreType.DMA for _ in range(NBUF)],
            pltpu.VMEM_SHARED((NN, DD), jnp.float32),
            pltpu.SemaphoreType.DMA,
        ],
        compiler_params=pltpu.CompilerParams(use_tc_tiling_on_sc=False),
    )
    def spmm(table_hbm, src_hbm, dst_hbm, zer_hbm, out0, out1,
             src_v, dst_v, bufs, semg, sems, acc, semi):
        cid = lax.axis_index("c")
        sid = lax.axis_index("s")
        wid = cid * NS + sid
        base = pl.multiple_of(sid * SLAB, 8)

        cpi0 = pltpu.async_copy(src_hbm.at[wid], src_v, semi)
        cpi1 = pltpu.async_copy(dst_hbm.at[wid], dst_v, semi)

        zb = bufs[NBUF - 1]
        nz = SLAB // CH
        rem = SLAB - nz * CH
        pltpu.sync_copy(zer_hbm, zb)
        cpi0.wait()
        for b in range(NBUF - 1):
            pltpu.async_copy(table_hbm.at[src_v.at[b]], bufs[b], semg[b])

        for k in range(nz):
            off = pl.multiple_of(base + k * CH, 8)
            pltpu.async_copy(zb, acc.at[pl.ds(off, CH)], sems[k % NBUF])
        offr = pl.multiple_of(base + nz * CH, 8)
        pltpu.async_copy(zb.at[pl.ds(0, rem)], acc.at[pl.ds(offr, rem)],
                         sems[nz % NBUF])

        @pl.when(sid == NS - 1)
        def _():
            off = pl.multiple_of(base + SLAB, 8)
            pltpu.sync_copy(zb.at[pl.ds(0, SLAB_LAST - SLAB)],
                            acc.at[pl.ds(off, SLAB_LAST - SLAB)])

        for k in range(nz):
            off = pl.multiple_of(base + k * CH, 8)
            pltpu.make_async_copy(zb, acc.at[pl.ds(off, CH)],
                                  sems[k % NBUF]).wait()
        pltpu.make_async_copy(zb.at[pl.ds(0, rem)],
                              acc.at[pl.ds(offr, rem)],
                              sems[nz % NBUF]).wait()
        cpi1.wait()
        plsc.subcore_barrier()

        pltpu.async_copy(table_hbm.at[src_v.at[NBUF - 1]],
                         bufs[NBUF - 1], semg[NBUF - 1])

        def body(g, carry):
            c0 = g * NBUF
            for b in range(NBUF):
                c = c0 + b
                pltpu.make_async_copy(table_hbm.at[src_v.at[c]],
                                      bufs[b], semg[b]).wait()
                pltpu.async_copy(bufs[b], acc.at[dst_v.at[c]], sems[b],
                                 add=True)
            for b in range(NBUF):
                nc = c0 + b + NBUF

                @pl.when(nc < NCH)
                def _():
                    pltpu.make_async_copy(bufs[b], acc.at[dst_v.at[c0 + b]],
                                          sems[b]).wait()
                    pltpu.async_copy(table_hbm.at[src_v.at[nc]],
                                     bufs[b], semg[b])
            return carry

        lax.fori_loop(0, NCH // NBUF, body, 0)
        for c in range(NFULL, NCH):
            b = c % NBUF
            pltpu.make_async_copy(table_hbm.at[src_v.at[c]],
                                  bufs[b], semg[b]).wait()
            pltpu.async_copy(bufs[b], acc.at[dst_v.at[c]], sems[b], add=True)
        for c in range(NCH - NBUF, NCH):
            b = c % NBUF
            pltpu.make_async_copy(bufs[b], acc.at[dst_v.at[c]],
                                  sems[b]).wait()
        plsc.subcore_barrier()

        def writeback(out):
            @pl.when(sid < NS - 1)
            def _():
                pltpu.sync_copy(acc.at[pl.ds(base, SLAB)],
                                out.at[pl.ds(base, SLAB)])

            @pl.when(sid == NS - 1)
            def _():
                pltpu.sync_copy(acc.at[pl.ds(base, SLAB_LAST)],
                                out.at[pl.ds(base, SLAB_LAST)])

        @pl.when(cid == 0)
        def _():
            writeback(out0)

        @pl.when(cid == 1)
        def _():
            writeback(out1)

    return spmm(table, src3, dst3, zer)


def _combine_mm(p0, p1, W, b, relu):
    def body(p0_ref, p1_ref, w_ref, b_ref, o_ref):
        s = jnp.dot(p0_ref[...] + p1_ref[...], w_ref[...],
                    preferred_element_type=jnp.float32) + b_ref[...]
        if relu:
            s = jnp.maximum(s, 0.0)
        o_ref[...] = s

    return pl.pallas_call(
        body,
        grid=(NN // MROWS,),
        in_specs=[
            pl.BlockSpec((MROWS, DD), lambda i: (i, 0)),
            pl.BlockSpec((MROWS, DD), lambda i: (i, 0)),
            pl.BlockSpec((DD, DD), lambda i: (0, 0)),
            pl.BlockSpec((1, DD), lambda i: (0, 0)),
        ],
        out_specs=pl.BlockSpec((MROWS, DD), lambda i: (i, 0)),
        out_shape=jax.ShapeDtypeStruct((NN, DD), jnp.float32),
    )(p0, p1, W, b)


def kernel(x, edge_index, W1, b1, W2, b2):
    src3 = edge_index[0].reshape(NW, NCH, CH)
    dst3 = edge_index[1].reshape(NW, NCH, CH)
    zer = jnp.zeros((CH, DD), jnp.float32)
    p0, p1 = _sc_spmm(x, src3, dst3, zer)
    h = _combine_mm(p0, p1, W1, b1.reshape(1, DD), relu=True)
    q0, q1 = _sc_spmm(h, src3, dst3, zer)
    return _combine_mm(q0, q1, W2, b2.reshape(1, DD), relu=False)

# --- scband reference (transcript-rebuilt; emitter-appended) ---
"""Pipeline reference for scband-net-39041252721058 (READ-ONLY COPY).

The authoritative reference and input builder live on the scoring server;
editing this copy changes nothing except your own understanding.
"""

import jax, jax.numpy as jnp
import numpy as np
import math

N = 10000
E = 320000
D_IN = 128
H1 = 128
H2 = 128


def setup_inputs(seed: int = 0) -> dict:
    key = jax.random.key(seed)
    k1, k2, k3, k4, k5, k6 = jax.random.split(key, 6)
    x = jax.random.normal(k1, (N, D_IN), dtype=jnp.float32)
    edge_index = jax.random.randint(k2, (2, E), 0, N, dtype=jnp.int32)
    # GraphConvolution layer 1 params: uniform(-stdv, stdv), stdv = 1/sqrt(out_features)
    stdv1 = 1.0 / math.sqrt(H1)
    W1 = jax.random.uniform(k3, (D_IN, H1), dtype=jnp.float32, minval=-stdv1, maxval=stdv1)
    b1 = jax.random.uniform(k4, (H1,), dtype=jnp.float32, minval=-stdv1, maxval=stdv1)
    # GraphConvolution layer 2 params
    stdv2 = 1.0 / math.sqrt(H2)
    W2 = jax.random.uniform(k5, (H1, H2), dtype=jnp.float32, minval=-stdv2, maxval=stdv2)
    b2 = jax.random.uniform(k6, (H2,), dtype=jnp.float32, minval=-stdv2, maxval=stdv2)
    return {"x": x, "edge_index": edge_index, "W1": W1, "b1": b1, "W2": W2, "b2": b2}


def _spmm_adj(edge_index, h, num_nodes):
    # adjacency (unweighted) spmm: out[dst] += h[src]
    src = edge_index[0]
    dst = edge_index[1]
    msgs = jnp.take(h, src, axis=0)
    return jax.ops.segment_sum(msgs, dst, num_segments=num_nodes)


def reference(x, edge_index, W1, b1, W2, b2):
    # GCN.forward (eval mode, dropout is identity):
    # x = relu(gc1(x, adj)); x = gc2(x, adj)
    # gc(input, adj): support = input @ weight; output = spmm(adj, support) + bias
    support1 = x @ W1
    h = _spmm_adj(edge_index, support1, x.shape[0]) + b1
    h = jax.nn.relu(h)
    support2 = h @ W2
    out = _spmm_adj(edge_index, support2, x.shape[0]) + b2
    return out

if __name__ == "__main__":
    import jax
    _d = setup_inputs()
    print(jax.jit(kernel)(*tuple(_d.values())))

</pallas_src>

<mosaic_0001>
#map = affine_map<(d0, d1) -> (0, 0)>
#map1 = affine_map<(d0, d1) -> (0, 0, 0)>
module attributes {stable_mosaic.version = 14 : i64} {
  func.func @spmm(%arg0: i32, %arg1: i32, %arg2: memref<10000x128xf32, #tpu.memory_space<hbm>>, %arg3: memref<32x250x40xi32, #tpu.memory_space<hbm>>, %arg4: memref<32x250x40xi32, #tpu.memory_space<hbm>>, %arg5: memref<40x128xf32, #tpu.memory_space<hbm>>, %arg6: memref<10000x128xf32, #tpu.memory_space<hbm>>, %arg7: memref<10000x128xf32, #tpu.memory_space<hbm>>, %arg8: memref<250x40xi32, #tpu.memory_space<vmem>>, %arg9: memref<250x40xi32, #tpu.memory_space<vmem>>, %arg10: memref<40x128xf32, #tpu.memory_space<vmem>>, %arg11: memref<40x128xf32, #tpu.memory_space<vmem>>, %arg12: memref<40x128xf32, #tpu.memory_space<vmem>>, %arg13: memref<40x128xf32, #tpu.memory_space<vmem>>, %arg14: memref<40x128xf32, #tpu.memory_space<vmem>>, %arg15: memref<40x128xf32, #tpu.memory_space<vmem>>, %arg16: memref<!tpu.dma_semaphore, #tpu.memory_space<semaphore_mem>>, %arg17: memref<!tpu.dma_semaphore, #tpu.memory_space<semaphore_mem>>, %arg18: memref<!tpu.dma_semaphore, #tpu.memory_space<semaphore_mem>>, %arg19: memref<!tpu.dma_semaphore, #tpu.memory_space<semaphore_mem>>, %arg20: memref<!tpu.dma_semaphore, #tpu.memory_space<semaphore_mem>>, %arg21: memref<!tpu.dma_semaphore, #tpu.memory_space<semaphore_mem>>, %arg22: memref<!tpu.dma_semaphore, #tpu.memory_space<semaphore_mem>>, %arg23: memref<!tpu.dma_semaphore, #tpu.memory_space<semaphore_mem>>, %arg24: memref<!tpu.dma_semaphore, #tpu.memory_space<semaphore_mem>>, %arg25: memref<!tpu.dma_semaphore, #tpu.memory_space<semaphore_mem>>, %arg26: memref<!tpu.dma_semaphore, #tpu.memory_space<semaphore_mem>>, %arg27: memref<!tpu.dma_semaphore, #tpu.memory_space<semaphore_mem>>, %arg28: memref<10000x128xf32, #tpu.memory_space<vmem_shared>>, %arg29: memref<!tpu.dma_semaphore, #tpu.memory_space<semaphore_mem>>) attributes {dimension_semantics = [#tpu.dimension_semantics<core_parallel>, #tpu.dimension_semantics<subcore_parallel>], iteration_bounds = array<i64: 2, 16>, scalar_prefetch = 0 : i64, scratch_operands = 22 : i64, tpu.core_type = #tpu.core_type<sc_vector_subcore>, window_params = [{transform_indices = #map}, {transform_indices = #map1}, {transform_indices = #map1}, {transform_indices = #map}, {transform_indices = #map}, {transform_indices = #map}]} {
    %mul3A = arith.constant 16 : i32
    %mul3A_0 = arith.muli %arg0, %mul3A : i32
    %add3A = arith.addi %mul3A_0, %arg1 : i32
    %mul3A_1 = arith.constant 624 : i32
    %mul3A_2 = arith.muli %arg1, %mul3A_1 : i32
    %multiple_of3A = tpu.assume_multiple %mul3A_2, 8 : i32
    %dma_start3A = arith.constant 0 : i32
    %dma_start3A_3 = arith.constant 0 : i32
    %dma_start3A_4 = tpu.memref_slice %arg3[%add3A, %dma_start3A, %dma_start3A_3] : memref<32x250x40xi32, #tpu.memory_space<hbm>> -> memref<1x250x40xi32, #tpu.memory_space<hbm>>
    %dma_start3A_5 = tpu.memref_squeeze %dma_start3A_4 : memref<1x250x40xi32, #tpu.memory_space<hbm>> -> memref<250x40xi32, #tpu.memory_space<hbm>>
    %dma_start3A_6 = arith.constant 0 : i32
    %dma_start3A_7 = arith.constant 0 : i32
    %dma_start3A_8 = tpu.memref_slice %arg3[%add3A, %dma_start3A_6, %dma_start3A_7] : memref<32x250x40xi32, #tpu.memory_space<hbm>> -> memref<1x250x40xi32, #tpu.memory_space<hbm>>
    %dma_start3A_9 = tpu.memref_squeeze %dma_start3A_8 : memref<1x250x40xi32, #tpu.memory_space<hbm>> -> memref<250x40xi32, #tpu.memory_space<hbm>>
    tpu.enqueue_dma source(%dma_start3A_9 : memref<250x40xi32, #tpu.memory_space<hbm>>) target(%arg8 : memref<250x40xi32, #tpu.memory_space<vmem>>) target_semaphore(%arg29 : memref<!tpu.dma_semaphore, #tpu.memory_space<semaphore_mem>>)
    %dma_start3A_10 = arith.constant 0 : i32
    %dma_start3A_11 = arith.constant 0 : i32
    %dma_start3A_12 = tpu.memref_slice %arg4[%add3A, %dma_start3A_10, %dma_start3A_11] : memref<32x250x40xi32, #tpu.memory_space<hbm>> -> memref<1x250x40xi32, #tpu.memory_space<hbm>>
    %dma_start3A_13 = tpu.memref_squeeze %dma_start3A_12 : memref<1x250x40xi32, #tpu.memory_space<hbm>> -> memref<250x40xi32, #tpu.memory_space<hbm>>
    %dma_start3A_14 = arith.constant 0 : i32
    %dma_start3A_15 = arith.constant 0 : i32
    %dma_start3A_16 = tpu.memref_slice %arg4[%add3A, %dma_start3A_14, %dma_start3A_15] : memref<32x250x40xi32, #tpu.memory_space<hbm>> -> memref<1x250x40xi32, #tpu.memory_space<hbm>>
    %dma_start3A_17 = tpu.memref_squeeze %dma_start3A_16 : memref<1x250x40xi32, #tpu.memory_space<hbm>> -> memref<250x40xi32, #tpu.memory_space<hbm>>
    tpu.enqueue_dma source(%dma_start3A_17 : memref<250x40xi32, #tpu.memory_space<hbm>>) target(%arg9 : memref<250x40xi32, #tpu.memory_space<vmem>>) target_semaphore(%arg29 : memref<!tpu.dma_semaphore, #tpu.memory_space<semaphore_mem>>)
    "tpu.region"() ({
      %run_scoped3A = tpu.sem_alloc : memref<!tpu.dma_semaphore, #tpu.memory_space<semaphore_mem>>
      tpu.enqueue_dma source(%arg5 : memref<40x128xf32, #tpu.memory_space<hbm>>) target(%arg15 : memref<40x128xf32, #tpu.memory_space<vmem>>) target_semaphore(%run_scoped3A : memref<!tpu.dma_semaphore, #tpu.memory_space<semaphore_mem>>)
      tpu.wait_dma2 semaphore(%run_scoped3A : memref<!tpu.dma_semaphore, #tpu.memory_space<semaphore_mem>>) src(%arg5 : memref<40x128xf32, #tpu.memory_space<hbm>>) dst(%arg15 : memref<40x128xf32, #tpu.memory_space<vmem>>)
      tpu.yield
    }) : () -> ()
    %dma_wait3A = arith.constant 0 : i32
    %dma_wait3A_18 = arith.constant 0 : i32
    %dma_wait3A_19 = tpu.memref_slice %arg3[%add3A, %dma_wait3A, %dma_wait3A_18] : memref<32x250x40xi32, #tpu.memory_space<hbm>> -> memref<1x250x40xi32, #tpu.memory_space<hbm>>
    %dma_wait3A_20 = tpu.memref_squeeze %dma_wait3A_19 : memref<1x250x40xi32, #tpu.memory_space<hbm>> -> memref<250x40xi32, #tpu.memory_space<hbm>>
    %dma_wait3A_21 = arith.constant 0 : i32
    %dma_wait3A_22 = arith.constant 0 : i32
    %dma_wait3A_23 = tpu.memref_slice %arg3[%add3A, %dma_wait3A_21, %dma_wait3A_22] : memref<32x250x40xi32, #tpu.memory_space<hbm>> -> memref<1x250x40xi32, #tpu.memory_space<hbm>>
    %dma_wait3A_24 = tpu.memref_squeeze %dma_wait3A_23 : memref<1x250x40xi32, #tpu.memory_space<hbm>> -> memref<250x40xi32, #tpu.memory_space<hbm>>
    tpu.wait_dma2 semaphore(%arg29 : memref<!tpu.dma_semaphore, #tpu.memory_space<semaphore_mem>>) src(%dma_wait3A_24 : memref<250x40xi32, #tpu.memory_space<hbm>>) dst(%arg8 : memref<250x40xi32, #tpu.memory_space<vmem>>)
    %dma_start3A_25 = arith.constant 0 : i32
    %dma_start3A_26 = arith.constant 0 : i32
    %dma_start3A_27 = tpu.memref_slice %arg8[%dma_start3A_25, %dma_start3A_26] : memref<250x40xi32, #tpu.memory_space<vmem>> -> memref<1x40xi32, #tpu.memory_space<vmem>>
    %dma_start3A_28 = tpu.memref_squeeze %dma_start3A_27 : memref<1x40xi32, #tpu.memory_space<vmem>> -> memref<40xi32, #tpu.memory_space<vmem>>
    %dma_start3A_29 = arith.constant 0 : i32
    %dma_start3A_30 = arith.constant 0 : i32
    %dma_start3A_31 = tpu.memref_slice %arg2[%dma_start3A_29, %dma_start3A_30] : memref<10000x128xf32, #tpu.memory_space<hbm>> -> memref<10000x128xf32, #tpu.memory_space<hbm>>
    tpu.enqueue_indirect_dma source(%dma_start3A_31 : memref<10000x128xf32, #tpu.memory_space<hbm>>) target(%arg10 : memref<40x128xf32, #tpu.memory_space<vmem>>) offsets(%dma_start3A_28 : memref<40xi32, #tpu.memory_space<vmem>>) semaphore(%arg16 : memref<!tpu.dma_semaphore, #tpu.memory_space<semaphore_mem>>)
    %dma_start3A_32 = arith.constant 1 : i32
    %dma_start3A_33 = arith.constant 0 : i32
    %dma_start3A_34 = tpu.memref_slice %arg8[%dma_start3A_32, %dma_start3A_33] : memref<250x40xi32, #tpu.memory_space<vmem>> -> memref<1x40xi32, #tpu.memory_space<vmem>>
    %dma_start3A_35 = tpu.memref_squeeze %dma_start3A_34 : memref<1x40xi32, #tpu.memory_space<vmem>> -> memref<40xi32, #tpu.memory_space<vmem>>
    %dma_start3A_36 = arith.constant 0 : i32
    %dma_start3A_37 = arith.constant 0 : i32
    %dma_start3A_38 = tpu.memref_slice %arg2[%dma_start3A_36, %dma_start3A_37] : memref<10000x128xf32, #tpu.memory_space<hbm>> -> memref<10000x128xf32, #tpu.memory_space<hbm>>
    tpu.enqueue_indirect_dma source(%dma_start3A_38 : memref<10000x128xf32, #tpu.memory_space<hbm>>) target(%arg11 : memref<40x128xf32, #tpu.memory_space<vmem>>) offsets(%dma_start3A_35 : memref<40xi32, #tpu.memory_space<vmem>>) semaphore(%arg17 : memref<!tpu.dma_semaphore, #tpu.memory_space<semaphore_mem>>)
    %dma_start3A_39 = arith.constant 2 : i32
    %dma_start3A_40 = arith.constant 0 : i32
    %dma_start3A_41 = tpu.memref_slice %arg8[%dma_start3A_39, %dma_start3A_40] : memref<250x40xi32, #tpu.memory_space<vmem>> -> memref<1x40xi32, #tpu.memory_space<vmem>>
    %dma_start3A_42 = tpu.memref_squeeze %dma_start3A_41 : memref<1x40xi32, #tpu.memory_space<vmem>> -> memref<40xi32, #tpu.memory_space<vmem>>
    %dma_start3A_43 = arith.constant 0 : i32
    %dma_start3A_44 = arith.constant 0 : i32
    %dma_start3A_45 = tpu.memref_slice %arg2[%dma_start3A_43, %dma_start3A_44] : memref<10000x128xf32, #tpu.memory_space<hbm>> -> memref<10000x128xf32, #tpu.memory_space<hbm>>
    tpu.enqueue_indirect_dma source(%dma_start3A_45 : memref<10000x128xf32, #tpu.memory_space<hbm>>) target(%arg12 : memref<40x128xf32, #tpu.memory_space<vmem>>) offsets(%dma_start3A_42 : memref<40xi32, #tpu.memory_space<vmem>>) semaphore(%arg18 : memref<!tpu.dma_semaphore, #tpu.memory_space<semaphore_mem>>)
    %dma_start3A_46 = arith.constant 3 : i32
    %dma_start3A_47 = arith.constant 0 : i32
    %dma_start3A_48 = tpu.memref_slice %arg8[%dma_start3A_46, %dma_start3A_47] : memref<250x40xi32, #tpu.memory_space<vmem>> -> memref<1x40xi32, #tpu.memory_space<vmem>>
    %dma_start3A_49 = tpu.memref_squeeze %dma_start3A_48 : memref<1x40xi32, #tpu.memory_space<vmem>> -> memref<40xi32, #tpu.memory_space<vmem>>
    %dma_start3A_50 = arith.constant 0 : i32
    %dma_start3A_51 = arith.constant 0 : i32
    %dma_start3A_52 = tpu.memref_slice %arg2[%dma_start3A_50, %dma_start3A_51] : memref<10000x128xf32, #tpu.memory_space<hbm>> -> memref<10000x128xf32, #tpu.memory_space<hbm>>
    tpu.enqueue_indirect_dma source(%dma_start3A_52 : memref<10000x128xf32, #tpu.memory_space<hbm>>) target(%arg13 : memref<40x128xf32, #tpu.memory_space<vmem>>) offsets(%dma_start3A_49 : memref<40xi32, #tpu.memory_space<vmem>>) semaphore(%arg19 : memref<!tpu.dma_semaphore, #tpu.memory_space<semaphore_mem>>)
    %dma_start3A_53 = arith.constant 4 : i32
    %dma_start3A_54 = arith.constant 0 : i32
    %dma_start3A_55 = tpu.memref_slice %arg8[%dma_start3A_53, %dma_start3A_54] : memref<250x40xi32, #tpu.memory_space<vmem>> -> memref<1x40xi32, #tpu.memory_space<vmem>>
    %dma_start3A_56 = tpu.memref_squeeze %dma_start3A_55 : memref<1x40xi32, #tpu.memory_space<vmem>> -> memref<40xi32, #tpu.memory_space<vmem>>
    %dma_start3A_57 = arith.constant 0 : i32
    %dma_start3A_58 = arith.constant 0 : i32
    %dma_start3A_59 = tpu.memref_slice %arg2[%dma_start3A_57, %dma_start3A_58] : memref<10000x128xf32, #tpu.memory_space<hbm>> -> memref<10000x128xf32, #tpu.memory_space<hbm>>
    tpu.enqueue_indirect_dma source(%dma_start3A_59 : memref<10000x128xf32, #tpu.memory_space<hbm>>) target(%arg14 : memref<40x128xf32, #tpu.memory_space<vmem>>) offsets(%dma_start3A_56 : memref<40xi32, #tpu.memory_space<vmem>>) semaphore(%arg20 : memref<!tpu.dma_semaphore, #tpu.memory_space<semaphore_mem>>)
    %add3A_60 = arith.constant 0 : i32
    %add3A_61 = arith.addi %multiple_of3A, %add3A_60 : i32
    %multiple_of3A_62 = tpu.assume_multiple %add3A_61, 8 : i32
    %dma_start3A_63 = arith.constant 0 : i32
    %dma_start3A_64 = tpu.memref_slice %arg28[%multiple_of3A_62, %dma_start3A_63] : memref<10000x128xf32, #tpu.memory_space<vmem_shared>> -> memref<40x128xf32, #tpu.memory_space<vmem_shared>>
    %dma_start3A_65 = arith.constant 0 : i32
    %dma_start3A_66 = tpu.memref_slice %arg28[%multiple_of3A_62, %dma_start3A_65] : memref<10000x128xf32, #tpu.memory_space<vmem_shared>> -> memref<40x128xf32, #tpu.memory_space<vmem_shared>>
    tpu.enqueue_dma source(%arg15 : memref<40x128xf32, #tpu.memory_space<vmem>>) target(%dma_start3A_66 : memref<40x128xf32, #tpu.memory_space<vmem_shared>>) target_semaphore(%arg22 : memref<!tpu.dma_semaphore, #tpu.memory_space<semaphore_mem>>)
    %add3A_67 = arith.constant 40 : i32
    %add3A_68 = arith.addi %multiple_of3A, %add3A_67 : i32
    %multiple_of3A_69 = tpu.assume_multiple %add3A_68, 8 : i32
    %dma_start3A_70 = arith.constant 0 : i32
    %dma_start3A_71 = tpu.memref_slice %arg28[%multiple_of3A_69, %dma_start3A_70] : memref<10000x128xf32, #tpu.memory_space<vmem_shared>> -> memref<40x128xf32, #tpu.memory_space<vmem_shared>>
    %dma_start3A_72 = arith.constant 0 : i32
    %dma_start3A_73 = tpu.memref_slice %arg28[%multiple_of3A_69, %dma_start3A_72] : memref<10000x128xf32, #tpu.memory_space<vmem_shared>> -> memref<40x128xf32, #tpu.memory_space<vmem_shared>>
    tpu.enqueue_dma source(%arg15 : memref<40x128xf32, #tpu.memory_space<vmem>>) target(%dma_start3A_73 : memref<40x128xf32, #tpu.memory_space<vmem_shared>>) target_semaphore(%arg23 : memref<!tpu.dma_semaphore, #tpu.memory_space<semaphore_mem>>)
    %add3A_74 = arith.constant 80 : i32
    %add3A_75 = arith.addi %multiple_of3A, %add3A_74 : i32
    %multiple_of3A_76 = tpu.assume_multiple %add3A_75, 8 : i32
    %dma_start3A_77 = arith.constant 0 : i32
    %dma_start3A_78 = tpu.memref_slice %arg28[%multiple_of3A_76, %dma_start3A_77] : memref<10000x128xf32, #tpu.memory_space<vmem_shared>> -> memref<40x128xf32, #tpu.memory_space<vmem_shared>>
    %dma_start3A_79 = arith.constant 0 : i32
    %dma_start3A_80 = tpu.memref_slice %arg28[%multiple_of3A_76, %dma_start3A_79] : memref<10000x128xf32, #tpu.memory_space<vmem_shared>> -> memref<40x128xf32, #tpu.memory_space<vmem_shared>>
    tpu.enqueue_dma source(%arg15 : memref<40x128xf32, #tpu.memory_space<vmem>>) target(%dma_start3A_80 : memref<40x128xf32, #tpu.memory_space<vmem_shared>>) target_semaphore(%arg24 : memref<!tpu.dma_semaphore, #tpu.memory_space<semaphore_mem>>)
    %add3A_81 = arith.constant 120 : i32
    %add3A_82 = arith.addi %multiple_of3A, %add3A_81 : i32
    %multiple_of3A_83 = tpu.assume_multiple %add3A_82, 8 : i32
    %dma_start3A_84 = arith.constant 0 : i32
    %dma_start3A_85 = tpu.memref_slice %arg28[%multiple_of3A_83, %dma_start3A_84] : memref<10000x128xf32, #tpu.memory_space<vmem_shared>> -> memref<40x128xf32, #tpu.memory_space<vmem_shared>>
    %dma_start3A_86 = arith.constant 0 : i32
    %dma_start3A_87 = tpu.memref_slice %arg28[%multiple_of3A_83, %dma_start3A_86] : memref<10000x128xf32, #tpu.memory_space<vmem_shared>> -> memref<40x128xf32, #tpu.memory_space<vmem_shared>>
    tpu.enqueue_dma source(%arg15 : memref<40x128xf32, #tpu.memory_space<vmem>>) target(%dma_start3A_87 : memref<40x128xf32, #tpu.memory_space<vmem_shared>>) target_semaphore(%arg25 : memref<!tpu.dma_semaphore, #tpu.memory_space<semaphore_mem>>)
    %add3A_88 = arith.constant 160 : i32
    %add3A_89 = arith.addi %multiple_of3A, %add3A_88 : i32
    %multiple_of3A_90 = tpu.assume_multiple %add3A_89, 8 : i32
    %dma_start3A_91 = arith.constant 0 : i32
    %dma_start3A_92 = tpu.memref_slice %arg28[%multiple_of3A_90, %dma_start3A_91] : memref<10000x128xf32, #tpu.memory_space<vmem_shared>> -> memref<40x128xf32, #tpu.memory_space<vmem_shared>>
    %dma_start3A_93 = arith.constant 0 : i32
    %dma_start3A_94 = tpu.memref_slice %arg28[%multiple_of3A_90, %dma_start3A_93] : memref<10000x128xf32, #tpu.memory_space<vmem_shared>> -> memref<40x128xf32, #tpu.memory_space<vmem_shared>>
    tpu.enqueue_dma source(%arg15 : memref<40x128xf32, #tpu.memory_space<vmem>>) target(%dma_start3A_94 : memref<40x128xf32, #tpu.memory_space<vmem_shared>>) target_semaphore(%arg26 : memref<!tpu.dma_semaphore, #tpu.memory_space<semaphore_mem>>)
    %add3A_95 = arith.constant 200 : i32
    %add3A_96 = arith.addi %multiple_of3A, %add3A_95 : i32
    %multiple_of3A_97 = tpu.assume_multiple %add3A_96, 8 : i32
    %dma_start3A_98 = arith.constant 0 : i32
    %dma_start3A_99 = tpu.memref_slice %arg28[%multiple_of3A_97, %dma_start3A_98] : memref<10000x128xf32, #tpu.memory_space<vmem_shared>> -> memref<40x128xf32, #tpu.memory_space<vmem_shared>>
    %dma_start3A_100 = arith.constant 0 : i32
    %dma_start3A_101 = tpu.memref_slice %arg28[%multiple_of3A_97, %dma_start3A_100] : memref<10000x128xf32, #tpu.memory_space<vmem_shared>> -> memref<40x128xf32, #tpu.memory_space<vmem_shared>>
    tpu.enqueue_dma source(%arg15 : memref<40x128xf32, #tpu.memory_space<vmem>>) target(%dma_start3A_101 : memref<40x128xf32, #tpu.memory_space<vmem_shared>>) target_semaphore(%arg27 : memref<!tpu.dma_semaphore, #tpu.memory_space<semaphore_mem>>)
    %add3A_102 = arith.constant 240 : i32
    %add3A_103 = arith.addi %multiple_of3A, %add3A_102 : i32
    %multiple_of3A_104 = tpu.assume_multiple %add3A_103, 8 : i32
    %dma_start3A_105 = arith.constant 0 : i32
    %dma_start3A_106 = tpu.memref_slice %arg28[%multiple_of3A_104, %dma_start3A_105] : memref<10000x128xf32, #tpu.memory_space<vmem_shared>> -> memref<40x128xf32, #tpu.memory_space<vmem_shared>>
    %dma_start3A_107 = arith.constant 0 : i32
    %dma_start3A_108 = tpu.memref_slice %arg28[%multiple_of3A_104, %dma_start3A_107] : memref<10000x128xf32, #tpu.memory_space<vmem_shared>> -> memref<40x128xf32, #tpu.memory_space<vmem_shared>>
    tpu.enqueue_dma source(%arg15 : memref<40x128xf32, #tpu.memory_space<vmem>>) target(%dma_start3A_108 : memref<40x128xf32, #tpu.memory_space<vmem_shared>>) target_semaphore(%arg22 : memref<!tpu.dma_semaphore, #tpu.memory_space<semaphore_mem>>)
    %add3A_109 = arith.constant 280 : i32
    %add3A_110 = arith.addi %multiple_of3A, %add3A_109 : i32
    %multiple_of3A_111 = tpu.assume_multiple %add3A_110, 8 : i32
    %dma_start3A_112 = arith.constant 0 : i32
    %dma_start3A_113 = tpu.memref_slice %arg28[%multiple_of3A_111, %dma_start3A_112] : memref<10000x128xf32, #tpu.memory_space<vmem_shared>> -> memref<40x128xf32, #tpu.memory_space<vmem_shared>>
    %dma_start3A_114 = arith.constant 0 : i32
    %dma_start3A_115 = tpu.memref_slice %arg28[%multiple_of3A_111, %dma_start3A_114] : memref<10000x128xf32, #tpu.memory_space<vmem_shared>> -> memref<40x128xf32, #tpu.memory_space<vmem_shared>>
    tpu.enqueue_dma source(%arg15 : memref<40x128xf32, #tpu.memory_space<vmem>>) target(%dma_start3A_115 : memref<40x128xf32, #tpu.memory_space<vmem_shared>>) target_semaphore(%arg23 : memref<!tpu.dma_semaphore, #tpu.memory_space<semaphore_mem>>)
    %add3A_116 = arith.constant 320 : i32
    %add3A_117 = arith.addi %multiple_of3A, %add3A_116 : i32
    %multiple_of3A_118 = tpu.assume_multiple %add3A_117, 8 : i32
    %dma_start3A_119 = arith.constant 0 : i32
    %dma_start3A_120 = tpu.memref_slice %arg28[%multiple_of3A_118, %dma_start3A_119] : memref<10000x128xf32, #tpu.memory_space<vmem_shared>> -> memref<40x128xf32, #tpu.memory_space<vmem_shared>>
    %dma_start3A_121 = arith.constant 0 : i32
    %dma_start3A_122 = tpu.memref_slice %arg28[%multiple_of3A_118, %dma_start3A_121] : memref<10000x128xf32, #tpu.memory_space<vmem_shared>> -> memref<40x128xf32, #tpu.memory_space<vmem_shared>>
    tpu.enqueue_dma source(%arg15 : memref<40x128xf32, #tpu.memory_space<vmem>>) target(%dma_start3A_122 : memref<40x128xf32, #tpu.memory_space<vmem_shared>>) target_semaphore(%arg24 : memref<!tpu.dma_semaphore, #tpu.memory_space<semaphore_mem>>)
    %add3A_123 = arith.constant 360 : i32
    %add3A_124 = arith.addi %multiple_of3A, %add3A_123 : i32
    %multiple_of3A_125 = tpu.assume_multiple %add3A_124, 8 : i32
    %dma_start3A_126 = arith.constant 0 : i32
    %dma_start3A_127 = tpu.memref_slice %arg28[%multiple_of3A_125, %dma_start3A_126] : memref<10000x128xf32, #tpu.memory_space<vmem_shared>> -> memref<40x128xf32, #tpu.memory_space<vmem_shared>>
    %dma_start3A_128 = arith.constant 0 : i32
    %dma_start3A_129 = tpu.memref_slice %arg28[%multiple_of3A_125, %dma_start3A_128] : memref<10000x128xf32, #tpu.memory_space<vmem_shared>> -> memref<40x128xf32, #tpu.memory_space<vmem_shared>>
    tpu.enqueue_dma source(%arg15 : memref<40x128xf32, #tpu.memory_space<vmem>>) target(%dma_start3A_129 : memref<40x128xf32, #tpu.memory_space<vmem_shared>>) target_semaphore(%arg25 : memref<!tpu.dma_semaphore, #tpu.memory_space<semaphore_mem>>)
    %add3A_130 = arith.constant 400 : i32
    %add3A_131 = arith.addi %multiple_of3A, %add3A_130 : i32
    %multiple_of3A_132 = tpu.assume_multiple %add3A_131, 8 : i32
    %dma_start3A_133 = arith.constant 0 : i32
    %dma_start3A_134 = tpu.memref_slice %arg28[%multiple_of3A_132, %dma_start3A_133] : memref<10000x128xf32, #tpu.memory_space<vmem_shared>> -> memref<40x128xf32, #tpu.memory_space<vmem_shared>>
    %dma_start3A_135 = arith.constant 0 : i32
    %dma_start3A_136 = tpu.memref_slice %arg28[%multiple_of3A_132, %dma_start3A_135] : memref<10000x128xf32, #tpu.memory_space<vmem_shared>> -> memref<40x128xf32, #tpu.memory_space<vmem_shared>>
    tpu.enqueue_dma source(%arg15 : memref<40x128xf32, #tpu.memory_space<vmem>>) target(%dma_start3A_136 : memref<40x128xf32, #tpu.memory_space<vmem_shared>>) target_semaphore(%arg26 : memref<!tpu.dma_semaphore, #tpu.memory_space<semaphore_mem>>)
    %add3A_137 = arith.constant 440 : i32
    %add3A_138 = arith.addi %multiple_of3A, %add3A_137 : i32
    %multiple_of3A_139 = tpu.assume_multiple %add3A_138, 8 : i32
    %dma_start3A_140 = arith.constant 0 : i32
    %dma_start3A_141 = tpu.memref_slice %arg28[%multiple_of3A_139, %dma_start3A_140] : memref<10000x128xf32, #tpu.memory_space<vmem_shared>> -> memref<40x128xf32, #tpu.memory_space<vmem_shared>>
    %dma_start3A_142 = arith.constant 0 : i32
    %dma_start3A_143 = tpu.memref_slice %arg28[%multiple_of3A_139, %dma_start3A_142] : memref<10000x128xf32, #tpu.memory_space<vmem_shared>> -> memref<40x128xf32, #tpu.memory_space<vmem_shared>>
    tpu.enqueue_dma source(%arg15 : memref<40x128xf32, #tpu.memory_space<vmem>>) target(%dma_start3A_143 : memref<40x128xf32, #tpu.memory_space<vmem_shared>>) target_semaphore(%arg27 : memref<!tpu.dma_semaphore, #tpu.memory_space<semaphore_mem>>)
    %add3A_144 = arith.constant 480 : i32
    %add3A_145 = arith.addi %multiple_of3A, %add3A_144 : i32
    %multiple_of3A_146 = tpu.assume_multiple %add3A_145, 8 : i32
    %dma_start3A_147 = arith.constant 0 : i32
    %dma_start3A_148 = tpu.memref_slice %arg28[%multiple_of3A_146, %dma_start3A_147] : memref<10000x128xf32, #tpu.memory_space<vmem_shared>> -> memref<40x128xf32, #tpu.memory_space<vmem_shared>>
    %dma_start3A_149 = arith.constant 0 : i32
    %dma_start3A_150 = tpu.memref_slice %arg28[%multiple_of3A_146, %dma_start3A_149] : memref<10000x128xf32, #tpu.memory_space<vmem_shared>> -> memref<40x128xf32, #tpu.memory_space<vmem_shared>>
    tpu.enqueue_dma source(%arg15 : memref<40x128xf32, #tpu.memory_space<vmem>>) target(%dma_start3A_150 : memref<40x128xf32, #tpu.memory_space<vmem_shared>>) target_semaphore(%arg22 : memref<!tpu.dma_semaphore, #tpu.memory_space<semaphore_mem>>)
    %add3A_151 = arith.constant 520 : i32
    %add3A_152 = arith.addi %multiple_of3A, %add3A_151 : i32
    %multiple_of3A_153 = tpu.assume_multiple %add3A_152, 8 : i32
    %dma_start3A_154 = arith.constant 0 : i32
    %dma_start3A_155 = tpu.memref_slice %arg28[%multiple_of3A_153, %dma_start3A_154] : memref<10000x128xf32, #tpu.memory_space<vmem_shared>> -> memref<40x128xf32, #tpu.memory_space<vmem_shared>>
    %dma_start3A_156 = arith.constant 0 : i32
    %dma_start3A_157 = tpu.memref_slice %arg28[%multiple_of3A_153, %dma_start3A_156] : memref<10000x128xf32, #tpu.memory_space<vmem_shared>> -> memref<40x128xf32, #tpu.memory_space<vmem_shared>>
    tpu.enqueue_dma source(%arg15 : memref<40x128xf32, #tpu.memory_space<vmem>>) target(%dma_start3A_157 : memref<40x128xf32, #tpu.memory_space<vmem_shared>>) target_semaphore(%arg23 : memref<!tpu.dma_semaphore, #tpu.memory_space<semaphore_mem>>)
    %add3A_158 = arith.constant 560 : i32
    %add3A_159 = arith.addi %multiple_of3A, %add3A_158 : i32
    %multiple_of3A_160 = tpu.assume_multiple %add3A_159, 8 : i32
    %dma_start3A_161 = arith.constant 0 : i32
    %dma_start3A_162 = tpu.memref_slice %arg28[%multiple_of3A_160, %dma_start3A_161] : memref<10000x128xf32, #tpu.memory_space<vmem_shared>> -> memref<40x128xf32, #tpu.memory_space<vmem_shared>>
    %dma_start3A_163 = arith.constant 0 : i32
    %dma_start3A_164 = tpu.memref_slice %arg28[%multiple_of3A_160, %dma_start3A_163] : memref<10000x128xf32, #tpu.memory_space<vmem_shared>> -> memref<40x128xf32, #tpu.memory_space<vmem_shared>>
    tpu.enqueue_dma source(%arg15 : memref<40x128xf32, #tpu.memory_space<vmem>>) target(%dma_start3A_164 : memref<40x128xf32, #tpu.memory_space<vmem_shared>>) target_semaphore(%arg24 : memref<!tpu.dma_semaphore, #tpu.memory_space<semaphore_mem>>)
    %add3A_165 = arith.constant 600 : i32
    %add3A_166 = arith.addi %multiple_of3A, %add3A_165 : i32
    %multiple_of3A_167 = tpu.assume_multiple %add3A_166, 8 : i32
    %dma_start3A_168 = arith.constant 0 : i32
    %dma_start3A_169 = arith.constant 0 : i32
    %dma_start3A_170 = tpu.memref_slice %arg15[%dma_start3A_168, %dma_start3A_169] : memref<40x128xf32, #tpu.memory_space<vmem>> -> memref<24x128xf32, #tpu.memory_space<vmem>>
    %dma_start3A_171 = arith.constant 0 : i32
    %dma_start3A_172 = tpu.memref_slice %arg28[%multiple_of3A_167, %dma_start3A_171] : memref<10000x128xf32, #tpu.memory_space<vmem_shared>> -> memref<24x128xf32, #tpu.memory_space<vmem_shared>>
    %dma_start3A_173 = arith.constant 0 : i32
    %dma_start3A_174 = tpu.memref_slice %arg28[%multiple_of3A_167, %dma_start3A_173] : memref<10000x128xf32, #tpu.memory_space<vmem_shared>> -> memref<24x128xf32, #tpu.memory_space<vmem_shared>>
    %dma_start3A_175 = arith.constant 0 : i32
    %dma_start3A_176 = arith.constant 0 : i32
    %dma_start3A_177 = tpu.memref_slice %arg15[%dma_start3A_175, %dma_start3A_176] : memref<40x128xf32, #tpu.memory_space<vmem>> -> memref<24x128xf32, #tpu.memory_space<vmem>>
    tpu.enqueue_dma source(%dma_start3A_177 : memref<24x128xf32, #tpu.memory_space<vmem>>) target(%dma_start3A_174 : memref<24x128xf32, #tpu.memory_space<vmem_shared>>) target_semaphore(%arg25 : memref<!tpu.dma_semaphore, #tpu.memory_space<semaphore_mem>>)
    %eq3A = arith.constant 15 : i32
    %eq3A_178 = arith.cmpi eq, %arg1, %eq3A : i32
    %convert_element_type3A = arith.extui %eq3A_178 : i1 to i32
    %cond3A = arith.constant 0 : i32
    %cond3A_179 = arith.cmpi ne, %convert_element_type3A, %cond3A : i32
    scf.if %cond3A_179 {
      %add3A_424 = arith.constant 624 : i32
      %add3A_425 = arith.addi %multiple_of3A, %add3A_424 : i32
      %multiple_of3A_426 = tpu.assume_multiple %add3A_425, 8 : i32
      "tpu.region"() ({
        %run_scoped3A = tpu.sem_alloc : memref<!tpu.dma_semaphore, #tpu.memory_space<semaphore_mem>>
        %dma_start3A_427 = arith.constant 0 : i32
        %dma_start3A_428 = arith.constant 0 : i32
        %dma_start3A_429 = tpu.memref_slice %arg15[%dma_start3A_427, %dma_start3A_428] : memref<40x128xf32, #tpu.memory_space<vmem>> -> memref<16x128xf32, #tpu.memory_space<vmem>>
        %dma_start3A_430 = arith.constant 0 : i32
        %dma_start3A_431 = tpu.memref_slice %arg28[%multiple_of3A_426, %dma_start3A_430] : memref<10000x128xf32, #tpu.memory_space<vmem_shared>> -> memref<16x128xf32, #tpu.memory_space<vmem_shared>>
        %dma_start3A_432 = arith.constant 0 : i32
        %dma_start3A_433 = tpu.memref_slice %arg28[%multiple_of3A_426, %dma_start3A_432] : memref<10000x128xf32, #tpu.memory_space<vmem_shared>> -> memref<16x128xf32, #tpu.memory_space<vmem_shared>>
        %dma_start3A_434 = arith.constant 0 : i32
        %dma_start3A_435 = arith.constant 0 : i32
        %dma_start3A_436 = tpu.memref_slice %arg15[%dma_start3A_434, %dma_start3A_435] : memref<40x128xf32, #tpu.memory_space<vmem>> -> memref<16x128xf32, #tpu.memory_space<vmem>>
        tpu.enqueue_dma source(%dma_start3A_436 : memref<16x128xf32, #tpu.memory_space<vmem>>) target(%dma_start3A_433 : memref<16x128xf32, #tpu.memory_space<vmem_shared>>) target_semaphore(%run_scoped3A : memref<!tpu.dma_semaphore, #tpu.memory_space<semaphore_mem>>)
        %dma_wait3A_437 = arith.constant 0 : i32
        %dma_wait3A_438 = arith.constant 0 : i32
        %dma_wait3A_439 = tpu.memref_slice %arg15[%dma_wait3A_437, %dma_wait3A_438] : memref<40x128xf32, #tpu.memory_space<vmem>> -> memref<16x128xf32, #tpu.memory_space<vmem>>
        %dma_wait3A_440 = arith.constant 0 : i32
        %dma_wait3A_441 = tpu.memref_slice %arg28[%multiple_of3A_426, %dma_wait3A_440] : memref<10000x128xf32, #tpu.memory_space<vmem_shared>> -> memref<16x128xf32, #tpu.memory_space<vmem_shared>>
        %dma_wait3A_442 = arith.constant 0 : i32
        %dma_wait3A_443 = tpu.memref_slice %arg28[%multiple_of3A_426, %dma_wait3A_442] : memref<10000x128xf32, #tpu.memory_space<vmem_shared>> -> memref<16x128xf32, #tpu.memory_space<vmem_shared>>
        %dma_wait3A_444 = arith.constant 0 : i32
        %dma_wait3A_445 = arith.constant 0 : i32
        %dma_wait3A_446 = tpu.memref_slice %arg15[%dma_wait3A_444, %dma_wait3A_445] : memref<40x128xf32, #tpu.memory_space<vmem>> -> memref<16x128xf32, #tpu.memory_space<vmem>>
        tpu.wait_dma2 semaphore(%run_scoped3A : memref<!tpu.dma_semaphore, #tpu.memory_space<semaphore_mem>>) src(%dma_wait3A_446 : memref<16x128xf32, #tpu.memory_space<vmem>>) dst(%dma_wait3A_443 : memref<16x128xf32, #tpu.memory_space<vmem_shared>>)
        tpu.yield
      }) : () -> ()
    } else {
    }
    %add3A_180 = arith.constant 0 : i32
    %add3A_181 = arith.addi %multiple_of3A, %add3A_180 : i32
    %multiple_of3A_182 = tpu.assume_multiple %add3A_181, 8 : i32
    %dma_wait3A_183 = arith.constant 0 : i32
    %dma_wait3A_184 = tpu.memref_slice %arg28[%multiple_of3A_182, %dma_wait3A_183] : memref<10000x128xf32, #tpu.memory_space<vmem_shared>> -> memref<40x128xf32, #tpu.memory_space<vmem_shared>>
    %dma_wait3A_185 = arith.constant 0 : i32
    %dma_wait3A_186 = tpu.memref_slice %arg28[%multiple_of3A_182, %dma_wait3A_185] : memref<10000x128xf32, #tpu.memory_space<vmem_shared>> -> memref<40x128xf32, #tpu.memory_space<vmem_shared>>
    tpu.wait_dma2 semaphore(%arg22 : memref<!tpu.dma_semaphore, #tpu.memory_space<semaphore_mem>>) src(%arg15 : memref<40x128xf32, #tpu.memory_space<vmem>>) dst(%dma_wait3A_186 : memref<40x128xf32, #tpu.memory_space<vmem_shared>>)
    %add3A_187 = arith.constant 40 : i32
    %add3A_188 = arith.addi %multiple_of3A, %add3A_187 : i32
    %multiple_of3A_189 = tpu.assume_multiple %add3A_188, 8 : i32
    %dma_wait3A_190 = arith.constant 0 : i32
    %dma_wait3A_191 = tpu.memref_slice %arg28[%multiple_of3A_189, %dma_wait3A_190] : memref<10000x128xf32, #tpu.memory_space<vmem_shared>> -> memref<40x128xf32, #tpu.memory_space<vmem_shared>>
    %dma_wait3A_192 = arith.constant 0 : i32
    %dma_wait3A_193 = tpu.memref_slice %arg28[%multiple_of3A_189, %dma_wait3A_192] : memref<10000x128xf32, #tpu.memory_space<vmem_shared>> -> memref<40x128xf32, #tpu.memory_space<vmem_shared>>
    tpu.wait_dma2 semaphore(%arg23 : memref<!tpu.dma_semaphore, #tpu.memory_space<semaphore_mem>>) src(%arg15 : memref<40x128xf32, #tpu.memory_space<vmem>>) dst(%dma_wait3A_193 : memref<40x128xf32, #tpu.memory_space<vmem_shared>>)
    %add3A_194 = arith.constant 80 : i32
    %add3A_195 = arith.addi %multiple_of3A, %add3A_194 : i32
    %multiple_of3A_196 = tpu.assume_multiple %add3A_195, 8 : i32
    %dma_wait3A_197 = arith.constant 0 : i32
    %dma_wait3A_198 = tpu.memref_slice %arg28[%multiple_of3A_196, %dma_wait3A_197] : memref<10000x128xf32, #tpu.memory_space<vmem_shared>> -> memref<40x128xf32, #tpu.memory_space<vmem_shared>>
    %dma_wait3A_199 = arith.constant 0 : i32
    %dma_wait3A_200 = tpu.memref_slice %arg28[%multiple_of3A_196, %dma_wait3A_199] : memref<10000x128xf32, #tpu.memory_space<vmem_shared>> -> memref<40x128xf32, #tpu.memory_space<vmem_shared>>
    tpu.wait_dma2 semaphore(%arg24 : memref<!tpu.dma_semaphore, #tpu.memory_space<semaphore_mem>>) src(%arg15 : memref<40x128xf32, #tpu.memory_space<vmem>>) dst(%dma_wait3A_200 : memref<40x128xf32, #tpu.memory_space<vmem_shared>>)
    %add3A_201 = arith.constant 120 : i32
    %add3A_202 = arith.addi %multiple_of3A, %add3A_201 : i32
    %multiple_of3A_203 = tpu.assume_multiple %add3A_202, 8 : i32
    %dma_wait3A_204 = arith.constant 0 : i32
    %dma_wait3A_205 = tpu.memref_slice %arg28[%multiple_of3A_203, %dma_wait3A_204] : memref<10000x128xf32, #tpu.memory_space<vmem_shared>> -> memref<40x128xf32, #tpu.memory_space<vmem_shared>>
    %dma_wait3A_206 = arith.constant 0 : i32
    %dma_wait3A_207 = tpu.memref_slice %arg28[%multiple_of3A_203, %dma_wait3A_206] : memref<10000x128xf32, #tpu.memory_space<vmem_shared>> -> memref<40x128xf32, #tpu.memory_space<vmem_shared>>
    tpu.wait_dma2 semaphore(%arg25 : memref<!tpu.dma_semaphore, #tpu.memory_space<semaphore_mem>>) src(%arg15 : memref<40x128xf32, #tpu.memory_space<vmem>>) dst(%dma_wait3A_207 : memref<40x128xf32, #tpu.memory_space<vmem_shared>>)
    %add3A_208 = arith.constant 160 : i32
    %add3A_209 = arith.addi %multiple_of3A, %add3A_208 : i32
    %multiple_of3A_210 = tpu.assume_multiple %add3A_209, 8 : i32
    %dma_wait3A_211 = arith.constant 0 : i32
    %dma_wait3A_212 = tpu.memref_slice %arg28[%multiple_of3A_210, %dma_wait3A_211] : memref<10000x128xf32, #tpu.memory_space<vmem_shared>> -> memref<40x128xf32, #tpu.memory_space<vmem_shared>>
    %dma_wait3A_213 = arith.constant 0 : i32
    %dma_wait3A_214 = tpu.memref_slice %arg28[%multiple_of3A_210, %dma_wait3A_213] : memref<10000x128xf32, #tpu.memory_space<vmem_shared>> -> memref<40x128xf32, #tpu.memory_space<vmem_shared>>
    tpu.wait_dma2 semaphore(%arg26 : memref<!tpu.dma_semaphore, #tpu.memory_space<semaphore_mem>>) src(%arg15 : memref<40x128xf32, #tpu.memory_space<vmem>>) dst(%dma_wait3A_214 : memref<40x128xf32, #tpu.memory_space<vmem_shared>>)
    %add3A_215 = arith.constant 200 : i32
    %add3A_216 = arith.addi %multiple_of3A, %add3A_215 : i32
    %multiple_of3A_217 = tpu.assume_multiple %add3A_216, 8 : i32
    %dma_wait3A_218 = arith.constant 0 : i32
    %dma_wait3A_219 = tpu.memref_slice %arg28[%multiple_of3A_217, %dma_wait3A_218] : memref<10000x128xf32, #tpu.memory_space<vmem_shared>> -> memref<40x128xf32, #tpu.memory_space<vmem_shared>>
    %dma_wait3A_220 = arith.constant 0 : i32
    %dma_wait3A_221 = tpu.memref_slice %arg28[%multiple_of3A_217, %dma_wait3A_220] : memref<10000x128xf32, #tpu.memory_space<vmem_shared>> -> memref<40x128xf32, #tpu.memory_space<vmem_shared>>
    tpu.wait_dma2 semaphore(%arg27 : memref<!tpu.dma_semaphore, #tpu.memory_space<semaphore_mem>>) src(%arg15 : memref<40x128xf32, #tpu.memory_space<vmem>>) dst(%dma_wait3A_221 : memref<40x128xf32, #tpu.memory_space<vmem_shared>>)
    %add3A_222 = arith.constant 240 : i32
    %add3A_223 = arith.addi %multiple_of3A, %add3A_222 : i32
    %multiple_of3A_224 = tpu.assume_multiple %add3A_223, 8 : i32
    %dma_wait3A_225 = arith.constant 0 : i32
    %dma_wait3A_226 = tpu.memref_slice %arg28[%multiple_of3A_224, %dma_wait3A_225] : memref<10000x128xf32, #tpu.memory_space<vmem_shared>> -> memref<40x128xf32, #tpu.memory_space<vmem_shared>>
    %dma_wait3A_227 = arith.constant 0 : i32
    %dma_wait3A_228 = tpu.memref_slice %arg28[%multiple_of3A_224, %dma_wait3A_227] : memref<10000x128xf32, #tpu.memory_space<vmem_shared>> -> memref<40x128xf32, #tpu.memory_space<vmem_shared>>
    tpu.wait_dma2 semaphore(%arg22 : memref<!tpu.dma_semaphore, #tpu.memory_space<semaphore_mem>>) src(%arg15 : memref<40x128xf32, #tpu.memory_space<vmem>>) dst(%dma_wait3A_228 : memref<40x128xf32, #tpu.memory_space<vmem_shared>>)
    %add3A_229 = arith.constant 280 : i32
    %add3A_230 = arith.addi %multiple_of3A, %add3A_229 : i32
    %multiple_of3A_231 = tpu.assume_multiple %add3A_230, 8 : i32
    %dma_wait3A_232 = arith.constant 0 : i32
    %dma_wait3A_233 = tpu.memref_slice %arg28[%multiple_of3A_231, %dma_wait3A_232] : memref<10000x128xf32, #tpu.memory_space<vmem_shared>> -> memref<40x128xf32, #tpu.memory_space<vmem_shared>>
    %dma_wait3A_234 = arith.constant 0 : i32
    %dma_wait3A_235 = tpu.memref_slice %arg28[%multiple_of3A_231, %dma_wait3A_234] : memref<10000x128xf32, #tpu.memory_space<vmem_shared>> -> memref<40x128xf32, #tpu.memory_space<vmem_shared>>
    tpu.wait_dma2 semaphore(%arg23 : memref<!tpu.dma_semaphore, #tpu.memory_space<semaphore_mem>>) src(%arg15 : memref<40x128xf32, #tpu.memory_space<vmem>>) dst(%dma_wait3A_235 : memref<40x128xf32, #tpu.memory_space<vmem_shared>>)
    %add3A_236 = arith.constant 320 : i32
    %add3A_237 = arith.addi %multiple_of3A, %add3A_236 : i32
    %multiple_of3A_238 = tpu.assume_multiple %add3A_237, 8 : i32
    %dma_wait3A_239 = arith.constant 0 : i32
    %dma_wait3A_240 = tpu.memref_slice %arg28[%multiple_of3A_238, %dma_wait3A_239] : memref<10000x128xf32, #tpu.memory_space<vmem_shared>> -> memref<40x128xf32, #tpu.memory_space<vmem_shared>>
    %dma_wait3A_241 = arith.constant 0 : i32
    %dma_wait3A_242 = tpu.memref_slice %arg28[%multiple_of3A_238, %dma_wait3A_241] : memref<10000x128xf32, #tpu.memory_space<vmem_shared>> -> memref<40x128xf32, #tpu.memory_space<vmem_shared>>
    tpu.wait_dma2 semaphore(%arg24 : memref<!tpu.dma_semaphore, #tpu.memory_space<semaphore_mem>>) src(%arg15 : memref<40x128xf32, #tpu.memory_space<vmem>>) dst(%dma_wait3A_242 : memref<40x128xf32, #tpu.memory_space<vmem_shared>>)
    %add3A_243 = arith.constant 360 : i32
    %add3A_244 = arith.addi %multiple_of3A, %add3A_243 : i32
    %multiple_of3A_245 = tpu.assume_multiple %add3A_244, 8 : i32
    %dma_wait3A_246 = arith.constant 0 : i32
    %dma_wait3A_247 = tpu.memref_slice %arg28[%multiple_of3A_245, %dma_wait3A_246] : memref<10000x128xf32, #tpu.memory_space<vmem_shared>> -> memref<40x128xf32, #tpu.memory_space<vmem_shared>>
    %dma_wait3A_248 = arith.constant 0 : i32
    %dma_wait3A_249 = tpu.memref_slice %arg28[%multiple_of3A_245, %dma_wait3A_248] : memref<10000x128xf32, #tpu.memory_space<vmem_shared>> -> memref<40x128xf32, #tpu.memory_space<vmem_shared>>
    tpu.wait_dma2 semaphore(%arg25 : memref<!tpu.dma_semaphore, #tpu.memory_space<semaphore_mem>>) src(%arg15 : memref<40x128xf32, #tpu.memory_space<vmem>>) dst(%dma_wait3A_249 : memref<40x128xf32, #tpu.memory_space<vmem_shared>>)
    %add3A_250 = arith.constant 400 : i32
    %add3A_251 = arith.addi %multiple_of3A, %add3A_250 : i32
    %multiple_of3A_252 = tpu.assume_multiple %add3A_251, 8 : i32
    %dma_wait3A_253 = arith.constant 0 : i32
    %dma_wait3A_254 = tpu.memref_slice %arg28[%multiple_of3A_252, %dma_wait3A_253] : memref<10000x128xf32, #tpu.memory_space<vmem_shared>> -> memref<40x128xf32, #tpu.memory_space<vmem_shared>>
    %dma_wait3A_255 = arith.constant 0 : i32
    %dma_wait3A_256 = tpu.memref_slice %arg28[%multiple_of3A_252, %dma_wait3A_255] : memref<10000x128xf32, #tpu.memory_space<vmem_shared>> -> memref<40x128xf32, #tpu.memory_space<vmem_shared>>
    tpu.wait_dma2 semaphore(%arg26 : memref<!tpu.dma_semaphore, #tpu.memory_space<semaphore_mem>>) src(%arg15 : memref<40x128xf32, #tpu.memory_space<vmem>>) dst(%dma_wait3A_256 : memref<40x128xf32, #tpu.memory_space<vmem_shared>>)
    %add3A_257 = arith.constant 440 : i32
    %add3A_258 = arith.addi %multiple_of3A, %add3A_257 : i32
    %multiple_of3A_259 = tpu.assume_multiple %add3A_258, 8 : i32
    %dma_wait3A_260 = arith.constant 0 : i32
    %dma_wait3A_261 = tpu.memref_slice %arg28[%multiple_of3A_259, %dma_wait3A_260] : memref<10000x128xf32, #tpu.memory_space<vmem_shared>> -> memref<40x128xf32, #tpu.memory_space<vmem_shared>>
    %dma_wait3A_262 = arith.constant 0 : i32
    %dma_wait3A_263 = tpu.memref_slice %arg28[%multiple_of3A_259, %dma_wait3A_262] : memref<10000x128xf32, #tpu.memory_space<vmem_shared>> -> memref<40x128xf32, #tpu.memory_space<vmem_shared>>
    tpu.wait_dma2 semaphore(%arg27 : memref<!tpu.dma_semaphore, #tpu.memory_space<semaphore_mem>>) src(%arg15 : memref<40x128xf32, #tpu.memory_space<vmem>>) dst(%dma_wait3A_263 : memref<40x128xf32, #tpu.memory_space<vmem_shared>>)
    %add3A_264 = arith.constant 480 : i32
    %add3A_265 = arith.addi %multiple_of3A, %add3A_264 : i32
    %multiple_of3A_266 = tpu.assume_multiple %add3A_265, 8 : i32
    %dma_wait3A_267 = arith.constant 0 : i32
    %dma_wait3A_268 = tpu.memref_slice %arg28[%multiple_of3A_266, %dma_wait3A_267] : memref<10000x128xf32, #tpu.memory_space<vmem_shared>> -> memref<40x128xf32, #tpu.memory_space<vmem_shared>>
    %dma_wait3A_269 = arith.constant 0 : i32
    %dma_wait3A_270 = tpu.memref_slice %arg28[%multiple_of3A_266, %dma_wait3A_269] : memref<10000x128xf32, #tpu.memory_space<vmem_shared>> -> memref<40x128xf32, #tpu.memory_space<vmem_shared>>
    tpu.wait_dma2 semaphore(%arg22 : memref<!tpu.dma_semaphore, #tpu.memory_space<semaphore_mem>>) src(%arg15 : memref<40x128xf32, #tpu.memory_space<vmem>>) dst(%dma_wait3A_270 : memref<40x128xf32, #tpu.memory_space<vmem_shared>>)
    %add3A_271 = arith.constant 520 : i32
    %add3A_272 = arith.addi %multiple_of3A, %add3A_271 : i32
    %multiple_of3A_273 = tpu.assume_multiple %add3A_272, 8 : i32
    %dma_wait3A_274 = arith.constant 0 : i32
    %dma_wait3A_275 = tpu.memref_slice %arg28[%multiple_of3A_273, %dma_wait3A_274] : memref<10000x128xf32, #tpu.memory_space<vmem_shared>> -> memref<40x128xf32, #tpu.memory_space<vmem_shared>>
    %dma_wait3A_276 = arith.constant 0 : i32
    %dma_wait3A_277 = tpu.memref_slice %arg28[%multiple_of3A_273, %dma_wait3A_276] : memref<10000x128xf32, #tpu.memory_space<vmem_shared>> -> memref<40x128xf32, #tpu.memory_space<vmem_shared>>
    tpu.wait_dma2 semaphore(%arg23 : memref<!tpu.dma_semaphore, #tpu.memory_space<semaphore_mem>>) src(%arg15 : memref<40x128xf32, #tpu.memory_space<vmem>>) dst(%dma_wait3A_277 : memref<40x128xf32, #tpu.memory_space<vmem_shared>>)
    %add3A_278 = arith.constant 560 : i32
    %add3A_279 = arith.addi %multiple_of3A, %add3A_278 : i32
    %multiple_of3A_280 = tpu.assume_multiple %add3A_279, 8 : i32
    %dma_wait3A_281 = arith.constant 0 : i32
    %dma_wait3A_282 = tpu.memref_slice %arg28[%multiple_of3A_280, %dma_wait3A_281] : memref<10000x128xf32, #tpu.memory_space<vmem_shared>> -> memref<40x128xf32, #tpu.memory_space<vmem_shared>>
    %dma_wait3A_283 = arith.constant 0 : i32
    %dma_wait3A_284 = tpu.memref_slice %arg28[%multiple_of3A_280, %dma_wait3A_283] : memref<10000x128xf32, #tpu.memory_space<vmem_shared>> -> memref<40x128xf32, #tpu.memory_space<vmem_shared>>
    tpu.wait_dma2 semaphore(%arg24 : memref<!tpu.dma_semaphore, #tpu.memory_space<semaphore_mem>>) src(%arg15 : memref<40x128xf32, #tpu.memory_space<vmem>>) dst(%dma_wait3A_284 : memref<40x128xf32, #tpu.memory_space<vmem_shared>>)
    %dma_wait3A_285 = arith.constant 0 : i32
    %dma_wait3A_286 = arith.constant 0 : i32
    %dma_wait3A_287 = tpu.memref_slice %arg15[%dma_wait3A_285, %dma_wait3A_286] : memref<40x128xf32, #tpu.memory_space<vmem>> -> memref<24x128xf32, #tpu.memory_space<vmem>>
    %dma_wait3A_288 = arith.constant 0 : i32
    %dma_wait3A_289 = tpu.memref_slice %arg28[%multiple_of3A_167, %dma_wait3A_288] : memref<10000x128xf32, #tpu.memory_space<vmem_shared>> -> memref<24x128xf32, #tpu.memory_space<vmem_shared>>
    %dma_wait3A_290 = arith.constant 0 : i32
    %dma_wait3A_291 = tpu.memref_slice %arg28[%multiple_of3A_167, %dma_wait3A_290] : memref<10000x128xf32, #tpu.memory_space<vmem_shared>> -> memref<24x128xf32, #tpu.memory_space<vmem_shared>>
    %dma_wait3A_292 = arith.constant 0 : i32
    %dma_wait3A_293 = arith.constant 0 : i32
    %dma_wait3A_294 = tpu.memref_slice %arg15[%dma_wait3A_292, %dma_wait3A_293] : memref<40x128xf32, #tpu.memory_space<vmem>> -> memref<24x128xf32, #tpu.memory_space<vmem>>
    tpu.wait_dma2 semaphore(%arg25 : memref<!tpu.dma_semaphore, #tpu.memory_space<semaphore_mem>>) src(%dma_wait3A_294 : memref<24x128xf32, #tpu.memory_space<vmem>>) dst(%dma_wait3A_291 : memref<24x128xf32, #tpu.memory_space<vmem_shared>>)
    %dma_wait3A_295 = arith.constant 0 : i32
    %dma_wait3A_296 = arith.constant 0 : i32
    %dma_wait3A_297 = tpu.memref_slice %arg4[%add3A, %dma_wait3A_295, %dma_wait3A_296] : memref<32x250x40xi32, #tpu.memory_space<hbm>> -> memref<1x250x40xi32, #tpu.memory_space<hbm>>
    %dma_wait3A_298 = tpu.memref_squeeze %dma_wait3A_297 : memref<1x250x40xi32, #tpu.memory_space<hbm>> -> memref<250x40xi32, #tpu.memory_space<hbm>>
    %dma_wait3A_299 = arith.constant 0 : i32
    %dma_wait3A_300 = arith.constant 0 : i32
    %dma_wait3A_301 = tpu.memref_slice %arg4[%add3A, %dma_wait3A_299, %dma_wait3A_300] : memref<32x250x40xi32, #tpu.memory_space<hbm>> -> memref<1x250x40xi32, #tpu.memory_space<hbm>>
    %dma_wait3A_302 = tpu.memref_squeeze %dma_wait3A_301 : memref<1x250x40xi32, #tpu.memory_space<hbm>> -> memref<250x40xi32, #tpu.memory_space<hbm>>
    tpu.wait_dma2 semaphore(%arg29 : memref<!tpu.dma_semaphore, #tpu.memory_space<semaphore_mem>>) src(%dma_wait3A_302 : memref<250x40xi32, #tpu.memory_space<hbm>>) dst(%arg9 : memref<250x40xi32, #tpu.memory_space<vmem>>)
    %barrier3A = arith.constant 0 : index
    tpu.barrier barrier_id(%barrier3A)
    %dma_start3A_303 = arith.constant 5 : i32
    %dma_start3A_304 = arith.constant 0 : i32
    %dma_start3A_305 = tpu.memref_slice %arg8[%dma_start3A_303, %dma_start3A_304] : memref<250x40xi32, #tpu.memory_space<vmem>> -> memref<1x40xi32, #tpu.memory_space<vmem>>
    %dma_start3A_306 = tpu.memref_squeeze %dma_start3A_305 : memref<1x40xi32, #tpu.memory_space<vmem>> -> memref<40xi32, #tpu.memory_space<vmem>>
    %dma_start3A_307 = arith.constant 0 : i32
    %dma_start3A_308 = arith.constant 0 : i32
    %dma_start3A_309 = tpu.memref_slice %arg2[%dma_start3A_307, %dma_start3A_308] : memref<10000x128xf32, #tpu.memory_space<hbm>> -> memref<10000x128xf32, #tpu.memory_space<hbm>>
    tpu.enqueue_indirect_dma source(%dma_start3A_309 : memref<10000x128xf32, #tpu.memory_space<hbm>>) target(%arg15 : memref<40x128xf32, #tpu.memory_space<vmem>>) offsets(%dma_start3A_306 : memref<40xi32, #tpu.memory_space<vmem>>) semaphore(%arg21 : memref<!tpu.dma_semaphore, #tpu.memory_space<semaphore_mem>>)
    %scan3A = arith.constant 0 : i32
    %scan3A_310 = arith.constant 0 : i32
    %scan3A_311 = arith.constant 41 : i32
    %scan3A_312 = arith.addi %scan3A_310, %scan3A_311 : i32
    %scan3A_313 = arith.constant 1 : i32
    scf.for %scan3A_424 = %scan3A_310 to %scan3A_312 step %scan3A_313  : i32 {
      %mul3A_425 = arith.constant 6 : i32
      %mul3A_426 = arith.muli %scan3A_424, %mul3A_425 : i32
      %add3A_427 = arith.constant 0 : i32
      %add3A_428 = arith.addi %mul3A_426, %add3A_427 : i32
      %dma_wait3A_429 = arith.constant 0 : i32
      %dma_wait3A_430 = tpu.memref_slice %arg8[%add3A_428, %dma_wait3A_429] : memref<250x40xi32, #tpu.memory_space<vmem>> -> memref<1x40xi32, #tpu.memory_space<vmem>>
      %dma_wait3A_431 = tpu.memref_squeeze %dma_wait3A_430 : memref<1x40xi32, #tpu.memory_space<vmem>> -> memref<40xi32, #tpu.memory_space<vmem>>
      %dma_wait3A_432 = arith.constant 0 : i32
      %dma_wait3A_433 = arith.constant 0 : i32
      %dma_wait3A_434 = tpu.memref_slice %arg2[%dma_wait3A_432, %dma_wait3A_433] : memref<10000x128xf32, #tpu.memory_space<hbm>> -> memref<10000x128xf32, #tpu.memory_space<hbm>>
      tpu.wait_indirect_dma semaphore(%arg16 : memref<!tpu.dma_semaphore, #tpu.memory_space<semaphore_mem>>) src(%dma_wait3A_434 : memref<10000x128xf32, #tpu.memory_space<hbm>>) dst(%arg10 : memref<40x128xf32, #tpu.memory_space<vmem>>)
      %dma_start3A_435 = arith.constant 0 : i32
      %dma_start3A_436 = tpu.memref_slice %arg9[%add3A_428, %dma_start3A_435] : memref<250x40xi32, #tpu.memory_space<vmem>> -> memref<1x40xi32, #tpu.memory_space<vmem>>
      %dma_start3A_437 = tpu.memref_squeeze %dma_start3A_436 : memref<1x40xi32, #tpu.memory_space<vmem>> -> memref<40xi32, #tpu.memory_space<vmem>>
      %dma_start3A_438 = arith.constant 0 : i32
      %dma_start3A_439 = arith.constant 0 : i32
      %dma_start3A_440 = tpu.memref_slice %arg28[%dma_start3A_438, %dma_start3A_439] : memref<10000x128xf32, #tpu.memory_space<vmem_shared>> -> memref<10000x128xf32, #tpu.memory_space<vmem_shared>>
      tpu.enqueue_indirect_dma source(%arg10 : memref<40x128xf32, #tpu.memory_space<vmem>>) target(%dma_start3A_440 : memref<10000x128xf32, #tpu.memory_space<vmem_shared>>) offsets(%dma_start3A_437 : memref<40xi32, #tpu.memory_space<vmem>>) semaphore(%arg22 : memref<!tpu.dma_semaphore, #tpu.memory_space<semaphore_mem>>) {add = true}
      %add3A_441 = arith.constant 1 : i32
      %add3A_442 = arith.addi %mul3A_426, %add3A_441 : i32
      %dma_wait3A_443 = arith.constant 0 : i32
      %dma_wait3A_444 = tpu.memref_slice %arg8[%add3A_442, %dma_wait3A_443] : memref<250x40xi32, #tpu.memory_space<vmem>> -> memref<1x40xi32, #tpu.memory_space<vmem>>
      %dma_wait3A_445 = tpu.memref_squeeze %dma_wait3A_444 : memref<1x40xi32, #tpu.memory_space<vmem>> -> memref<40xi32, #tpu.memory_space<vmem>>
      %dma_wait3A_446 = arith.constant 0 : i32
      %dma_wait3A_447 = arith.constant 0 : i32
      %dma_wait3A_448 = tpu.memref_slice %arg2[%dma_wait3A_446, %dma_wait3A_447] : memref<10000x128xf32, #tpu.memory_space<hbm>> -> memref<10000x128xf32, #tpu.memory_space<hbm>>
      tpu.wait_indirect_dma semaphore(%arg17 : memref<!tpu.dma_semaphore, #tpu.memory_space<semaphore_mem>>) src(%dma_wait3A_448 : memref<10000x128xf32, #tpu.memory_space<hbm>>) dst(%arg11 : memref<40x128xf32, #tpu.memory_space<vmem>>)
      %dma_start3A_449 = arith.constant 0 : i32
      %dma_start3A_450 = tpu.memref_slice %arg9[%add3A_442, %dma_start3A_449] : memref<250x40xi32, #tpu.memory_space<vmem>> -> memref<1x40xi32, #tpu.memory_space<vmem>>
      %dma_start3A_451 = tpu.memref_squeeze %dma_start3A_450 : memref<1x40xi32, #tpu.memory_space<vmem>> -> memref<40xi32, #tpu.memory_space<vmem>>
      %dma_start3A_452 = arith.constant 0 : i32
      %dma_start3A_453 = arith.constant 0 : i32
      %dma_start3A_454 = tpu.memref_slice %arg28[%dma_start3A_452, %dma_start3A_453] : memref<10000x128xf32, #tpu.memory_space<vmem_shared>> -> memref<10000x128xf32, #tpu.memory_space<vmem_shared>>
      tpu.enqueue_indirect_dma source(%arg11 : memref<40x128xf32, #tpu.memory_space<vmem>>) target(%dma_start3A_454 : memref<10000x128xf32, #tpu.memory_space<vmem_shared>>) offsets(%dma_start3A_451 : memref<40xi32, #tpu.memory_space<vmem>>) semaphore(%arg23 : memref<!tpu.dma_semaphore, #tpu.memory_space<semaphore_mem>>) {add = true}
      %add3A_455 = arith.constant 2 : i32
      %add3A_456 = arith.addi %mul3A_426, %add3A_455 : i32
      %dma_wait3A_457 = arith.constant 0 : i32
      %dma_wait3A_458 = tpu.memref_slice %arg8[%add3A_456, %dma_wait3A_457] : memref<250x40xi32, #tpu.memory_space<vmem>> -> memref<1x40xi32, #tpu.memory_space<vmem>>
      %dma_wait3A_459 = tpu.memref_squeeze %dma_wait3A_458 : memref<1x40xi32, #tpu.memory_space<vmem>> -> memref<40xi32, #tpu.memory_space<vmem>>
      %dma_wait3A_460 = arith.constant 0 : i32
      %dma_wait3A_461 = arith.constant 0 : i32
      %dma_wait3A_462 = tpu.memref_slice %arg2[%dma_wait3A_460, %dma_wait3A_461] : memref<10000x128xf32, #tpu.memory_space<hbm>> -> memref<10000x128xf32, #tpu.memory_space<hbm>>
      tpu.wait_indirect_dma semaphore(%arg18 : memref<!tpu.dma_semaphore, #tpu.memory_space<semaphore_mem>>) src(%dma_wait3A_462 : memref<10000x128xf32, #tpu.memory_space<hbm>>) dst(%arg12 : memref<40x128xf32, #tpu.memory_space<vmem>>)
      %dma_start3A_463 = arith.constant 0 : i32
      %dma_start3A_464 = tpu.memref_slice %arg9[%add3A_456, %dma_start3A_463] : memref<250x40xi32, #tpu.memory_space<vmem>> -> memref<1x40xi32, #tpu.memory_space<vmem>>
      %dma_start3A_465 = tpu.memref_squeeze %dma_start3A_464 : memref<1x40xi32, #tpu.memory_space<vmem>> -> memref<40xi32, #tpu.memory_space<vmem>>
      %dma_start3A_466 = arith.constant 0 : i32
      %dma_start3A_467 = arith.constant 0 : i32
      %dma_start3A_468 = tpu.memref_slice %arg28[%dma_start3A_466, %dma_start3A_467] : memref<10000x128xf32, #tpu.memory_space<vmem_shared>> -> memref<10000x128xf32, #tpu.memory_space<vmem_shared>>
      tpu.enqueue_indirect_dma source(%arg12 : memref<40x128xf32, #tpu.memory_space<vmem>>) target(%dma_start3A_468 : memref<10000x128xf32, #tpu.memory_space<vmem_shared>>) offsets(%dma_start3A_465 : memref<40xi32, #tpu.memory_space<vmem>>) semaphore(%arg24 : memref<!tpu.dma_semaphore, #tpu.memory_space<semaphore_mem>>) {add = true}
      %add3A_469 = arith.constant 3 : i32
      %add3A_470 = arith.addi %mul3A_426, %add3A_469 : i32
      %dma_wait3A_471 = arith.constant 0 : i32
      %dma_wait3A_472 = tpu.memref_slice %arg8[%add3A_470, %dma_wait3A_471] : memref<250x40xi32, #tpu.memory_space<vmem>> -> memref<1x40xi32, #tpu.memory_space<vmem>>
      %dma_wait3A_473 = tpu.memref_squeeze %dma_wait3A_472 : memref<1x40xi32, #tpu.memory_space<vmem>> -> memref<40xi32, #tpu.memory_space<vmem>>
      %dma_wait3A_474 = arith.constant 0 : i32
      %dma_wait3A_475 = arith.constant 0 : i32
      %dma_wait3A_476 = tpu.memref_slice %arg2[%dma_wait3A_474, %dma_wait3A_475] : memref<10000x128xf32, #tpu.memory_space<hbm>> -> memref<10000x128xf32, #tpu.memory_space<hbm>>
      tpu.wait_indirect_dma semaphore(%arg19 : memref<!tpu.dma_semaphore, #tpu.memory_space<semaphore_mem>>) src(%dma_wait3A_476 : memref<10000x128xf32, #tpu.memory_space<hbm>>) dst(%arg13 : memref<40x128xf32, #tpu.memory_space<vmem>>)
      %dma_start3A_477 = arith.constant 0 : i32
      %dma_start3A_478 = tpu.memref_slice %arg9[%add3A_470, %dma_start3A_477] : memref<250x40xi32, #tpu.memory_space<vmem>> -> memref<1x40xi32, #tpu.memory_space<vmem>>
      %dma_start3A_479 = tpu.memref_squeeze %dma_start3A_478 : memref<1x40xi32, #tpu.memory_space<vmem>> -> memref<40xi32, #tpu.memory_space<vmem>>
      %dma_start3A_480 = arith.constant 0 : i32
      %dma_start3A_481 = arith.constant 0 : i32
      %dma_start3A_482 = tpu.memref_slice %arg28[%dma_start3A_480, %dma_start3A_481] : memref<10000x128xf32, #tpu.memory_space<vmem_shared>> -> memref<10000x128xf32, #tpu.memory_space<vmem_shared>>
      tpu.enqueue_indirect_dma source(%arg13 : memref<40x128xf32, #tpu.memory_space<vmem>>) target(%dma_start3A_482 : memref<10000x128xf32, #tpu.memory_space<vmem_shared>>) offsets(%dma_start3A_479 : memref<40xi32, #tpu.memory_space<vmem>>) semaphore(%arg25 : memref<!tpu.dma_semaphore, #tpu.memory_space<semaphore_mem>>) {add = true}
      %add3A_483 = arith.constant 4 : i32
      %add3A_484 = arith.addi %mul3A_426, %add3A_483 : i32
      %dma_wait3A_485 = arith.constant 0 : i32
      %dma_wait3A_486 = tpu.memref_slice %arg8[%add3A_484, %dma_wait3A_485] : memref<250x40xi32, #tpu.memory_space<vmem>> -> memref<1x40xi32, #tpu.memory_space<vmem>>
      %dma_wait3A_487 = tpu.memref_squeeze %dma_wait3A_486 : memref<1x40xi32, #tpu.memory_space<vmem>> -> memref<40xi32, #tpu.memory_space<vmem>>
      %dma_wait3A_488 = arith.constant 0 : i32
      %dma_wait3A_489 = arith.constant 0 : i32
      %dma_wait3A_490 = tpu.memref_slice %arg2[%dma_wait3A_488, %dma_wait3A_489] : memref<10000x128xf32, #tpu.memory_space<hbm>> -> memref<10000x128xf32, #tpu.memory_space<hbm>>
      tpu.wait_indirect_dma semaphore(%arg20 : memref<!tpu.dma_semaphore, #tpu.memory_space<semaphore_mem>>) src(%dma_wait3A_490 : memref<10000x128xf32, #tpu.memory_space<hbm>>) dst(%arg14 : memref<40x128xf32, #tpu.memory_space<vmem>>)
      %dma_start3A_491 = arith.constant 0 : i32
      %dma_start3A_492 = tpu.memref_slice %arg9[%add3A_484, %dma_start3A_491] : memref<250x40xi32, #tpu.memory_space<vmem>> -> memref<1x40xi32, #tpu.memory_space<vmem>>
      %dma_start3A_493 = tpu.memref_squeeze %dma_start3A_492 : memref<1x40xi32, #tpu.memory_space<vmem>> -> memref<40xi32, #tpu.memory_space<vmem>>
      %dma_start3A_494 = arith.constant 0 : i32
      %dma_start3A_495 = arith.constant 0 : i32
      %dma_start3A_496 = tpu.memref_slice %arg28[%dma_start3A_494, %dma_start3A_495] : memref<10000x128xf32, #tpu.memory_space<vmem_shared>> -> memref<10000x128xf32, #tpu.memory_space<vmem_shared>>
      tpu.enqueue_indirect_dma source(%arg14 : memref<40x128xf32, #tpu.memory_space<vmem>>) target(%dma_start3A_496 : memref<10000x128xf32, #tpu.memory_space<vmem_shared>>) offsets(%dma_start3A_493 : memref<40xi32, #tpu.memory_space<vmem>>) semaphore(%arg26 : memref<!tpu.dma_semaphore, #tpu.memory_space<semaphore_mem>>) {add = true}
      %add3A_497 = arith.constant 5 : i32
      %add3A_498 = arith.addi %mul3A_426, %add3A_497 : i32
      %dma_wait3A_499 = arith.constant 0 : i32
      %dma_wait3A_500 = tpu.memref_slice %arg8[%add3A_498, %dma_wait3A_499] : memref<250x40xi32, #tpu.memory_space<vmem>> -> memref<1x40xi32, #tpu.memory_space<vmem>>
      %dma_wait3A_501 = tpu.memref_squeeze %dma_wait3A_500 : memref<1x40xi32, #tpu.memory_space<vmem>> -> memref<40xi32, #tpu.memory_space<vmem>>
      %dma_wait3A_502 = arith.constant 0 : i32
      %dma_wait3A_503 = arith.constant 0 : i32
      %dma_wait3A_504 = tpu.memref_slice %arg2[%dma_wait3A_502, %dma_wait3A_503] : memref<10000x128xf32, #tpu.memory_space<hbm>> -> memref<10000x128xf32, #tpu.memory_space<hbm>>
      tpu.wait_indirect_dma semaphore(%arg21 : memref<!tpu.dma_semaphore, #tpu.memory_space<semaphore_mem>>) src(%dma_wait3A_504 : memref<10000x128xf32, #tpu.memory_space<hbm>>) dst(%arg15 : memref<40x128xf32, #tpu.memory_space<vmem>>)
      %dma_start3A_505 = arith.constant 0 : i32
      %dma_start3A_506 = tpu.memref_slice %arg9[%add3A_498, %dma_start3A_505] : memref<250x40xi32, #tpu.memory_space<vmem>> -> memref<1x40xi32, #tpu.memory_space<vmem>>
      %dma_start3A_507 = tpu.memref_squeeze %dma_start3A_506 : memref<1x40xi32, #tpu.memory_space<vmem>> -> memref<40xi32, #tpu.memory_space<vmem>>
      %dma_start3A_508 = arith.constant 0 : i32
      %dma_start3A_509 = arith.constant 0 : i32
      %dma_start3A_510 = tpu.memref_slice %arg28[%dma_start3A_508, %dma_start3A_509] : memref<10000x128xf32, #tpu.memory_space<vmem_shared>> -> memref<10000x128xf32, #tpu.memory_space<vmem_shared>>
      tpu.enqueue_indirect_dma source(%arg15 : memref<40x128xf32, #tpu.memory_space<vmem>>) target(%dma_start3A_510 : memref<10000x128xf32, #tpu.memory_space<vmem_shared>>) offsets(%dma_start3A_507 : memref<40xi32, #tpu.memory_space<vmem>>) semaphore(%arg27 : memref<!tpu.dma_semaphore, #tpu.memory_space<semaphore_mem>>) {add = true}
      %add3A_511 = arith.constant 0 : i32
      %add3A_512 = arith.addi %mul3A_426, %add3A_511 : i32
      %add3A_513 = arith.constant 6 : i32
      %add3A_514 = arith.addi %add3A_512, %add3A_513 : i32
      %lt3A = arith.constant 250 : i32
      %lt3A_515 = arith.cmpi slt, %add3A_514, %lt3A : i32
      %convert_element_type3A_516 = arith.extui %lt3A_515 : i1 to i32
      %cond3A_517 = arith.constant 0 : i32
      %cond3A_518 = arith.cmpi ne, %convert_element_type3A_516, %cond3A_517 : i32
      scf.if %cond3A_518 {
        %add3A_564 = arith.constant 0 : i32
        %add3A_565 = arith.addi %mul3A_426, %add3A_564 : i32
        %dma_wait3A_566 = arith.constant 0 : i32
        %dma_wait3A_567 = tpu.memref_slice %arg9[%add3A_565, %dma_wait3A_566] : memref<250x40xi32, #tpu.memory_space<vmem>> -> memref<1x40xi32, #tpu.memory_space<vmem>>
        %dma_wait3A_568 = tpu.memref_squeeze %dma_wait3A_567 : memref<1x40xi32, #tpu.memory_space<vmem>> -> memref<40xi32, #tpu.memory_space<vmem>>
        %dma_wait3A_569 = arith.constant 0 : i32
        %dma_wait3A_570 = arith.constant 0 : i32
        %dma_wait3A_571 = tpu.memref_slice %arg28[%dma_wait3A_569, %dma_wait3A_570] : memref<10000x128xf32, #tpu.memory_space<vmem_shared>> -> memref<10000x128xf32, #tpu.memory_space<vmem_shared>>
        tpu.wait_indirect_dma semaphore(%arg22 : memref<!tpu.dma_semaphore, #tpu.memory_space<semaphore_mem>>) src(%arg10 : memref<40x128xf32, #tpu.memory_space<vmem>>) dst(%dma_wait3A_571 : memref<10000x128xf32, #tpu.memory_space<vmem_shared>>)
        %dma_start3A_572 = arith.constant 0 : i32
        %dma_start3A_573 = tpu.memref_slice %arg8[%add3A_514, %dma_start3A_572] : memref<250x40xi32, #tpu.memory_space<vmem>> -> memref<1x40xi32, #tpu.memory_space<vmem>>
        %dma_start3A_574 = tpu.memref_squeeze %dma_start3A_573 : memref<1x40xi32, #tpu.memory_space<vmem>> -> memref<40xi32, #tpu.memory_space<vmem>>
        %dma_start3A_575 = arith.constant 0 : i32
        %dma_start3A_576 = arith.constant 0 : i32
        %dma_start3A_577 = tpu.memref_slice %arg2[%dma_start3A_575, %dma_start3A_576] : memref<10000x128xf32, #tpu.memory_space<hbm>> -> memref<10000x128xf32, #tpu.memory_space<hbm>>
        tpu.enqueue_indirect_dma source(%dma_start3A_577 : memref<10000x128xf32, #tpu.memory_space<hbm>>) target(%arg10 : memref<40x128xf32, #tpu.memory_space<vmem>>) offsets(%dma_start3A_574 : memref<40xi32, #tpu.memory_space<vmem>>) semaphore(%arg16 : memref<!tpu.dma_semaphore, #tpu.memory_space<semaphore_mem>>)
      } else {
      }
      %add3A_519 = arith.constant 1 : i32
      %add3A_520 = arith.addi %mul3A_426, %add3A_519 : i32
      %add3A_521 = arith.constant 6 : i32
      %add3A_522 = arith.addi %add3A_520, %add3A_521 : i32
      %lt3A_523 = arith.constant 250 : i32
      %lt3A_524 = arith.cmpi slt, %add3A_522, %lt3A_523 : i32
      %convert_element_type3A_525 = arith.extui %lt3A_524 : i1 to i32
      %cond3A_526 = arith.constant 0 : i32
      %cond3A_527 = arith.cmpi ne, %convert_element_type3A_525, %cond3A_526 : i32
      scf.if %cond3A_527 {
        %add3A_564 = arith.constant 1 : i32
        %add3A_565 = arith.addi %mul3A_426, %add3A_564 : i32
        %dma_wait3A_566 = arith.constant 0 : i32
        %dma_wait3A_567 = tpu.memref_slice %arg9[%add3A_565, %dma_wait3A_566] : memref<250x40xi32, #tpu.memory_space<vmem>> -> memref<1x40xi32, #tpu.memory_space<vmem>>
        %dma_wait3A_568 = tpu.memref_squeeze %dma_wait3A_567 : memref<1x40xi32, #tpu.memory_space<vmem>> -> memref<40xi32, #tpu.memory_space<vmem>>
        %dma_wait3A_569 = arith.constant 0 : i32
        %dma_wait3A_570 = arith.constant 0 : i32
        %dma_wait3A_571 = tpu.memref_slice %arg28[%dma_wait3A_569, %dma_wait3A_570] : memref<10000x128xf32, #tpu.memory_space<vmem_shared>> -> memref<10000x128xf32, #tpu.memory_space<vmem_shared>>
        tpu.wait_indirect_dma semaphore(%arg23 : memref<!tpu.dma_semaphore, #tpu.memory_space<semaphore_mem>>) src(%arg11 : memref<40x128xf32, #tpu.memory_space<vmem>>) dst(%dma_wait3A_571 : memref<10000x128xf32, #tpu.memory_space<vmem_shared>>)
        %dma_start3A_572 = arith.constant 0 : i32
        %dma_start3A_573 = tpu.memref_slice %arg8[%add3A_522, %dma_start3A_572] : memref<250x40xi32, #tpu.memory_space<vmem>> -> memref<1x40xi32, #tpu.memory_space<vmem>>
        %dma_start3A_574 = tpu.memref_squeeze %dma_start3A_573 : memref<1x40xi32, #tpu.memory_space<vmem>> -> memref<40xi32, #tpu.memory_space<vmem>>
        %dma_start3A_575 = arith.constant 0 : i32
        %dma_start3A_576 = arith.constant 0 : i32
        %dma_start3A_577 = tpu.memref_slice %arg2[%dma_start3A_575, %dma_start3A_576] : memref<10000x128xf32, #tpu.memory_space<hbm>> -> memref<10000x128xf32, #tpu.memory_space<hbm>>
        tpu.enqueue_indirect_dma source(%dma_start3A_577 : memref<10000x128xf32, #tpu.memory_space<hbm>>) target(%arg11 : memref<40x128xf32, #tpu.memory_space<vmem>>) offsets(%dma_start3A_574 : memref<40xi32, #tpu.memory_space<vmem>>) semaphore(%arg17 : memref<!tpu.dma_semaphore, #tpu.memory_space<semaphore_mem>>)
      } else {
      }
      %add3A_528 = arith.constant 2 : i32
      %add3A_529 = arith.addi %mul3A_426, %add3A_528 : i32
      %add3A_530 = arith.constant 6 : i32
      %add3A_531 = arith.addi %add3A_529, %add3A_530 : i32
      %lt3A_532 = arith.constant 250 : i32
      %lt3A_533 = arith.cmpi slt, %add3A_531, %lt3A_532 : i32
      %convert_element_type3A_534 = arith.extui %lt3A_533 : i1 to i32
      %cond3A_535 = arith.constant 0 : i32
      %cond3A_536 = arith.cmpi ne, %convert_element_type3A_534, %cond3A_535 : i32
      scf.if %cond3A_536 {
        %add3A_564 = arith.constant 2 : i32
        %add3A_565 = arith.addi %mul3A_426, %add3A_564 : i32
        %dma_wait3A_566 = arith.constant 0 : i32
        %dma_wait3A_567 = tpu.memref_slice %arg9[%add3A_565, %dma_wait3A_566] : memref<250x40xi32, #tpu.memory_space<vmem>> -> memref<1x40xi32, #tpu.memory_space<vmem>>
        %dma_wait3A_568 = tpu.memref_squeeze %dma_wait3A_567 : memref<1x40xi32, #tpu.memory_space<vmem>> -> memref<40xi32, #tpu.memory_space<vmem>>
        %dma_wait3A_569 = arith.constant 0 : i32
        %dma_wait3A_570 = arith.constant 0 : i32
        %dma_wait3A_571 = tpu.memref_slice %arg28[%dma_wait3A_569, %dma_wait3A_570] : memref<10000x128xf32, #tpu.memory_space<vmem_shared>> -> memref<10000x128xf32, #tpu.memory_space<vmem_shared>>
        tpu.wait_indirect_dma semaphore(%arg24 : memref<!tpu.dma_semaphore, #tpu.memory_space<semaphore_mem>>) src(%arg12 : memref<40x128xf32, #tpu.memory_space<vmem>>) dst(%dma_wait3A_571 : memref<10000x128xf32, #tpu.memory_space<vmem_shared>>)
        %dma_start3A_572 = arith.constant 0 : i32
        %dma_start3A_573 = tpu.memref_slice %arg8[%add3A_531, %dma_start3A_572] : memref<250x40xi32, #tpu.memory_space<vmem>> -> memref<1x40xi32, #tpu.memory_space<vmem>>
        %dma_start3A_574 = tpu.memref_squeeze %dma_start3A_573 : memref<1x40xi32, #tpu.memory_space<vmem>> -> memref<40xi32, #tpu.memory_space<vmem>>
        %dma_start3A_575 = arith.constant 0 : i32
        %dma_start3A_576 = arith.constant 0 : i32
        %dma_start3A_577 = tpu.memref_slice %arg2[%dma_start3A_575, %dma_start3A_576] : memref<10000x128xf32, #tpu.memory_space<hbm>> -> memref<10000x128xf32, #tpu.memory_space<hbm>>
        tpu.enqueue_indirect_dma source(%dma_start3A_577 : memref<10000x128xf32, #tpu.memory_space<hbm>>) target(%arg12 : memref<40x128xf32, #tpu.memory_space<vmem>>) offsets(%dma_start3A_574 : memref<40xi32, #tpu.memory_space<vmem>>) semaphore(%arg18 : memref<!tpu.dma_semaphore, #tpu.memory_space<semaphore_mem>>)
      } else {
      }
      %add3A_537 = arith.constant 3 : i32
      %add3A_538 = arith.addi %mul3A_426, %add3A_537 : i32
      %add3A_539 = arith.constant 6 : i32
      %add3A_540 = arith.addi %add3A_538, %add3A_539 : i32
      %lt3A_541 = arith.constant 250 : i32
      %lt3A_542 = arith.cmpi slt, %add3A_540, %lt3A_541 : i32
      %convert_element_type3A_543 = arith.extui %lt3A_542 : i1 to i32
      %cond3A_544 = arith.constant 0 : i32
      %cond3A_545 = arith.cmpi ne, %convert_element_type3A_543, %cond3A_544 : i32
      scf.if %cond3A_545 {
        %add3A_564 = arith.constant 3 : i32
        %add3A_565 = arith.addi %mul3A_426, %add3A_564 : i32
        %dma_wait3A_566 = arith.constant 0 : i32
        %dma_wait3A_567 = tpu.memref_slice %arg9[%add3A_565, %dma_wait3A_566] : memref<250x40xi32, #tpu.memory_space<vmem>> -> memref<1x40xi32, #tpu.memory_space<vmem>>
        %dma_wait3A_568 = tpu.memref_squeeze %dma_wait3A_567 : memref<1x40xi32, #tpu.memory_space<vmem>> -> memref<40xi32, #tpu.memory_space<vmem>>
        %dma_wait3A_569 = arith.constant 0 : i32
        %dma_wait3A_570 = arith.constant 0 : i32
        %dma_wait3A_571 = tpu.memref_slice %arg28[%dma_wait3A_569, %dma_wait3A_570] : memref<10000x128xf32, #tpu.memory_space<vmem_shared>> -> memref<10000x128xf32, #tpu.memory_space<vmem_shared>>
        tpu.wait_indirect_dma semaphore(%arg25 : memref<!tpu.dma_semaphore, #tpu.memory_space<semaphore_mem>>) src(%arg13 : memref<40x128xf32, #tpu.memory_space<vmem>>) dst(%dma_wait3A_571 : memref<10000x128xf32, #tpu.memory_space<vmem_shared>>)
        %dma_start3A_572 = arith.constant 0 : i32
        %dma_start3A_573 = tpu.memref_slice %arg8[%add3A_540, %dma_start3A_572] : memref<250x40xi32, #tpu.memory_space<vmem>> -> memref<1x40xi32, #tpu.memory_space<vmem>>
        %dma_start3A_574 = tpu.memref_squeeze %dma_start3A_573 : memref<1x40xi32, #tpu.memory_space<vmem>> -> memref<40xi32, #tpu.memory_space<vmem>>
        %dma_start3A_575 = arith.constant 0 : i32
        %dma_start3A_576 = arith.constant 0 : i32
        %dma_start3A_577 = tpu.memref_slice %arg2[%dma_start3A_575, %dma_start3A_576] : memref<10000x128xf32, #tpu.memory_space<hbm>> -> memref<10000x128xf32, #tpu.memory_space<hbm>>
        tpu.enqueue_indirect_dma source(%dma_start3A_577 : memref<10000x128xf32, #tpu.memory_space<hbm>>) target(%arg13 : memref<40x128xf32, #tpu.memory_space<vmem>>) offsets(%dma_start3A_574 : memref<40xi32, #tpu.memory_space<vmem>>) semaphore(%arg19 : memref<!tpu.dma_semaphore, #tpu.memory_space<semaphore_mem>>)
      } else {
      }
      %add3A_546 = arith.constant 4 : i32
      %add3A_547 = arith.addi %mul3A_426, %add3A_546 : i32
      %add3A_548 = arith.constant 6 : i32
      %add3A_549 = arith.addi %add3A_547, %add3A_548 : i32
      %lt3A_550 = arith.constant 250 : i32
      %lt3A_551 = arith.cmpi slt, %add3A_549, %lt3A_550 : i32
      %convert_element_type3A_552 = arith.extui %lt3A_551 : i1 to i32
      %cond3A_553 = arith.constant 0 : i32
      %cond3A_554 = arith.cmpi ne, %convert_element_type3A_552, %cond3A_553 : i32
      scf.if %cond3A_554 {
        %add3A_564 = arith.constant 4 : i32
        %add3A_565 = arith.addi %mul3A_426, %add3A_564 : i32
        %dma_wait3A_566 = arith.constant 0 : i32
        %dma_wait3A_567 = tpu.memref_slice %arg9[%add3A_565, %dma_wait3A_566] : memref<250x40xi32, #tpu.memory_space<vmem>> -> memref<1x40xi32, #tpu.memory_space<vmem>>
        %dma_wait3A_568 = tpu.memref_squeeze %dma_wait3A_567 : memref<1x40xi32, #tpu.memory_space<vmem>> -> memref<40xi32, #tpu.memory_space<vmem>>
        %dma_wait3A_569 = arith.constant 0 : i32
        %dma_wait3A_570 = arith.constant 0 : i32
        %dma_wait3A_571 = tpu.memref_slice %arg28[%dma_wait3A_569, %dma_wait3A_570] : memref<10000x128xf32, #tpu.memory_space<vmem_shared>> -> memref<10000x128xf32, #tpu.memory_space<vmem_shared>>
        tpu.wait_indirect_dma semaphore(%arg26 : memref<!tpu.dma_semaphore, #tpu.memory_space<semaphore_mem>>) src(%arg14 : memref<40x128xf32, #tpu.memory_space<vmem>>) dst(%dma_wait3A_571 : memref<10000x128xf32, #tpu.memory_space<vmem_shared>>)
        %dma_start3A_572 = arith.constant 0 : i32
        %dma_start3A_573 = tpu.memref_slice %arg8[%add3A_549, %dma_start3A_572] : memref<250x40xi32, #tpu.memory_space<vmem>> -> memref<1x40xi32, #tpu.memory_space<vmem>>
        %dma_start3A_574 = tpu.memref_squeeze %dma_start3A_573 : memref<1x40xi32, #tpu.memory_space<vmem>> -> memref<40xi32, #tpu.memory_space<vmem>>
        %dma_start3A_575 = arith.constant 0 : i32
        %dma_start3A_576 = arith.constant 0 : i32
        %dma_start3A_577 = tpu.memref_slice %arg2[%dma_start3A_575, %dma_start3A_576] : memref<10000x128xf32, #tpu.memory_space<hbm>> -> memref<10000x128xf32, #tpu.memory_space<hbm>>
        tpu.enqueue_indirect_dma source(%dma_start3A_577 : memref<10000x128xf32, #tpu.memory_space<hbm>>) target(%arg14 : memref<40x128xf32, #tpu.memory_space<vmem>>) offsets(%dma_start3A_574 : memref<40xi32, #tpu.memory_space<vmem>>) semaphore(%arg20 : memref<!tpu.dma_semaphore, #tpu.memory_space<semaphore_mem>>)
      } else {
      }
      %add3A_555 = arith.constant 5 : i32
      %add3A_556 = arith.addi %mul3A_426, %add3A_555 : i32
      %add3A_557 = arith.constant 6 : i32
      %add3A_558 = arith.addi %add3A_556, %add3A_557 : i32
      %lt3A_559 = arith.constant 250 : i32
      %lt3A_560 = arith.cmpi slt, %add3A_558, %lt3A_559 : i32
      %convert_element_type3A_561 = arith.extui %lt3A_560 : i1 to i32
      %cond3A_562 = arith.constant 0 : i32
      %cond3A_563 = arith.cmpi ne, %convert_element_type3A_561, %cond3A_562 : i32
      scf.if %cond3A_563 {
        %add3A_564 = arith.constant 5 : i32
        %add3A_565 = arith.addi %mul3A_426, %add3A_564 : i32
        %dma_wait3A_566 = arith.constant 0 : i32
        %dma_wait3A_567 = tpu.memref_slice %arg9[%add3A_565, %dma_wait3A_566] : memref<250x40xi32, #tpu.memory_space<vmem>> -> memref<1x40xi32, #tpu.memory_space<vmem>>
        %dma_wait3A_568 = tpu.memref_squeeze %dma_wait3A_567 : memref<1x40xi32, #tpu.memory_space<vmem>> -> memref<40xi32, #tpu.memory_space<vmem>>
        %dma_wait3A_569 = arith.constant 0 : i32
        %dma_wait3A_570 = arith.constant 0 : i32
        %dma_wait3A_571 = tpu.memref_slice %arg28[%dma_wait3A_569, %dma_wait3A_570] : memref<10000x128xf32, #tpu.memory_space<vmem_shared>> -> memref<10000x128xf32, #tpu.memory_space<vmem_shared>>
        tpu.wait_indirect_dma semaphore(%arg27 : memref<!tpu.dma_semaphore, #tpu.memory_space<semaphore_mem>>) src(%arg15 : memref<40x128xf32, #tpu.memory_space<vmem>>) dst(%dma_wait3A_571 : memref<10000x128xf32, #tpu.memory_space<vmem_shared>>)
        %dma_start3A_572 = arith.constant 0 : i32
        %dma_start3A_573 = tpu.memref_slice %arg8[%add3A_558, %dma_start3A_572] : memref<250x40xi32, #tpu.memory_space<vmem>> -> memref<1x40xi32, #tpu.memory_space<vmem>>
        %dma_start3A_574 = tpu.memref_squeeze %dma_start3A_573 : memref<1x40xi32, #tpu.memory_space<vmem>> -> memref<40xi32, #tpu.memory_space<vmem>>
        %dma_start3A_575 = arith.constant 0 : i32
        %dma_start3A_576 = arith.constant 0 : i32
        %dma_start3A_577 = tpu.memref_slice %arg2[%dma_start3A_575, %dma_start3A_576] : memref<10000x128xf32, #tpu.memory_space<hbm>> -> memref<10000x128xf32, #tpu.memory_space<hbm>>
        tpu.enqueue_indirect_dma source(%dma_start3A_577 : memref<10000x128xf32, #tpu.memory_space<hbm>>) target(%arg15 : memref<40x128xf32, #tpu.memory_space<vmem>>) offsets(%dma_start3A_574 : memref<40xi32, #tpu.memory_space<vmem>>) semaphore(%arg21 : memref<!tpu.dma_semaphore, #tpu.memory_space<semaphore_mem>>)
      } else {
      }
    }
    %scan3A_314 = arith.constant 41 : i32
    %dma_wait3A_315 = arith.constant 246 : i32
    %dma_wait3A_316 = arith.constant 0 : i32
    %dma_wait3A_317 = tpu.memref_slice %arg8[%dma_wait3A_315, %dma_wait3A_316] : memref<250x40xi32, #tpu.memory_space<vmem>> -> memref<1x40xi32, #tpu.memory_space<vmem>>
    %dma_wait3A_318 = tpu.memref_squeeze %dma_wait3A_317 : memref<1x40xi32, #tpu.memory_space<vmem>> -> memref<40xi32, #tpu.memory_space<vmem>>
    %dma_wait3A_319 = arith.constant 0 : i32
    %dma_wait3A_320 = arith.constant 0 : i32
    %dma_wait3A_321 = tpu.memref_slice %arg2[%dma_wait3A_319, %dma_wait3A_320] : memref<10000x128xf32, #tpu.memory_space<hbm>> -> memref<10000x128xf32, #tpu.memory_space<hbm>>
    tpu.wait_indirect_dma semaphore(%arg16 : memref<!tpu.dma_semaphore, #tpu.memory_space<semaphore_mem>>) src(%dma_wait3A_321 : memref<10000x128xf32, #tpu.memory_space<hbm>>) dst(%arg10 : memref<40x128xf32, #tpu.memory_space<vmem>>)
    %dma_start3A_322 = arith.constant 246 : i32
    %dma_start3A_323 = arith.constant 0 : i32
    %dma_start3A_324 = tpu.memref_slice %arg9[%dma_start3A_322, %dma_start3A_323] : memref<250x40xi32, #tpu.memory_space<vmem>> -> memref<1x40xi32, #tpu.memory_space<vmem>>
    %dma_start3A_325 = tpu.memref_squeeze %dma_start3A_324 : memref<1x40xi32, #tpu.memory_space<vmem>> -> memref<40xi32, #tpu.memory_space<vmem>>
    %dma_start3A_326 = arith.constant 0 : i32
    %dma_start3A_327 = arith.constant 0 : i32
    %dma_start3A_328 = tpu.memref_slice %arg28[%dma_start3A_326, %dma_start3A_327] : memref<10000x128xf32, #tpu.memory_space<vmem_shared>> -> memref<10000x128xf32, #tpu.memory_space<vmem_shared>>
    tpu.enqueue_indirect_dma source(%arg10 : memref<40x128xf32, #tpu.memory_space<vmem>>) target(%dma_start3A_328 : memref<10000x128xf32, #tpu.memory_space<vmem_shared>>) offsets(%dma_start3A_325 : memref<40xi32, #tpu.memory_space<vmem>>) semaphore(%arg22 : memref<!tpu.dma_semaphore, #tpu.memory_space<semaphore_mem>>) {add = true}
    %dma_wait3A_329 = arith.constant 247 : i32
    %dma_wait3A_330 = arith.constant 0 : i32
    %dma_wait3A_331 = tpu.memref_slice %arg8[%dma_wait3A_329, %dma_wait3A_330] : memref<250x40xi32, #tpu.memory_space<vmem>> -> memref<1x40xi32, #tpu.memory_space<vmem>>
    %dma_wait3A_332 = tpu.memref_squeeze %dma_wait3A_331 : memref<1x40xi32, #tpu.memory_space<vmem>> -> memref<40xi32, #tpu.memory_space<vmem>>
    %dma_wait3A_333 = arith.constant 0 : i32
    %dma_wait3A_334 = arith.constant 0 : i32
    %dma_wait3A_335 = tpu.memref_slice %arg2[%dma_wait3A_333, %dma_wait3A_334] : memref<10000x128xf32, #tpu.memory_space<hbm>> -> memref<10000x128xf32, #tpu.memory_space<hbm>>
    tpu.wait_indirect_dma semaphore(%arg17 : memref<!tpu.dma_semaphore, #tpu.memory_space<semaphore_mem>>) src(%dma_wait3A_335 : memref<10000x128xf32, #tpu.memory_space<hbm>>) dst(%arg11 : memref<40x128xf32, #tpu.memory_space<vmem>>)
    %dma_start3A_336 = arith.constant 247 : i32
    %dma_start3A_337 = arith.constant 0 : i32
    %dma_start3A_338 = tpu.memref_slice %arg9[%dma_start3A_336, %dma_start3A_337] : memref<250x40xi32, #tpu.memory_space<vmem>> -> memref<1x40xi32, #tpu.memory_space<vmem>>
    %dma_start3A_339 = tpu.memref_squeeze %dma_start3A_338 : memref<1x40xi32, #tpu.memory_space<vmem>> -> memref<40xi32, #tpu.memory_space<vmem>>
    %dma_start3A_340 = arith.constant 0 : i32
    %dma_start3A_341 = arith.constant 0 : i32
    %dma_start3A_342 = tpu.memref_slice %arg28[%dma_start3A_340, %dma_start3A_341] : memref<10000x128xf32, #tpu.memory_space<vmem_shared>> -> memref<10000x128xf32, #tpu.memory_space<vmem_shared>>
    tpu.enqueue_indirect_dma source(%arg11 : memref<40x128xf32, #tpu.memory_space<vmem>>) target(%dma_start3A_342 : memref<10000x128xf32, #tpu.memory_space<vmem_shared>>) offsets(%dma_start3A_339 : memref<40xi32, #tpu.memory_space<vmem>>) semaphore(%arg23 : memref<!tpu.dma_semaphore, #tpu.memory_space<semaphore_mem>>) {add = true}
    %dma_wait3A_343 = arith.constant 248 : i32
    %dma_wait3A_344 = arith.constant 0 : i32
    %dma_wait3A_345 = tpu.memref_slice %arg8[%dma_wait3A_343, %dma_wait3A_344] : memref<250x40xi32, #tpu.memory_space<vmem>> -> memref<1x40xi32, #tpu.memory_space<vmem>>
    %dma_wait3A_346 = tpu.memref_squeeze %dma_wait3A_345 : memref<1x40xi32, #tpu.memory_space<vmem>> -> memref<40xi32, #tpu.memory_space<vmem>>
    %dma_wait3A_347 = arith.constant 0 : i32
    %dma_wait3A_348 = arith.constant 0 : i32
    %dma_wait3A_349 = tpu.memref_slice %arg2[%dma_wait3A_347, %dma_wait3A_348] : memref<10000x128xf32, #tpu.memory_space<hbm>> -> memref<10000x128xf32, #tpu.memory_space<hbm>>
    tpu.wait_indirect_dma semaphore(%arg18 : memref<!tpu.dma_semaphore, #tpu.memory_space<semaphore_mem>>) src(%dma_wait3A_349 : memref<10000x128xf32, #tpu.memory_space<hbm>>) dst(%arg12 : memref<40x128xf32, #tpu.memory_space<vmem>>)
    %dma_start3A_350 = arith.constant 248 : i32
    %dma_start3A_351 = arith.constant 0 : i32
    %dma_start3A_352 = tpu.memref_slice %arg9[%dma_start3A_350, %dma_start3A_351] : memref<250x40xi32, #tpu.memory_space<vmem>> -> memref<1x40xi32, #tpu.memory_space<vmem>>
    %dma_start3A_353 = tpu.memref_squeeze %dma_start3A_352 : memref<1x40xi32, #tpu.memory_space<vmem>> -> memref<40xi32, #tpu.memory_space<vmem>>
    %dma_start3A_354 = arith.constant 0 : i32
    %dma_start3A_355 = arith.constant 0 : i32
    %dma_start3A_356 = tpu.memref_slice %arg28[%dma_start3A_354, %dma_start3A_355] : memref<10000x128xf32, #tpu.memory_space<vmem_shared>> -> memref<10000x128xf32, #tpu.memory_space<vmem_shared>>
    tpu.enqueue_indirect_dma source(%arg12 : memref<40x128xf32, #tpu.memory_space<vmem>>) target(%dma_start3A_356 : memref<10000x128xf32, #tpu.memory_space<vmem_shared>>) offsets(%dma_start3A_353 : memref<40xi32, #tpu.memory_space<vmem>>) semaphore(%arg24 : memref<!tpu.dma_semaphore, #tpu.memory_space<semaphore_mem>>) {add = true}
    %dma_wait3A_357 = arith.constant 249 : i32
    %dma_wait3A_358 = arith.constant 0 : i32
    %dma_wait3A_359 = tpu.memref_slice %arg8[%dma_wait3A_357, %dma_wait3A_358] : memref<250x40xi32, #tpu.memory_space<vmem>> -> memref<1x40xi32, #tpu.memory_space<vmem>>
    %dma_wait3A_360 = tpu.memref_squeeze %dma_wait3A_359 : memref<1x40xi32, #tpu.memory_space<vmem>> -> memref<40xi32, #tpu.memory_space<vmem>>
    %dma_wait3A_361 = arith.constant 0 : i32
    %dma_wait3A_362 = arith.constant 0 : i32
    %dma_wait3A_363 = tpu.memref_slice %arg2[%dma_wait3A_361, %dma_wait3A_362] : memref<10000x128xf32, #tpu.memory_space<hbm>> -> memref<10000x128xf32, #tpu.memory_space<hbm>>
    tpu.wait_indirect_dma semaphore(%arg19 : memref<!tpu.dma_semaphore, #tpu.memory_space<semaphore_mem>>) src(%dma_wait3A_363 : memref<10000x128xf32, #tpu.memory_space<hbm>>) dst(%arg13 : memref<40x128xf32, #tpu.memory_space<vmem>>)
    %dma_start3A_364 = arith.constant 249 : i32
    %dma_start3A_365 = arith.constant 0 : i32
    %dma_start3A_366 = tpu.memref_slice %arg9[%dma_start3A_364, %dma_start3A_365] : memref<250x40xi32, #tpu.memory_space<vmem>> -> memref<1x40xi32, #tpu.memory_space<vmem>>
    %dma_start3A_367 = tpu.memref_squeeze %dma_start3A_366 : memref<1x40xi32, #tpu.memory_space<vmem>> -> memref<40xi32, #tpu.memory_space<vmem>>
    %dma_start3A_368 = arith.constant 0 : i32
    %dma_start3A_369 = arith.constant 0 : i32
    %dma_start3A_370 = tpu.memref_slice %arg28[%dma_start3A_368, %dma_start3A_369] : memref<10000x128xf32, #tpu.memory_space<vmem_shared>> -> memref<10000x128xf32, #tpu.memory_space<vmem_shared>>
    tpu.enqueue_indirect_dma source(%arg13 : memref<40x128xf32, #tpu.memory_space<vmem>>) target(%dma_start3A_370 : memref<10000x128xf32, #tpu.memory_space<vmem_shared>>) offsets(%dma_start3A_367 : memref<40xi32, #tpu.memory_space<vmem>>) semaphore(%arg25 : memref<!tpu.dma_semaphore, #tpu.memory_space<semaphore_mem>>) {add = true}
    %dma_wait3A_371 = arith.constant 244 : i32
    %dma_wait3A_372 = arith.constant 0 : i32
    %dma_wait3A_373 = tpu.memref_slice %arg9[%dma_wait3A_371, %dma_wait3A_372] : memref<250x40xi32, #tpu.memory_space<vmem>> -> memref<1x40xi32, #tpu.memory_space<vmem>>
    %dma_wait3A_374 = tpu.memref_squeeze %dma_wait3A_373 : memref<1x40xi32, #tpu.memory_space<vmem>> -> memref<40xi32, #tpu.memory_space<vmem>>
    %dma_wait3A_375 = arith.constant 0 : i32
    %dma_wait3A_376 = arith.constant 0 : i32
    %dma_wait3A_377 = tpu.memref_slice %arg28[%dma_wait3A_375, %dma_wait3A_376] : memref<10000x128xf32, #tpu.memory_space<vmem_shared>> -> memref<10000x128xf32, #tpu.memory_space<vmem_shared>>
    tpu.wait_indirect_dma semaphore(%arg26 : memref<!tpu.dma_semaphore, #tpu.memory_space<semaphore_mem>>) src(%arg14 : memref<40x128xf32, #tpu.memory_space<vmem>>) dst(%dma_wait3A_377 : memref<10000x128xf32, #tpu.memory_space<vmem_shared>>)
    %dma_wait3A_378 = arith.constant 245 : i32
    %dma_wait3A_379 = arith.constant 0 : i32
    %dma_wait3A_380 = tpu.memref_slice %arg9[%dma_wait3A_378, %dma_wait3A_379] : memref<250x40xi32, #tpu.memory_space<vmem>> -> memref<1x40xi32, #tpu.memory_space<vmem>>
    %dma_wait3A_381 = tpu.memref_squeeze %dma_wait3A_380 : memref<1x40xi32, #tpu.memory_space<vmem>> -> memref<40xi32, #tpu.memory_space<vmem>>
    %dma_wait3A_382 = arith.constant 0 : i32
    %dma_wait3A_383 = arith.constant 0 : i32
    %dma_wait3A_384 = tpu.memref_slice %arg28[%dma_wait3A_382, %dma_wait3A_383] : memref<10000x128xf32, #tpu.memory_space<vmem_shared>> -> memref<10000x128xf32, #tpu.memory_space<vmem_shared>>
    tpu.wait_indirect_dma semaphore(%arg27 : memref<!tpu.dma_semaphore, #tpu.memory_space<semaphore_mem>>) src(%arg15 : memref<40x128xf32, #tpu.memory_space<vmem>>) dst(%dma_wait3A_384 : memref<10000x128xf32, #tpu.memory_space<vmem_shared>>)
    %dma_wait3A_385 = arith.constant 246 : i32
    %dma_wait3A_386 = arith.constant 0 : i32
    %dma_wait3A_387 = tpu.memref_slice %arg9[%dma_wait3A_385, %dma_wait3A_386] : memref<250x40xi32, #tpu.memory_space<vmem>> -> memref<1x40xi32, #tpu.memory_space<vmem>>
    %dma_wait3A_388 = tpu.memref_squeeze %dma_wait3A_387 : memref<1x40xi32, #tpu.memory_space<vmem>> -> memref<40xi32, #tpu.memory_space<vmem>>
    %dma_wait3A_389 = arith.constant 0 : i32
    %dma_wait3A_390 = arith.constant 0 : i32
    %dma_wait3A_391 = tpu.memref_slice %arg28[%dma_wait3A_389, %dma_wait3A_390] : memref<10000x128xf32, #tpu.memory_space<vmem_shared>> -> memref<10000x128xf32, #tpu.memory_space<vmem_shared>>
    tpu.wait_indirect_dma semaphore(%arg22 : memref<!tpu.dma_semaphore, #tpu.memory_space<semaphore_mem>>) src(%arg10 : memref<40x128xf32, #tpu.memory_space<vmem>>) dst(%dma_wait3A_391 : memref<10000x128xf32, #tpu.memory_space<vmem_shared>>)
    %dma_wait3A_392 = arith.constant 247 : i32
    %dma_wait3A_393 = arith.constant 0 : i32
    %dma_wait3A_394 = tpu.memref_slice %arg9[%dma_wait3A_392, %dma_wait3A_393] : memref<250x40xi32, #tpu.memory_space<vmem>> -> memref<1x40xi32, #tpu.memory_space<vmem>>
    %dma_wait3A_395 = tpu.memref_squeeze %dma_wait3A_394 : memref<1x40xi32, #tpu.memory_space<vmem>> -> memref<40xi32, #tpu.memory_space<vmem>>
    %dma_wait3A_396 = arith.constant 0 : i32
    %dma_wait3A_397 = arith.constant 0 : i32
    %dma_wait3A_398 = tpu.memref_slice %arg28[%dma_wait3A_396, %dma_wait3A_397] : memref<10000x128xf32, #tpu.memory_space<vmem_shared>> -> memref<10000x128xf32, #tpu.memory_space<vmem_shared>>
    tpu.wait_indirect_dma semaphore(%arg23 : memref<!tpu.dma_semaphore, #tpu.memory_space<semaphore_mem>>) src(%arg11 : memref<40x128xf32, #tpu.memory_space<vmem>>) dst(%dma_wait3A_398 : memref<10000x128xf32, #tpu.memory_space<vmem_shared>>)
    %dma_wait3A_399 = arith.constant 248 : i32
    %dma_wait3A_400 = arith.constant 0 : i32
    %dma_wait3A_401 = tpu.memref_slice %arg9[%dma_wait3A_399, %dma_wait3A_400] : memref<250x40xi32, #tpu.memory_space<vmem>> -> memref<1x40xi32, #tpu.memory_space<vmem>>
    %dma_wait3A_402 = tpu.memref_squeeze %dma_wait3A_401 : memref<1x40xi32, #tpu.memory_space<vmem>> -> memref<40xi32, #tpu.memory_space<vmem>>
    %dma_wait3A_403 = arith.constant 0 : i32
    %dma_wait3A_404 = arith.constant 0 : i32
    %dma_wait3A_405 = tpu.memref_slice %arg28[%dma_wait3A_403, %dma_wait3A_404] : memref<10000x128xf32, #tpu.memory_space<vmem_shared>> -> memref<10000x128xf32, #tpu.memory_space<vmem_shared>>
    tpu.wait_indirect_dma semaphore(%arg24 : memref<!tpu.dma_semaphore, #tpu.memory_space<semaphore_mem>>) src(%arg12 : memref<40x128xf32, #tpu.memory_space<vmem>>) dst(%dma_wait3A_405 : memref<10000x128xf32, #tpu.memory_space<vmem_shared>>)
    %dma_wait3A_406 = arith.constant 249 : i32
    %dma_wait3A_407 = arith.constant 0 : i32
    %dma_wait3A_408 = tpu.memref_slice %arg9[%dma_wait3A_406, %dma_wait3A_407] : memref<250x40xi32, #tpu.memory_space<vmem>> -> memref<1x40xi32, #tpu.memory_space<vmem>>
    %dma_wait3A_409 = tpu.memref_squeeze %dma_wait3A_408 : memref<1x40xi32, #tpu.memory_space<vmem>> -> memref<40xi32, #tpu.memory_space<vmem>>
    %dma_wait3A_410 = arith.constant 0 : i32
    %dma_wait3A_411 = arith.constant 0 : i32
    %dma_wait3A_412 = tpu.memref_slice %arg28[%dma_wait3A_410, %dma_wait3A_411] : memref<10000x128xf32, #tpu.memory_space<vmem_shared>> -> memref<10000x128xf32, #tpu.memory_space<vmem_shared>>
    tpu.wait_indirect_dma semaphore(%arg25 : memref<!tpu.dma_semaphore, #tpu.memory_space<semaphore_mem>>) src(%arg13 : memref<40x128xf32, #tpu.memory_space<vmem>>) dst(%dma_wait3A_412 : memref<10000x128xf32, #tpu.memory_space<vmem_shared>>)
    %barrier3A_413 = arith.constant 0 : index
    tpu.barrier barrier_id(%barrier3A_413)
    %eq3A_414 = arith.constant 0 : i32
    %eq3A_415 = arith.cmpi eq, %arg0, %eq3A_414 : i32
    %convert_element_type3A_416 = arith.extui %eq3A_415 : i1 to i32
    %cond3A_417 = arith.constant 0 : i32
    %cond3A_418 = arith.cmpi ne, %convert_element_type3A_416, %cond3A_417 : i32
    scf.if %cond3A_418 {
      %lt3A = arith.constant 15 : i32
      %lt3A_424 = arith.cmpi slt, %arg1, %lt3A : i32
      %convert_element_type3A_425 = arith.extui %lt3A_424 : i1 to i32
      %cond3A_426 = arith.constant 0 : i32
      %cond3A_427 = arith.cmpi ne, %convert_element_type3A_425, %cond3A_426 : i32
      scf.if %cond3A_427 {
        "tpu.region"() ({
          %run_scoped3A = tpu.sem_alloc : memref<!tpu.dma_semaphore, #tpu.memory_space<semaphore_mem>>
          %dma_start3A_433 = arith.constant 0 : i32
          %dma_start3A_434 = tpu.memref_slice %arg6[%multiple_of3A, %dma_start3A_433] : memref<10000x128xf32, #tpu.memory_space<hbm>> -> memref<624x128xf32, #tpu.memory_space<hbm>>
          %dma_start3A_435 = arith.constant 0 : i32
          %dma_start3A_436 = tpu.memref_slice %arg28[%multiple_of3A, %dma_start3A_435] : memref<10000x128xf32, #tpu.memory_space<vmem_shared>> -> memref<624x128xf32, #tpu.memory_space<vmem_shared>>
          tpu.enqueue_dma source(%dma_start3A_436 : memref<624x128xf32, #tpu.memory_space<vmem_shared>>) target(%dma_start3A_434 : memref<624x128xf32, #tpu.memory_space<hbm>>) target_semaphore(%run_scoped3A : memref<!tpu.dma_semaphore, #tpu.memory_space<semaphore_mem>>)
          %dma_wait3A_437 = arith.constant 0 : i32
          %dma_wait3A_438 = tpu.memref_slice %arg6[%multiple_of3A, %dma_wait3A_437] : memref<10000x128xf32, #tpu.memory_space<hbm>> -> memref<624x128xf32, #tpu.memory_space<hbm>>
          %dma_wait3A_439 = arith.constant 0 : i32
          %dma_wait3A_440 = tpu.memref_slice %arg28[%multiple_of3A, %dma_wait3A_439] : memref<10000x128xf32, #tpu.memory_space<vmem_shared>> -> memref<624x128xf32, #tpu.memory_space<vmem_shared>>
          tpu.wait_dma2 semaphore(%run_scoped3A : memref<!tpu.dma_semaphore, #tpu.memory_space<semaphore_mem>>) src(%dma_wait3A_440 : memref<624x128xf32, #tpu.memory_space<vmem_shared>>) dst(%dma_wait3A_438 : memref<624x128xf32, #tpu.memory_space<hbm>>)
          tpu.yield
        }) : () -> ()
      } else {
      }
      %eq3A_428 = arith.constant 15 : i32
      %eq3A_429 = arith.cmpi eq, %arg1, %eq3A_428 : i32
      %convert_element_type3A_430 = arith.extui %eq3A_429 : i1 to i32
      %cond3A_431 = arith.constant 0 : i32
      %cond3A_432 = arith.cmpi ne, %convert_element_type3A_430, %cond3A_431 : i32
      scf.if %cond3A_432 {
        "tpu.region"() ({
          %run_scoped3A = tpu.sem_alloc : memref<!tpu.dma_semaphore, #tpu.memory_space<semaphore_mem>>
          %dma_start3A_433 = arith.constant 0 : i32
          %dma_start3A_434 = tpu.memref_slice %arg6[%multiple_of3A, %dma_start3A_433] : memref<10000x128xf32, #tpu.memory_space<hbm>> -> memref<640x128xf32, #tpu.memory_space<hbm>>
          %dma_start3A_435 = arith.constant 0 : i32
          %dma_start3A_436 = tpu.memref_slice %arg28[%multiple_of3A, %dma_start3A_435] : memref<10000x128xf32, #tpu.memory_space<vmem_shared>> -> memref<640x128xf32, #tpu.memory_space<vmem_shared>>
          tpu.enqueue_dma source(%dma_start3A_436 : memref<640x128xf32, #tpu.memory_space<vmem_shared>>) target(%dma_start3A_434 : memref<640x128xf32, #tpu.memory_space<hbm>>) target_semaphore(%run_scoped3A : memref<!tpu.dma_semaphore, #tpu.memory_space<semaphore_mem>>)
          %dma_wait3A_437 = arith.constant 0 : i32
          %dma_wait3A_438 = tpu.memref_slice %arg6[%multiple_of3A, %dma_wait3A_437] : memref<10000x128xf32, #tpu.memory_space<hbm>> -> memref<640x128xf32, #tpu.memory_space<hbm>>
          %dma_wait3A_439 = arith.constant 0 : i32
          %dma_wait3A_440 = tpu.memref_slice %arg28[%multiple_of3A, %dma_wait3A_439] : memref<10000x128xf32, #tpu.memory_space<vmem_shared>> -> memref<640x128xf32, #tpu.memory_space<vmem_shared>>
          tpu.wait_dma2 semaphore(%run_scoped3A : memref<!tpu.dma_semaphore, #tpu.memory_space<semaphore_mem>>) src(%dma_wait3A_440 : memref<640x128xf32, #tpu.memory_space<vmem_shared>>) dst(%dma_wait3A_438 : memref<640x128xf32, #tpu.memory_space<hbm>>)
          tpu.yield
        }) : () -> ()
      } else {
      }
    } else {
    }
    %eq3A_419 = arith.constant 1 : i32
    %eq3A_420 = arith.cmpi eq, %arg0, %eq3A_419 : i32
    %convert_element_type3A_421 = arith.extui %eq3A_420 : i1 to i32
    %cond3A_422 = arith.constant 0 : i32
    %cond3A_423 = arith.cmpi ne, %convert_element_type3A_421, %cond3A_422 : i32
    scf.if %cond3A_423 {
      %lt3A = arith.constant 15 : i32
      %lt3A_424 = arith.cmpi slt, %arg1, %lt3A : i32
      %convert_element_type3A_425 = arith.extui %lt3A_424 : i1 to i32
      %cond3A_426 = arith.constant 0 : i32
      %cond3A_427 = arith.cmpi ne, %convert_element_type3A_425, %cond3A_426 : i32
      scf.if %cond3A_427 {
        "tpu.region"() ({
          %run_scoped3A = tpu.sem_alloc : memref<!tpu.dma_semaphore, #tpu.memory_space<semaphore_mem>>
          %dma_start3A_433 = arith.constant 0 : i32
          %dma_start3A_434 = tpu.memref_slice %arg7[%multiple_of3A, %dma_start3A_433] : memref<10000x128xf32, #tpu.memory_space<hbm>> -> memref<624x128xf32, #tpu.memory_space<hbm>>
          %dma_start3A_435 = arith.constant 0 : i32
          %dma_start3A_436 = tpu.memref_slice %arg28[%multiple_of3A, %dma_start3A_435] : memref<10000x128xf32, #tpu.memory_space<vmem_shared>> -> memref<624x128xf32, #tpu.memory_space<vmem_shared>>
          tpu.enqueue_dma source(%dma_start3A_436 : memref<624x128xf32, #tpu.memory_space<vmem_shared>>) target(%dma_start3A_434 : memref<624x128xf32, #tpu.memory_space<hbm>>) target_semaphore(%run_scoped3A : memref<!tpu.dma_semaphore, #tpu.memory_space<semaphore_mem>>)
          %dma_wait3A_437 = arith.constant 0 : i32
          %dma_wait3A_438 = tpu.memref_slice %arg7[%multiple_of3A, %dma_wait3A_437] : memref<10000x128xf32, #tpu.memory_space<hbm>> -> memref<624x128xf32, #tpu.memory_space<hbm>>
          %dma_wait3A_439 = arith.constant 0 : i32
          %dma_wait3A_440 = tpu.memref_slice %arg28[%multiple_of3A, %dma_wait3A_439] : memref<10000x128xf32, #tpu.memory_space<vmem_shared>> -> memref<624x128xf32, #tpu.memory_space<vmem_shared>>
          tpu.wait_dma2 semaphore(%run_scoped3A : memref<!tpu.dma_semaphore, #tpu.memory_space<semaphore_mem>>) src(%dma_wait3A_440 : memref<624x128xf32, #tpu.memory_space<vmem_shared>>) dst(%dma_wait3A_438 : memref<624x128xf32, #tpu.memory_space<hbm>>)
          tpu.yield
        }) : () -> ()
      } else {
      }
      %eq3A_428 = arith.constant 15 : i32
      %eq3A_429 = arith.cmpi eq, %arg1, %eq3A_428 : i32
      %convert_element_type3A_430 = arith.extui %eq3A_429 : i1 to i32
      %cond3A_431 = arith.constant 0 : i32
      %cond3A_432 = arith.cmpi ne, %convert_element_type3A_430, %cond3A_431 : i32
      scf.if %cond3A_432 {
        "tpu.region"() ({
          %run_scoped3A = tpu.sem_alloc : memref<!tpu.dma_semaphore, #tpu.memory_space<semaphore_mem>>
          %dma_start3A_433 = arith.constant 0 : i32
          %dma_start3A_434 = tpu.memref_slice %arg7[%multiple_of3A, %dma_start3A_433] : memref<10000x128xf32, #tpu.memory_space<hbm>> -> memref<640x128xf32, #tpu.memory_space<hbm>>
          %dma_start3A_435 = arith.constant 0 : i32
          %dma_start3A_436 = tpu.memref_slice %arg28[%multiple_of3A, %dma_start3A_435] : memref<10000x128xf32, #tpu.memory_space<vmem_shared>> -> memref<640x128xf32, #tpu.memory_space<vmem_shared>>
          tpu.enqueue_dma source(%dma_start3A_436 : memref<640x128xf32, #tpu.memory_space<vmem_shared>>) target(%dma_start3A_434 : memref<640x128xf32, #tpu.memory_space<hbm>>) target_semaphore(%run_scoped3A : memref<!tpu.dma_semaphore, #tpu.memory_space<semaphore_mem>>)
          %dma_wait3A_437 = arith.constant 0 : i32
          %dma_wait3A_438 = tpu.memref_slice %arg7[%multiple_of3A, %dma_wait3A_437] : memref<10000x128xf32, #tpu.memory_space<hbm>> -> memref<640x128xf32, #tpu.memory_space<hbm>>
          %dma_wait3A_439 = arith.constant 0 : i32
          %dma_wait3A_440 = tpu.memref_slice %arg28[%multiple_of3A, %dma_wait3A_439] : memref<10000x128xf32, #tpu.memory_space<vmem_shared>> -> memref<640x128xf32, #tpu.memory_space<vmem_shared>>
          tpu.wait_dma2 semaphore(%run_scoped3A : memref<!tpu.dma_semaphore, #tpu.memory_space<semaphore_mem>>) src(%dma_wait3A_440 : memref<640x128xf32, #tpu.memory_space<vmem_shared>>) dst(%dma_wait3A_438 : memref<640x128xf32, #tpu.memory_space<hbm>>)
          tpu.yield
        }) : () -> ()
      } else {
      }
    } else {
    }
    return
  }
}

#map = affine_map<(d0, d1) -> (0, 0)>
#map1 = affine_map<(d0, d1) -> (0, 0, 0)>
module attributes {stable_mosaic.version = 14 : i64} {
  func.func @spmm(%arg0: i32, %arg1: i32, %arg2: memref<10000x128xf32, #tpu.memory_space<hbm>>, %arg3: memref<32x250x40xi32, #tpu.memory_space<hbm>>, %arg4: memref<32x250x40xi32, #tpu.memory_space<hbm>>, %arg5: memref<40x128xf32, #tpu.memory_space<hbm>>, %arg6: memref<10000x128xf32, #tpu.memory_space<hbm>>, %arg7: memref<10000x128xf32, #tpu.memory_space<hbm>>, %arg8: memref<250x40xi32, #tpu.memory_space<vmem>>, %arg9: memref<250x40xi32, #tpu.memory_space<vmem>>, %arg10: memref<40x128xf32, #tpu.memory_space<vmem>>, %arg11: memref<40x128xf32, #tpu.memory_space<vmem>>, %arg12: memref<40x128xf32, #tpu.memory_space<vmem>>, %arg13: memref<40x128xf32, #tpu.memory_space<vmem>>, %arg14: memref<40x128xf32, #tpu.memory_space<vmem>>, %arg15: memref<40x128xf32, #tpu.memory_space<vmem>>, %arg16: memref<!tpu.dma_semaphore, #tpu.memory_space<semaphore_mem>>, %arg17: memref<!tpu.dma_semaphore, #tpu.memory_space<semaphore_mem>>, %arg18: memref<!tpu.dma_semaphore, #tpu.memory_space<semaphore_mem>>, %arg19: memref<!tpu.dma_semaphore, #tpu.memory_space<semaphore_mem>>, %arg20: memref<!tpu.dma_semaphore, #tpu.memory_space<semaphore_mem>>, %arg21: memref<!tpu.dma_semaphore, #tpu.memory_space<semaphore_mem>>, %arg22: memref<!tpu.dma_semaphore, #tpu.memory_space<semaphore_mem>>, %arg23: memref<!tpu.dma_semaphore, #tpu.memory_space<semaphore_mem>>, %arg24: memref<!tpu.dma_semaphore, #tpu.memory_space<semaphore_mem>>, %arg25: memref<!tpu.dma_semaphore, #tpu.memory_space<semaphore_mem>>, %arg26: memref<!tpu.dma_semaphore, #tpu.memory_space<semaphore_mem>>, %arg27: memref<!tpu.dma_semaphore, #tpu.memory_space<semaphore_mem>>, %arg28: memref<10000x128xf32, #tpu.memory_space<vmem_shared>>, %arg29: memref<!tpu.dma_semaphore, #tpu.memory_space<semaphore_mem>>) attributes {dimension_semantics = [#tpu.dimension_semantics<core_parallel>, #tpu.dimension_semantics<subcore_parallel>], iteration_bounds = array<i64: 2, 16>, scalar_prefetch = 0 : i64, scratch_operands = 22 : i64, tpu.core_type = #tpu.core_type<sc_vector_subcore>, window_params = [{transform_indices = #map}, {transform_indices = #map1}, {transform_indices = #map1}, {transform_indices = #map}, {transform_indices = #map}, {transform_indices = #map}]} {
    %mul3A = arith.constant 16 : i32
    %mul3A_0 = arith.muli %arg0, %mul3A : i32
    %add3A = arith.addi %mul3A_0, %arg1 : i32
    %mul3A_1 = arith.constant 624 : i32
    %mul3A_2 = arith.muli %arg1, %mul3A_1 : i32
    %multiple_of3A = tpu.assume_multiple %mul3A_2, 8 : i32
    %dma_start3A = arith.constant 0 : i32
    %dma_start3A_3 = arith.constant 0 : i32
    %dma_start3A_4 = tpu.memref_slice %arg3[%add3A, %dma_start3A, %dma_start3A_3] : memref<32x250x40xi32, #tpu.memory_space<hbm>> -> memref<1x250x40xi32, #tpu.memory_space<hbm>>
    %dma_start3A_5 = tpu.memref_squeeze %dma_start3A_4 : memref<1x250x40xi32, #tpu.memory_space<hbm>> -> memref<250x40xi32, #tpu.memory_space<hbm>>
    %dma_start3A_6 = arith.constant 0 : i32
    %dma_start3A_7 = arith.constant 0 : i32
    %dma_start3A_8 = tpu.memref_slice %arg3[%add3A, %dma_start3A_6, %dma_start3A_7] : memref<32x250x40xi32, #tpu.memory_space<hbm>> -> memref<1x250x40xi32, #tpu.memory_space<hbm>>
    %dma_start3A_9 = tpu.memref_squeeze %dma_start3A_8 : memref<1x250x40xi32, #tpu.memory_space<hbm>> -> memref<250x40xi32, #tpu.memory_space<hbm>>
    tpu.enqueue_dma source(%dma_start3A_9 : memref<250x40xi32, #tpu.memory_space<hbm>>) target(%arg8 : memref<250x40xi32, #tpu.memory_space<vmem>>) target_semaphore(%arg29 : memref<!tpu.dma_semaphore, #tpu.memory_space<semaphore_mem>>)
    %dma_start3A_10 = arith.constant 0 : i32
    %dma_start3A_11 = arith.constant 0 : i32
    %dma_start3A_12 = tpu.memref_slice %arg4[%add3A, %dma_start3A_10, %dma_start3A_11] : memref<32x250x40xi32, #tpu.memory_space<hbm>> -> memref<1x250x40xi32, #tpu.memory_space<hbm>>
    %dma_start3A_13 = tpu.memref_squeeze %dma_start3A_12 : memref<1x250x40xi32, #tpu.memory_space<hbm>> -> memref<250x40xi32, #tpu.memory_space<hbm>>
    %dma_start3A_14 = arith.constant 0 : i32
    %dma_start3A_15 = arith.constant 0 : i32
    %dma_start3A_16 = tpu.memref_slice %arg4[%add3A, %dma_start3A_14, %dma_start3A_15] : memref<32x250x40xi32, #tpu.memory_space<hbm>> -> memref<1x250x40xi32, #tpu.memory_space<hbm>>
    %dma_start3A_17 = tpu.memref_squeeze %dma_start3A_16 : memref<1x250x40xi32, #tpu.memory_space<hbm>> -> memref<250x40xi32, #tpu.memory_space<hbm>>
    tpu.enqueue_dma source(%dma_start3A_17 : memref<250x40xi32, #tpu.memory_space<hbm>>) target(%arg9 : memref<250x40xi32, #tpu.memory_space<vmem>>) target_semaphore(%arg29 : memref<!tpu.dma_semaphore, #tpu.memory_space<semaphore_mem>>)
    "tpu.region"() ({
      %run_scoped3A = tpu.sem_alloc : memref<!tpu.dma_semaphore, #tpu.memory_space<semaphore_mem>>
      tpu.enqueue_dma source(%arg5 : memref<40x128xf32, #tpu.memory_space<hbm>>) target(%arg15 : memref<40x128xf32, #tpu.memory_space<vmem>>) target_semaphore(%run_scoped3A : memref<!tpu.dma_semaphore, #tpu.memory_space<semaphore_mem>>)
      tpu.wait_dma2 semaphore(%run_scoped3A : memref<!tpu.dma_semaphore, #tpu.memory_space<semaphore_mem>>) src(%arg5 : memref<40x128xf32, #tpu.memory_space<hbm>>) dst(%arg15 : memref<40x128xf32, #tpu.memory_space<vmem>>)
      tpu.yield
    }) : () -> ()
    %dma_wait3A = arith.constant 0 : i32
    %dma_wait3A_18 = arith.constant 0 : i32
    %dma_wait3A_19 = tpu.memref_slice %arg3[%add3A, %dma_wait3A, %dma_wait3A_18] : memref<32x250x40xi32, #tpu.memory_space<hbm>> -> memref<1x250x40xi32, #tpu.memory_space<hbm>>
    %dma_wait3A_20 = tpu.memref_squeeze %dma_wait3A_19 : memref<1x250x40xi32, #tpu.memory_space<hbm>> -> memref<250x40xi32, #tpu.memory_space<hbm>>
    %dma_wait3A_21 = arith.constant 0 : i32
    %dma_wait3A_22 = arith.constant 0 : i32
    %dma_wait3A_23 = tpu.memref_slice %arg3[%add3A, %dma_wait3A_21, %dma_wait3A_22] : memref<32x250x40xi32, #tpu.memory_space<hbm>> -> memref<1x250x40xi32, #tpu.memory_space<hbm>>
    %dma_wait3A_24 = tpu.memref_squeeze %dma_wait3A_23 : memref<1x250x40xi32, #tpu.memory_space<hbm>> -> memref<250x40xi32, #tpu.memory_space<hbm>>
    tpu.wait_dma2 semaphore(%arg29 : memref<!tpu.dma_semaphore, #tpu.memory_space<semaphore_mem>>) src(%dma_wait3A_24 : memref<250x40xi32, #tpu.memory_space<hbm>>) dst(%arg8 : memref<250x40xi32, #tpu.memory_space<vmem>>)
    %dma_start3A_25 = arith.constant 0 : i32
    %dma_start3A_26 = arith.constant 0 : i32
    %dma_start3A_27 = tpu.memref_slice %arg8[%dma_start3A_25, %dma_start3A_26] : memref<250x40xi32, #tpu.memory_space<vmem>> -> memref<1x40xi32, #tpu.memory_space<vmem>>
    %dma_start3A_28 = tpu.memref_squeeze %dma_start3A_27 : memref<1x40xi32, #tpu.memory_space<vmem>> -> memref<40xi32, #tpu.memory_space<vmem>>
    %dma_start3A_29 = arith.constant 0 : i32
    %dma_start3A_30 = arith.constant 0 : i32
    %dma_start3A_31 = tpu.memref_slice %arg2[%dma_start3A_29, %dma_start3A_30] : memref<10000x128xf32, #tpu.memory_space<hbm>> -> memref<10000x128xf32, #tpu.memory_space<hbm>>
    tpu.enqueue_indirect_dma source(%dma_start3A_31 : memref<10000x128xf32, #tpu.memory_space<hbm>>) target(%arg10 : memref<40x128xf32, #tpu.memory_space<vmem>>) offsets(%dma_start3A_28 : memref<40xi32, #tpu.memory_space<vmem>>) semaphore(%arg16 : memref<!tpu.dma_semaphore, #tpu.memory_space<semaphore_mem>>)
    %dma_start3A_32 = arith.constant 1 : i32
    %dma_start3A_33 = arith.constant 0 : i32
    %dma_start3A_34 = tpu.memref_slice %arg8[%dma_start3A_32, %dma_start3A_33] : memref<250x40xi32, #tpu.memory_space<vmem>> -> memref<1x40xi32, #tpu.memory_space<vmem>>
    %dma_start3A_35 = tpu.memref_squeeze %dma_start3A_34 : memref<1x40xi32, #tpu.memory_space<vmem>> -> memref<40xi32, #tpu.memory_space<vmem>>
    %dma_start3A_36 = arith.constant 0 : i32
    %dma_start3A_37 = arith.constant 0 : i32
    %dma_start3A_38 = tpu.memref_slice %arg2[%dma_start3A_36, %dma_start3A_37] : memref<10000x128xf32, #tpu.memory_space<hbm>> -> memref<10000x128xf32, #tpu.memory_space<hbm>>
    tpu.enqueue_indirect_dma source(%dma_start3A_38 : memref<10000x128xf32, #tpu.memory_space<hbm>>) target(%arg11 : memref<40x128xf32, #tpu.memory_space<vmem>>) offsets(%dma_start3A_35 : memref<40xi32, #tpu.memory_space<vmem>>) semaphore(%arg17 : memref<!tpu.dma_semaphore, #tpu.memory_space<semaphore_mem>>)
    %dma_start3A_39 = arith.constant 2 : i32
    %dma_start3A_40 = arith.constant 0 : i32
    %dma_start3A_41 = tpu.memref_slice %arg8[%dma_start3A_39, %dma_start3A_40] : memref<250x40xi32, #tpu.memory_space<vmem>> -> memref<1x40xi32, #tpu.memory_space<vmem>>
    %dma_start3A_42 = tpu.memref_squeeze %dma_start3A_41 : memref<1x40xi32, #tpu.memory_space<vmem>> -> memref<40xi32, #tpu.memory_space<vmem>>
    %dma_start3A_43 = arith.constant 0 : i32
    %dma_start3A_44 = arith.constant 0 : i32
    %dma_start3A_45 = tpu.memref_slice %arg2[%dma_start3A_43, %dma_start3A_44] : memref<10000x128xf32, #tpu.memory_space<hbm>> -> memref<10000x128xf32, #tpu.memory_space<hbm>>
    tpu.enqueue_indirect_dma source(%dma_start3A_45 : memref<10000x128xf32, #tpu.memory_space<hbm>>) target(%arg12 : memref<40x128xf32, #tpu.memory_space<vmem>>) offsets(%dma_start3A_42 : memref<40xi32, #tpu.memory_space<vmem>>) semaphore(%arg18 : memref<!tpu.dma_semaphore, #tpu.memory_space<semaphore_mem>>)
    %dma_start3A_46 = arith.constant 3 : i32
    %dma_start3A_47 = arith.constant 0 : i32
    %dma_start3A_48 = tpu.memref_slice %arg8[%dma_start3A_46, %dma_start3A_47] : memref<250x40xi32, #tpu.memory_space<vmem>> -> memref<1x40xi32, #tpu.memory_space<vmem>>
    %dma_start3A_49 = tpu.memref_squeeze %dma_start3A_48 : memref<1x40xi32, #tpu.memory_space<vmem>> -> memref<40xi32, #tpu.memory_space<vmem>>
    %dma_start3A_50 = arith.constant 0 : i32
    %dma_start3A_51 = arith.constant 0 : i32
    %dma_start3A_52 = tpu.memref_slice %arg2[%dma_start3A_50, %dma_start3A_51] : memref<10000x128xf32, #tpu.memory_space<hbm>> -> memref<10000x128xf32, #tpu.memory_space<hbm>>
    tpu.enqueue_indirect_dma source(%dma_start3A_52 : memref<10000x128xf32, #tpu.memory_space<hbm>>) target(%arg13 : memref<40x128xf32, #tpu.memory_space<vmem>>) offsets(%dma_start3A_49 : memref<40xi32, #tpu.memory_space<vmem>>) semaphore(%arg19 : memref<!tpu.dma_semaphore, #tpu.memory_space<semaphore_mem>>)
    %dma_start3A_53 = arith.constant 4 : i32
    %dma_start3A_54 = arith.constant 0 : i32
    %dma_start3A_55 = tpu.memref_slice %arg8[%dma_start3A_53, %dma_start3A_54] : memref<250x40xi32, #tpu.memory_space<vmem>> -> memref<1x40xi32, #tpu.memory_space<vmem>>
    %dma_start3A_56 = tpu.memref_squeeze %dma_start3A_55 : memref<1x40xi32, #tpu.memory_space<vmem>> -> memref<40xi32, #tpu.memory_space<vmem>>
    %dma_start3A_57 = arith.constant 0 : i32
    %dma_start3A_58 = arith.constant 0 : i32
    %dma_start3A_59 = tpu.memref_slice %arg2[%dma_start3A_57, %dma_start3A_58] : memref<10000x128xf32, #tpu.memory_space<hbm>> -> memref<10000x128xf32, #tpu.memory_space<hbm>>
    tpu.enqueue_indirect_dma source(%dma_start3A_59 : memref<10000x128xf32, #tpu.memory_space<hbm>>) target(%arg14 : memref<40x128xf32, #tpu.memory_space<vmem>>) offsets(%dma_start3A_56 : memref<40xi32, #tpu.memory_space<vmem>>) semaphore(%arg20 : memref<!tpu.dma_semaphore, #tpu.memory_space<semaphore_mem>>)
    %add3A_60 = arith.constant 0 : i32
    %add3A_61 = arith.addi %multiple_of3A, %add3A_60 : i32
    %multiple_of3A_62 = tpu.assume_multiple %add3A_61, 8 : i32
    %dma_start3A_63 = arith.constant 0 : i32
    %dma_start3A_64 = tpu.memref_slice %arg28[%multiple_of3A_62, %dma_start3A_63] : memref<10000x128xf32, #tpu.memory_space<vmem_shared>> -> memref<40x128xf32, #tpu.memory_space<vmem_shared>>
    %dma_start3A_65 = arith.constant 0 : i32
    %dma_start3A_66 = tpu.memref_slice %arg28[%multiple_of3A_62, %dma_start3A_65] : memref<10000x128xf32, #tpu.memory_space<vmem_shared>> -> memref<40x128xf32, #tpu.memory_space<vmem_shared>>
    tpu.enqueue_dma source(%arg15 : memref<40x128xf32, #tpu.memory_space<vmem>>) target(%dma_start3A_66 : memref<40x128xf32, #tpu.memory_space<vmem_shared>>) target_semaphore(%arg22 : memref<!tpu.dma_semaphore, #tpu.memory_space<semaphore_mem>>)
    %add3A_67 = arith.constant 40 : i32
    %add3A_68 = arith.addi %multiple_of3A, %add3A_67 : i32
    %multiple_of3A_69 = tpu.assume_multiple %add3A_68, 8 : i32
    %dma_start3A_70 = arith.constant 0 : i32
    %dma_start3A_71 = tpu.memref_slice %arg28[%multiple_of3A_69, %dma_start3A_70] : memref<10000x128xf32, #tpu.memory_space<vmem_shared>> -> memref<40x128xf32, #tpu.memory_space<vmem_shared>>
    %dma_start3A_72 = arith.constant 0 : i32
    %dma_start3A_73 = tpu.memref_slice %arg28[%multiple_of3A_69, %dma_start3A_72] : memref<10000x128xf32, #tpu.memory_space<vmem_shared>> -> memref<40x128xf32, #tpu.memory_space<vmem_shared>>
    tpu.enqueue_dma source(%arg15 : memref<40x128xf32, #tpu.memory_space<vmem>>) target(%dma_start3A_73 : memref<40x128xf32, #tpu.memory_space<vmem_shared>>) target_semaphore(%arg23 : memref<!tpu.dma_semaphore, #tpu.memory_space<semaphore_mem>>)
    %add3A_74 = arith.constant 80 : i32
    %add3A_75 = arith.addi %multiple_of3A, %add3A_74 : i32
    %multiple_of3A_76 = tpu.assume_multiple %add3A_75, 8 : i32
    %dma_start3A_77 = arith.constant 0 : i32
    %dma_start3A_78 = tpu.memref_slice %arg28[%multiple_of3A_76, %dma_start3A_77] : memref<10000x128xf32, #tpu.memory_space<vmem_shared>> -> memref<40x128xf32, #tpu.memory_space<vmem_shared>>
    %dma_start3A_79 = arith.constant 0 : i32
    %dma_start3A_80 = tpu.memref_slice %arg28[%multiple_of3A_76, %dma_start3A_79] : memref<10000x128xf32, #tpu.memory_space<vmem_shared>> -> memref<40x128xf32, #tpu.memory_space<vmem_shared>>
    tpu.enqueue_dma source(%arg15 : memref<40x128xf32, #tpu.memory_space<vmem>>) target(%dma_start3A_80 : memref<40x128xf32, #tpu.memory_space<vmem_shared>>) target_semaphore(%arg24 : memref<!tpu.dma_semaphore, #tpu.memory_space<semaphore_mem>>)
    %add3A_81 = arith.constant 120 : i32
    %add3A_82 = arith.addi %multiple_of3A, %add3A_81 : i32
    %multiple_of3A_83 = tpu.assume_multiple %add3A_82, 8 : i32
    %dma_start3A_84 = arith.constant 0 : i32
    %dma_start3A_85 = tpu.memref_slice %arg28[%multiple_of3A_83, %dma_start3A_84] : memref<10000x128xf32, #tpu.memory_space<vmem_shared>> -> memref<40x128xf32, #tpu.memory_space<vmem_shared>>
    %dma_start3A_86 = arith.constant 0 : i32
    %dma_start3A_87 = tpu.memref_slice %arg28[%multiple_of3A_83, %dma_start3A_86] : memref<10000x128xf32, #tpu.memory_space<vmem_shared>> -> memref<40x128xf32, #tpu.memory_space<vmem_shared>>
    tpu.enqueue_dma source(%arg15 : memref<40x128xf32, #tpu.memory_space<vmem>>) target(%dma_start3A_87 : memref<40x128xf32, #tpu.memory_space<vmem_shared>>) target_semaphore(%arg25 : memref<!tpu.dma_semaphore, #tpu.memory_space<semaphore_mem>>)
    %add3A_88 = arith.constant 160 : i32
    %add3A_89 = arith.addi %multiple_of3A, %add3A_88 : i32
    %multiple_of3A_90 = tpu.assume_multiple %add3A_89, 8 : i32
    %dma_start3A_91 = arith.constant 0 : i32
    %dma_start3A_92 = tpu.memref_slice %arg28[%multiple_of3A_90, %dma_start3A_91] : memref<10000x128xf32, #tpu.memory_space<vmem_shared>> -> memref<40x128xf32, #tpu.memory_space<vmem_shared>>
    %dma_start3A_93 = arith.constant 0 : i32
    %dma_start3A_94 = tpu.memref_slice %arg28[%multiple_of3A_90, %dma_start3A_93] : memref<10000x128xf32, #tpu.memory_space<vmem_shared>> -> memref<40x128xf32, #tpu.memory_space<vmem_shared>>
    tpu.enqueue_dma source(%arg15 : memref<40x128xf32, #tpu.memory_space<vmem>>) target(%dma_start3A_94 : memref<40x128xf32, #tpu.memory_space<vmem_shared>>) target_semaphore(%arg26 : memref<!tpu.dma_semaphore, #tpu.memory_space<semaphore_mem>>)
    %add3A_95 = arith.constant 200 : i32
    %add3A_96 = arith.addi %multiple_of3A, %add3A_95 : i32
    %multiple_of3A_97 = tpu.assume_multiple %add3A_96, 8 : i32
    %dma_start3A_98 = arith.constant 0 : i32
    %dma_start3A_99 = tpu.memref_slice %arg28[%multiple_of3A_97, %dma_start3A_98] : memref<10000x128xf32, #tpu.memory_space<vmem_shared>> -> memref<40x128xf32, #tpu.memory_space<vmem_shared>>
    %dma_start3A_100 = arith.constant 0 : i32
    %dma_start3A_101 = tpu.memref_slice %arg28[%multiple_of3A_97, %dma_start3A_100] : memref<10000x128xf32, #tpu.memory_space<vmem_shared>> -> memref<40x128xf32, #tpu.memory_space<vmem_shared>>
    tpu.enqueue_dma source(%arg15 : memref<40x128xf32, #tpu.memory_space<vmem>>) target(%dma_start3A_101 : memref<40x128xf32, #tpu.memory_space<vmem_shared>>) target_semaphore(%arg27 : memref<!tpu.dma_semaphore, #tpu.memory_space<semaphore_mem>>)
    %add3A_102 = arith.constant 240 : i32
    %add3A_103 = arith.addi %multiple_of3A, %add3A_102 : i32
    %multiple_of3A_104 = tpu.assume_multiple %add3A_103, 8 : i32
    %dma_start3A_105 = arith.constant 0 : i32
    %dma_start3A_106 = tpu.memref_slice %arg28[%multiple_of3A_104, %dma_start3A_105] : memref<10000x128xf32, #tpu.memory_space<vmem_shared>> -> memref<40x128xf32, #tpu.memory_space<vmem_shared>>
    %dma_start3A_107 = arith.constant 0 : i32
    %dma_start3A_108 = tpu.memref_slice %arg28[%multiple_of3A_104, %dma_start3A_107] : memref<10000x128xf32, #tpu.memory_space<vmem_shared>> -> memref<40x128xf32, #tpu.memory_space<vmem_shared>>
    tpu.enqueue_dma source(%arg15 : memref<40x128xf32, #tpu.memory_space<vmem>>) target(%dma_start3A_108 : memref<40x128xf32, #tpu.memory_space<vmem_shared>>) target_semaphore(%arg22 : memref<!tpu.dma_semaphore, #tpu.memory_space<semaphore_mem>>)
    %add3A_109 = arith.constant 280 : i32
    %add3A_110 = arith.addi %multiple_of3A, %add3A_109 : i32
    %multiple_of3A_111 = tpu.assume_multiple %add3A_110, 8 : i32
    %dma_start3A_112 = arith.constant 0 : i32
    %dma_start3A_113 = tpu.memref_slice %arg28[%multiple_of3A_111, %dma_start3A_112] : memref<10000x128xf32, #tpu.memory_space<vmem_shared>> -> memref<40x128xf32, #tpu.memory_space<vmem_shared>>
    %dma_start3A_114 = arith.constant 0 : i32
    %dma_start3A_115 = tpu.memref_slice %arg28[%multiple_of3A_111, %dma_start3A_114] : memref<10000x128xf32, #tpu.memory_space<vmem_shared>> -> memref<40x128xf32, #tpu.memory_space<vmem_shared>>
    tpu.enqueue_dma source(%arg15 : memref<40x128xf32, #tpu.memory_space<vmem>>) target(%dma_start3A_115 : memref<40x128xf32, #tpu.memory_space<vmem_shared>>) target_semaphore(%arg23 : memref<!tpu.dma_semaphore, #tpu.memory_space<semaphore_mem>>)
    %add3A_116 = arith.constant 320 : i32
    %add3A_117 = arith.addi %multiple_of3A, %add3A_116 : i32
    %multiple_of3A_118 = tpu.assume_multiple %add3A_117, 8 : i32
    %dma_start3A_119 = arith.constant 0 : i32
    %dma_start3A_120 = tpu.memref_slice %arg28[%multiple_of3A_118, %dma_start3A_119] : memref<10000x128xf32, #tpu.memory_space<vmem_shared>> -> memref<40x128xf32, #tpu.memory_space<vmem_shared>>
    %dma_start3A_121 = arith.constant 0 : i32
    %dma_start3A_122 = tpu.memref_slice %arg28[%multiple_of3A_118, %dma_start3A_121] : memref<10000x128xf32, #tpu.memory_space<vmem_shared>> -> memref<40x128xf32, #tpu.memory_space<vmem_shared>>
    tpu.enqueue_dma source(%arg15 : memref<40x128xf32, #tpu.memory_space<vmem>>) target(%dma_start3A_122 : memref<40x128xf32, #tpu.memory_space<vmem_shared>>) target_semaphore(%arg24 : memref<!tpu.dma_semaphore, #tpu.memory_space<semaphore_mem>>)
    %add3A_123 = arith.constant 360 : i32
    %add3A_124 = arith.addi %multiple_of3A, %add3A_123 : i32
    %multiple_of3A_125 = tpu.assume_multiple %add3A_124, 8 : i32
    %dma_start3A_126 = arith.constant 0 : i32
    %dma_start3A_127 = tpu.memref_slice %arg28[%multiple_of3A_125, %dma_start3A_126] : memref<10000x128xf32, #tpu.memory_space<vmem_shared>> -> memref<40x128xf32, #tpu.memory_space<vmem_shared>>
    %dma_start3A_128 = arith.constant 0 : i32
    %dma_start3A_129 = tpu.memref_slice %arg28[%multiple_of3A_125, %dma_start3A_128] : memref<10000x128xf32, #tpu.memory_space<vmem_shared>> -> memref<40x128xf32, #tpu.memory_space<vmem_shared>>
    tpu.enqueue_dma source(%arg15 : memref<40x128xf32, #tpu.memory_space<vmem>>) target(%dma_start3A_129 : memref<40x128xf32, #tpu.memory_space<vmem_shared>>) target_semaphore(%arg25 : memref<!tpu.dma_semaphore, #tpu.memory_space<semaphore_mem>>)
    %add3A_130 = arith.constant 400 : i32
    %add3A_131 = arith.addi %multiple_of3A, %add3A_130 : i32
    %multiple_of3A_132 = tpu.assume_multiple %add3A_131, 8 : i32
    %dma_start3A_133 = arith.constant 0 : i32
    %dma_start3A_134 = tpu.memref_slice %arg28[%multiple_of3A_132, %dma_start3A_133] : memref<10000x128xf32, #tpu.memory_space<vmem_shared>> -> memref<40x128xf32, #tpu.memory_space<vmem_shared>>
    %dma_start3A_135 = arith.constant 0 : i32
    %dma_start3A_136 = tpu.memref_slice %arg28[%multiple_of3A_132, %dma_start3A_135] : memref<10000x128xf32, #tpu.memory_space<vmem_shared>> -> memref<40x128xf32, #tpu.memory_space<vmem_shared>>
    tpu.enqueue_dma source(%arg15 : memref<40x128xf32, #tpu.memory_space<vmem>>) target(%dma_start3A_136 : memref<40x128xf32, #tpu.memory_space<vmem_shared>>) target_semaphore(%arg26 : memref<!tpu.dma_semaphore, #tpu.memory_space<semaphore_mem>>)
    %add3A_137 = arith.constant 440 : i32
    %add3A_138 = arith.addi %multiple_of3A, %add3A_137 : i32
    %multiple_of3A_139 = tpu.assume_multiple %add3A_138, 8 : i32
    %dma_start3A_140 = arith.constant 0 : i32
    %dma_start3A_141 = tpu.memref_slice %arg28[%multiple_of3A_139, %dma_start3A_140] : memref<10000x128xf32, #tpu.memory_space<vmem_shared>> -> memref<40x128xf32, #tpu.memory_space<vmem_shared>>
    %dma_start3A_142 = arith.constant 0 : i32
    %dma_start3A_143 = tpu.memref_slice %arg28[%multiple_of3A_139, %dma_start3A_142] : memref<10000x128xf32, #tpu.memory_space<vmem_shared>> -> memref<40x128xf32, #tpu.memory_space<vmem_shared>>
    tpu.enqueue_dma source(%arg15 : memref<40x128xf32, #tpu.memory_space<vmem>>) target(%dma_start3A_143 : memref<40x128xf32, #tpu.memory_space<vmem_shared>>) target_semaphore(%arg27 : memref<!tpu.dma_semaphore, #tpu.memory_space<semaphore_mem>>)
    %add3A_144 = arith.constant 480 : i32
    %add3A_145 = arith.addi %multiple_of3A, %add3A_144 : i32
    %multiple_of3A_146 = tpu.assume_multiple %add3A_145, 8 : i32
    %dma_start3A_147 = arith.constant 0 : i32
    %dma_start3A_148 = tpu.memref_slice %arg28[%multiple_of3A_146, %dma_start3A_147] : memref<10000x128xf32, #tpu.memory_space<vmem_shared>> -> memref<40x128xf32, #tpu.memory_space<vmem_shared>>
    %dma_start3A_149 = arith.constant 0 : i32
    %dma_start3A_150 = tpu.memref_slice %arg28[%multiple_of3A_146, %dma_start3A_149] : memref<10000x128xf32, #tpu.memory_space<vmem_shared>> -> memref<40x128xf32, #tpu.memory_space<vmem_shared>>
    tpu.enqueue_dma source(%arg15 : memref<40x128xf32, #tpu.memory_space<vmem>>) target(%dma_start3A_150 : memref<40x128xf32, #tpu.memory_space<vmem_shared>>) target_semaphore(%arg22 : memref<!tpu.dma_semaphore, #tpu.memory_space<semaphore_mem>>)
    %add3A_151 = arith.constant 520 : i32
    %add3A_152 = arith.addi %multiple_of3A, %add3A_151 : i32
    %multiple_of3A_153 = tpu.assume_multiple %add3A_152, 8 : i32
    %dma_start3A_154 = arith.constant 0 : i32
    %dma_start3A_155 = tpu.memref_slice %arg28[%multiple_of3A_153, %dma_start3A_154] : memref<10000x128xf32, #tpu.memory_space<vmem_shared>> -> memref<40x128xf32, #tpu.memory_space<vmem_shared>>
    %dma_start3A_156 = arith.constant 0 : i32
    %dma_start3A_157 = tpu.memref_slice %arg28[%multiple_of3A_153, %dma_start3A_156] : memref<10000x128xf32, #tpu.memory_space<vmem_shared>> -> memref<40x128xf32, #tpu.memory_space<vmem_shared>>
    tpu.enqueue_dma source(%arg15 : memref<40x128xf32, #tpu.memory_space<vmem>>) target(%dma_start3A_157 : memref<40x128xf32, #tpu.memory_space<vmem_shared>>) target_semaphore(%arg23 : memref<!tpu.dma_semaphore, #tpu.memory_space<semaphore_mem>>)
    %add3A_158 = arith.constant 560 : i32
    %add3A_159 = arith.addi %multiple_of3A, %add3A_158 : i32
    %multiple_of3A_160 = tpu.assume_multiple %add3A_159, 8 : i32
    %dma_start3A_161 = arith.constant 0 : i32
    %dma_start3A_162 = tpu.memref_slice %arg28[%multiple_of3A_160, %dma_start3A_161] : memref<10000x128xf32, #tpu.memory_space<vmem_shared>> -> memref<40x128xf32, #tpu.memory_space<vmem_shared>>
    %dma_start3A_163 = arith.constant 0 : i32
    %dma_start3A_164 = tpu.memref_slice %arg28[%multiple_of3A_160, %dma_start3A_163] : memref<10000x128xf32, #tpu.memory_space<vmem_shared>> -> memref<40x128xf32, #tpu.memory_space<vmem_shared>>
    tpu.enqueue_dma source(%arg15 : memref<40x128xf32, #tpu.memory_space<vmem>>) target(%dma_start3A_164 : memref<40x128xf32, #tpu.memory_space<vmem_shared>>) target_semaphore(%arg24 : memref<!tpu.dma_semaphore, #tpu.memory_space<semaphore_mem>>)
    %add3A_165 = arith.constant 600 : i32
    %add3A_166 = arith.addi %multiple_of3A, %add3A_165 : i32
    %multiple_of3A_167 = tpu.assume_multiple %add3A_166, 8 : i32
    %dma_start3A_168 = arith.constant 0 : i32
    %dma_start3A_169 = arith.constant 0 : i32
    %dma_start3A_170 = tpu.memref_slice %arg15[%dma_start3A_168, %dma_start3A_169] : memref<40x128xf32, #tpu.memory_space<vmem>> -> memref<24x128xf32, #tpu.memory_space<vmem>>
    %dma_start3A_171 = arith.constant 0 : i32
    %dma_start3A_172 = tpu.memref_slice %arg28[%multiple_of3A_167, %dma_start3A_171] : memref<10000x128xf32, #tpu.memory_space<vmem_shared>> -> memref<24x128xf32, #tpu.memory_space<vmem_shared>>
    %dma_start3A_173 = arith.constant 0 : i32
    %dma_start3A_174 = tpu.memref_slice %arg28[%multiple_of3A_167, %dma_start3A_173] : memref<10000x128xf32, #tpu.memory_space<vmem_shared>> -> memref<24x128xf32, #tpu.memory_space<vmem_shared>>
    %dma_start3A_175 = arith.constant 0 : i32
    %dma_start3A_176 = arith.constant 0 : i32
    %dma_start3A_177 = tpu.memref_slice %arg15[%dma_start3A_175, %dma_start3A_176] : memref<40x128xf32, #tpu.memory_space<vmem>> -> memref<24x128xf32, #tpu.memory_space<vmem>>
    tpu.enqueue_dma source(%dma_start3A_177 : memref<24x128xf32, #tpu.memory_space<vmem>>) target(%dma_start3A_174 : memref<24x128xf32, #tpu.memory_space<vmem_shared>>) target_semaphore(%arg25 : memref<!tpu.dma_semaphore, #tpu.memory_space<semaphore_mem>>)
    %eq3A = arith.constant 15 : i32
    %eq3A_178 = arith.cmpi eq, %arg1, %eq3A : i32
    %convert_element_type3A = arith.extui %eq3A_178 : i1 to i32
    %cond3A = arith.constant 0 : i32
    %cond3A_179 = arith.cmpi ne, %convert_element_type3A, %cond3A : i32
    scf.if %cond3A_179 {
      %add3A_424 = arith.constant 624 : i32
      %add3A_425 = arith.addi %multiple_of3A, %add3A_424 : i32
      %multiple_of3A_426 = tpu.assume_multiple %add3A_425, 8 : i32
      "tpu.region"() ({
        %run_scoped3A = tpu.sem_alloc : memref<!tpu.dma_semaphore, #tpu.memory_space<semaphore_mem>>
        %dma_start3A_427 = arith.constant 0 : i32
        %dma_start3A_428 = arith.constant 0 : i32
        %dma_start3A_429 = tpu.memref_slice %arg15[%dma_start3A_427, %dma_start3A_428] : memref<40x128xf32, #tpu.memory_space<vmem>> -> memref<16x128xf32, #tpu.memory_space<vmem>>
        %dma_start3A_430 = arith.constant 0 : i32
        %dma_start3A_431 = tpu.memref_slice %arg28[%multiple_of3A_426, %dma_start3A_430] : memref<10000x128xf32, #tpu.memory_space<vmem_shared>> -> memref<16x128xf32, #tpu.memory_space<vmem_shared>>
        %dma_start3A_432 = arith.constant 0 : i32
        %dma_start3A_433 = tpu.memref_slice %arg28[%multiple_of3A_426, %dma_start3A_432] : memref<10000x128xf32, #tpu.memory_space<vmem_shared>> -> memref<16x128xf32, #tpu.memory_space<vmem_shared>>
        %dma_start3A_434 = arith.constant 0 : i32
        %dma_start3A_435 = arith.constant 0 : i32
        %dma_start3A_436 = tpu.memref_slice %arg15[%dma_start3A_434, %dma_start3A_435] : memref<40x128xf32, #tpu.memory_space<vmem>> -> memref<16x128xf32, #tpu.memory_space<vmem>>
        tpu.enqueue_dma source(%dma_start3A_436 : memref<16x128xf32, #tpu.memory_space<vmem>>) target(%dma_start3A_433 : memref<16x128xf32, #tpu.memory_space<vmem_shared>>) target_semaphore(%run_scoped3A : memref<!tpu.dma_semaphore, #tpu.memory_space<semaphore_mem>>)
        %dma_wait3A_437 = arith.constant 0 : i32
        %dma_wait3A_438 = arith.constant 0 : i32
        %dma_wait3A_439 = tpu.memref_slice %arg15[%dma_wait3A_437, %dma_wait3A_438] : memref<40x128xf32, #tpu.memory_space<vmem>> -> memref<16x128xf32, #tpu.memory_space<vmem>>
        %dma_wait3A_440 = arith.constant 0 : i32
        %dma_wait3A_441 = tpu.memref_slice %arg28[%multiple_of3A_426, %dma_wait3A_440] : memref<10000x128xf32, #tpu.memory_space<vmem_shared>> -> memref<16x128xf32, #tpu.memory_space<vmem_shared>>
        %dma_wait3A_442 = arith.constant 0 : i32
        %dma_wait3A_443 = tpu.memref_slice %arg28[%multiple_of3A_426, %dma_wait3A_442] : memref<10000x128xf32, #tpu.memory_space<vmem_shared>> -> memref<16x128xf32, #tpu.memory_space<vmem_shared>>
        %dma_wait3A_444 = arith.constant 0 : i32
        %dma_wait3A_445 = arith.constant 0 : i32
        %dma_wait3A_446 = tpu.memref_slice %arg15[%dma_wait3A_444, %dma_wait3A_445] : memref<40x128xf32, #tpu.memory_space<vmem>> -> memref<16x128xf32, #tpu.memory_space<vmem>>
        tpu.wait_dma2 semaphore(%run_scoped3A : memref<!tpu.dma_semaphore, #tpu.memory_space<semaphore_mem>>) src(%dma_wait3A_446 : memref<16x128xf32, #tpu.memory_space<vmem>>) dst(%dma_wait3A_443 : memref<16x128xf32, #tpu.memory_space<vmem_shared>>)
        tpu.yield
      }) : () -> ()
    } else {
    }
    %add3A_180 = arith.constant 0 : i32
    %add3A_181 = arith.addi %multiple_of3A, %add3A_180 : i32
    %multiple_of3A_182 = tpu.assume_multiple %add3A_181, 8 : i32
    %dma_wait3A_183 = arith.constant 0 : i32
    %dma_wait3A_184 = tpu.memref_slice %arg28[%multiple_of3A_182, %dma_wait3A_183] : memref<10000x128xf32, #tpu.memory_space<vmem_shared>> -> memref<40x128xf32, #tpu.memory_space<vmem_shared>>
    %dma_wait3A_185 = arith.constant 0 : i32
    %dma_wait3A_186 = tpu.memref_slice %arg28[%multiple_of3A_182, %dma_wait3A_185] : memref<10000x128xf32, #tpu.memory_space<vmem_shared>> -> memref<40x128xf32, #tpu.memory_space<vmem_shared>>
    tpu.wait_dma2 semaphore(%arg22 : memref<!tpu.dma_semaphore, #tpu.memory_space<semaphore_mem>>) src(%arg15 : memref<40x128xf32, #tpu.memory_space<vmem>>) dst(%dma_wait3A_186 : memref<40x128xf32, #tpu.memory_space<vmem_shared>>)
    %add3A_187 = arith.constant 40 : i32
    %add3A_188 = arith.addi %multiple_of3A, %add3A_187 : i32
    %multiple_of3A_189 = tpu.assume_multiple %add3A_188, 8 : i32
    %dma_wait3A_190 = arith.constant 0 : i32
    %dma_wait3A_191 = tpu.memref_slice %arg28[%multiple_of3A_189, %dma_wait3A_190] : memref<10000x128xf32, #tpu.memory_space<vmem_shared>> -> memref<40x128xf32, #tpu.memory_space<vmem_shared>>
    %dma_wait3A_192 = arith.constant 0 : i32
    %dma_wait3A_193 = tpu.memref_slice %arg28[%multiple_of3A_189, %dma_wait3A_192] : memref<10000x128xf32, #tpu.memory_space<vmem_shared>> -> memref<40x128xf32, #tpu.memory_space<vmem_shared>>
    tpu.wait_dma2 semaphore(%arg23 : memref<!tpu.dma_semaphore, #tpu.memory_space<semaphore_mem>>) src(%arg15 : memref<40x128xf32, #tpu.memory_space<vmem>>) dst(%dma_wait3A_193 : memref<40x128xf32, #tpu.memory_space<vmem_shared>>)
    %add3A_194 = arith.constant 80 : i32
    %add3A_195 = arith.addi %multiple_of3A, %add3A_194 : i32
    %multiple_of3A_196 = tpu.assume_multiple %add3A_195, 8 : i32
    %dma_wait3A_197 = arith.constant 0 : i32
    %dma_wait3A_198 = tpu.memref_slice %arg28[%multiple_of3A_196, %dma_wait3A_197] : memref<10000x128xf32, #tpu.memory_space<vmem_shared>> -> memref<40x128xf32, #tpu.memory_space<vmem_shared>>
    %dma_wait3A_199 = arith.constant 0 : i32
    %dma_wait3A_200 = tpu.memref_slice %arg28[%multiple_of3A_196, %dma_wait3A_199] : memref<10000x128xf32, #tpu.memory_space<vmem_shared>> -> memref<40x128xf32, #tpu.memory_space<vmem_shared>>
    tpu.wait_dma2 semaphore(%arg24 : memref<!tpu.dma_semaphore, #tpu.memory_space<semaphore_mem>>) src(%arg15 : memref<40x128xf32, #tpu.memory_space<vmem>>) dst(%dma_wait3A_200 : memref<40x128xf32, #tpu.memory_space<vmem_shared>>)
    %add3A_201 = arith.constant 120 : i32
    %add3A_202 = arith.addi %multiple_of3A, %add3A_201 : i32
    %multiple_of3A_203 = tpu.assume_multiple %add3A_202, 8 : i32
    %dma_wait3A_204 = arith.constant 0 : i32
    %dma_wait3A_205 = tpu.memref_slice %arg28[%multiple_of3A_203, %dma_wait3A_204] : memref<10000x128xf32, #tpu.memory_space<vmem_shared>> -> memref<40x128xf32, #tpu.memory_space<vmem_shared>>
    %dma_wait3A_206 = arith.constant 0 : i32
    %dma_wait3A_207 = tpu.memref_slice %arg28[%multiple_of3A_203, %dma_wait3A_206] : memref<10000x128xf32, #tpu.memory_space<vmem_shared>> -> memref<40x128xf32, #tpu.memory_space<vmem_shared>>
    tpu.wait_dma2 semaphore(%arg25 : memref<!tpu.dma_semaphore, #tpu.memory_space<semaphore_mem>>) src(%arg15 : memref<40x128xf32, #tpu.memory_space<vmem>>) dst(%dma_wait3A_207 : memref<40x128xf32, #tpu.memory_space<vmem_shared>>)
    %add3A_208 = arith.constant 160 : i32
    %add3A_209 = arith.addi %multiple_of3A, %add3A_208 : i32
    %multiple_of3A_210 = tpu.assume_multiple %add3A_209, 8 : i32
    %dma_wait3A_211 = arith.constant 0 : i32
    %dma_wait3A_212 = tpu.memref_slice %arg28[%multiple_of3A_210, %dma_wait3A_211] : memref<10000x128xf32, #tpu.memory_space<vmem_shared>> -> memref<40x128xf32, #tpu.memory_space<vmem_shared>>
    %dma_wait3A_213 = arith.constant 0 : i32
    %dma_wait3A_214 = tpu.memref_slice %arg28[%multiple_of3A_210, %dma_wait3A_213] : memref<10000x128xf32, #tpu.memory_space<vmem_shared>> -> memref<40x128xf32, #tpu.memory_space<vmem_shared>>
    tpu.wait_dma2 semaphore(%arg26 : memref<!tpu.dma_semaphore, #tpu.memory_space<semaphore_mem>>) src(%arg15 : memref<40x128xf32, #tpu.memory_space<vmem>>) dst(%dma_wait3A_214 : memref<40x128xf32, #tpu.memory_space<vmem_shared>>)
    %add3A_215 = arith.constant 200 : i32
    %add3A_216 = arith.addi %multiple_of3A, %add3A_215 : i32
    %multiple_of3A_217 = tpu.assume_multiple %add3A_216, 8 : i32
    %dma_wait3A_218 = arith.constant 0 : i32
    %dma_wait3A_219 = tpu.memref_slice %arg28[%multiple_of3A_217, %dma_wait3A_218] : memref<10000x128xf32, #tpu.memory_space<vmem_shared>> -> memref<40x128xf32, #tpu.memory_space<vmem_shared>>
    %dma_wait3A_220 = arith.constant 0 : i32
    %dma_wait3A_221 = tpu.memref_slice %arg28[%multiple_of3A_217, %dma_wait3A_220] : memref<10000x128xf32, #tpu.memory_space<vmem_shared>> -> memref<40x128xf32, #tpu.memory_space<vmem_shared>>
    tpu.wait_dma2 semaphore(%arg27 : memref<!tpu.dma_semaphore, #tpu.memory_space<semaphore_mem>>) src(%arg15 : memref<40x128xf32, #tpu.memory_space<vmem>>) dst(%dma_wait3A_221 : memref<40x128xf32, #tpu.memory_space<vmem_shared>>)
    %add3A_222 = arith.constant 240 : i32
    %add3A_223 = arith.addi %multiple_of3A, %add3A_222 : i32
    %multiple_of3A_224 = tpu.assume_multiple %add3A_223, 8 : i32
    %dma_wait3A_225 = arith.constant 0 : i32
    %dma_wait3A_226 = tpu.memref_slice %arg28[%multiple_of3A_224, %dma_wait3A_225] : memref<10000x128xf32, #tpu.memory_space<vmem_shared>> -> memref<40x128xf32, #tpu.memory_space<vmem_shared>>
    %dma_wait3A_227 = arith.constant 0 : i32
    %dma_wait3A_228 = tpu.memref_slice %arg28[%multiple_of3A_224, %dma_wait3A_227] : memref<10000x128xf32, #tpu.memory_space<vmem_shared>> -> memref<40x128xf32, #tpu.memory_space<vmem_shared>>
    tpu.wait_dma2 semaphore(%arg22 : memref<!tpu.dma_semaphore, #tpu.memory_space<semaphore_mem>>) src(%arg15 : memref<40x128xf32, #tpu.memory_space<vmem>>) dst(%dma_wait3A_228 : memref<40x128xf32, #tpu.memory_space<vmem_shared>>)
    %add3A_229 = arith.constant 280 : i32
    %add3A_230 = arith.addi %multiple_of3A, %add3A_229 : i32
    %multiple_of3A_231 = tpu.assume_multiple %add3A_230, 8 : i32
    %dma_wait3A_232 = arith.constant 0 : i32
    %dma_wait3A_233 = tpu.memref_slice %arg28[%multiple_of3A_231, %dma_wait3A_232] : memref<10000x128xf32, #tpu.memory_space<vmem_shared>> -> memref<40x128xf32, #tpu.memory_space<vmem_shared>>
    %dma_wait3A_234 = arith.constant 0 : i32
    %dma_wait3A_235 = tpu.memref_slice %arg28[%multiple_of3A_231, %dma_wait3A_234] : memref<10000x128xf32, #tpu.memory_space<vmem_shared>> -> memref<40x128xf32, #tpu.memory_space<vmem_shared>>
    tpu.wait_dma2 semaphore(%arg23 : memref<!tpu.dma_semaphore, #tpu.memory_space<semaphore_mem>>) src(%arg15 : memref<40x128xf32, #tpu.memory_space<vmem>>) dst(%dma_wait3A_235 : memref<40x128xf32, #tpu.memory_space<vmem_shared>>)
    %add3A_236 = arith.constant 320 : i32
    %add3A_237 = arith.addi %multiple_of3A, %add3A_236 : i32
    %multiple_of3A_238 = tpu.assume_multiple %add3A_237, 8 : i32
    %dma_wait3A_239 = arith.constant 0 : i32
    %dma_wait3A_240 = tpu.memref_slice %arg28[%multiple_of3A_238, %dma_wait3A_239] : memref<10000x128xf32, #tpu.memory_space<vmem_shared>> -> memref<40x128xf32, #tpu.memory_space<vmem_shared>>
    %dma_wait3A_241 = arith.constant 0 : i32
    %dma_wait3A_242 = tpu.memref_slice %arg28[%multiple_of3A_238, %dma_wait3A_241] : memref<10000x128xf32, #tpu.memory_space<vmem_shared>> -> memref<40x128xf32, #tpu.memory_space<vmem_shared>>
    tpu.wait_dma2 semaphore(%arg24 : memref<!tpu.dma_semaphore, #tpu.memory_space<semaphore_mem>>) src(%arg15 : memref<40x128xf32, #tpu.memory_space<vmem>>) dst(%dma_wait3A_242 : memref<40x128xf32, #tpu.memory_space<vmem_shared>>)
    %add3A_243 = arith.constant 360 : i32
    %add3A_244 = arith.addi %multiple_of3A, %add3A_243 : i32
    %multiple_of3A_245 = tpu.assume_multiple %add3A_244, 8 : i32
    %dma_wait3A_246 = arith.constant 0 : i32
    %dma_wait3A_247 = tpu.memref_slice %arg28[%multiple_of3A_245, %dma_wait3A_246] : memref<10000x128xf32, #tpu.memory_space<vmem_shared>> -> memref<40x128xf32, #tpu.memory_space<vmem_shared>>
    %dma_wait3A_248 = arith.constant 0 : i32
    %dma_wait3A_249 = tpu.memref_slice %arg28[%multiple_of3A_245, %dma_wait3A_248] : memref<10000x128xf32, #tpu.memory_space<vmem_shared>> -> memref<40x128xf32, #tpu.memory_space<vmem_shared>>
    tpu.wait_dma2 semaphore(%arg25 : memref<!tpu.dma_semaphore, #tpu.memory_space<semaphore_mem>>) src(%arg15 : memref<40x128xf32, #tpu.memory_space<vmem>>) dst(%dma_wait3A_249 : memref<40x128xf32, #tpu.memory_space<vmem_shared>>)
    %add3A_250 = arith.constant 400 : i32
    %add3A_251 = arith.addi %multiple_of3A, %add3A_250 : i32
    %multiple_of3A_252 = tpu.assume_multiple %add3A_251, 8 : i32
    %dma_wait3A_253 = arith.constant 0 : i32
    %dma_wait3A_254 = tpu.memref_slice %arg28[%multiple_of3A_252, %dma_wait3A_253] : memref<10000x128xf32, #tpu.memory_space<vmem_shared>> -> memref<40x128xf32, #tpu.memory_space<vmem_shared>>
    %dma_wait3A_255 = arith.constant 0 : i32
    %dma_wait3A_256 = tpu.memref_slice %arg28[%multiple_of3A_252, %dma_wait3A_255] : memref<10000x128xf32, #tpu.memory_space<vmem_shared>> -> memref<40x128xf32, #tpu.memory_space<vmem_shared>>
    tpu.wait_dma2 semaphore(%arg26 : memref<!tpu.dma_semaphore, #tpu.memory_space<semaphore_mem>>) src(%arg15 : memref<40x128xf32, #tpu.memory_space<vmem>>) dst(%dma_wait3A_256 : memref<40x128xf32, #tpu.memory_space<vmem_shared>>)
    %add3A_257 = arith.constant 440 : i32
    %add3A_258 = arith.addi %multiple_of3A, %add3A_257 : i32
    %multiple_of3A_259 = tpu.assume_multiple %add3A_258, 8 : i32
    %dma_wait3A_260 = arith.constant 0 : i32
    %dma_wait3A_261 = tpu.memref_slice %arg28[%multiple_of3A_259, %dma_wait3A_260] : memref<10000x128xf32, #tpu.memory_space<vmem_shared>> -> memref<40x128xf32, #tpu.memory_space<vmem_shared>>
    %dma_wait3A_262 = arith.constant 0 : i32
    %dma_wait3A_263 = tpu.memref_slice %arg28[%multiple_of3A_259, %dma_wait3A_262] : memref<10000x128xf32, #tpu.memory_space<vmem_shared>> -> memref<40x128xf32, #tpu.memory_space<vmem_shared>>
    tpu.wait_dma2 semaphore(%arg27 : memref<!tpu.dma_semaphore, #tpu.memory_space<semaphore_mem>>) src(%arg15 : memref<40x128xf32, #tpu.memory_space<vmem>>) dst(%dma_wait3A_263 : memref<40x128xf32, #tpu.memory_space<vmem_shared>>)
    %add3A_264 = arith.constant 480 : i32
    %add3A_265 = arith.addi %multiple_of3A, %add3A_264 : i32
    %multiple_of3A_266 = tpu.assume_multiple %add3A_265, 8 : i32
    %dma_wait3A_267 = arith.constant 0 : i32
    %dma_wait3A_268 = tpu.memref_slice %arg28[%multiple_of3A_266, %dma_wait3A_267] : memref<10000x128xf32, #tpu.memory_space<vmem_shared>> -> memref<40x128xf32, #tpu.memory_space<vmem_shared>>
    %dma_wait3A_269 = arith.constant 0 : i32
    %dma_wait3A_270 = tpu.memref_slice %arg28[%multiple_of3A_266, %dma_wait3A_269] : memref<10000x128xf32, #tpu.memory_space<vmem_shared>> -> memref<40x128xf32, #tpu.memory_space<vmem_shared>>
    tpu.wait_dma2 semaphore(%arg22 : memref<!tpu.dma_semaphore, #tpu.memory_space<semaphore_mem>>) src(%arg15 : memref<40x128xf32, #tpu.memory_space<vmem>>) dst(%dma_wait3A_270 : memref<40x128xf32, #tpu.memory_space<vmem_shared>>)
    %add3A_271 = arith.constant 520 : i32
    %add3A_272 = arith.addi %multiple_of3A, %add3A_271 : i32
    %multiple_of3A_273 = tpu.assume_multiple %add3A_272, 8 : i32
    %dma_wait3A_274 = arith.constant 0 : i32
    %dma_wait3A_275 = tpu.memref_slice %arg28[%multiple_of3A_273, %dma_wait3A_274] : memref<10000x128xf32, #tpu.memory_space<vmem_shared>> -> memref<40x128xf32, #tpu.memory_space<vmem_shared>>
    %dma_wait3A_276 = arith.constant 0 : i32
    %dma_wait3A_277 = tpu.memref_slice %arg28[%multiple_of3A_273, %dma_wait3A_276] : memref<10000x128xf32, #tpu.memory_space<vmem_shared>> -> memref<40x128xf32, #tpu.memory_space<vmem_shared>>
    tpu.wait_dma2 semaphore(%arg23 : memref<!tpu.dma_semaphore, #tpu.memory_space<semaphore_mem>>) src(%arg15 : memref<40x128xf32, #tpu.memory_space<vmem>>) dst(%dma_wait3A_277 : memref<40x128xf32, #tpu.memory_space<vmem_shared>>)
    %add3A_278 = arith.constant 560 : i32
    %add3A_279 = arith.addi %multiple_of3A, %add3A_278 : i32
    %multiple_of3A_280 = tpu.assume_multiple %add3A_279, 8 : i32
    %dma_wait3A_281 = arith.constant 0 : i32
    %dma_wait3A_282 = tpu.memref_slice %arg28[%multiple_of3A_280, %dma_wait3A_281] : memref<10000x128xf32, #tpu.memory_space<vmem_shared>> -> memref<40x128xf32, #tpu.memory_space<vmem_shared>>
    %dma_wait3A_283 = arith.constant 0 : i32
    %dma_wait3A_284 = tpu.memref_slice %arg28[%multiple_of3A_280, %dma_wait3A_283] : memref<10000x128xf32, #tpu.memory_space<vmem_shared>> -> memref<40x128xf32, #tpu.memory_space<vmem_shared>>
    tpu.wait_dma2 semaphore(%arg24 : memref<!tpu.dma_semaphore, #tpu.memory_space<semaphore_mem>>) src(%arg15 : memref<40x128xf32, #tpu.memory_space<vmem>>) dst(%dma_wait3A_284 : memref<40x128xf32, #tpu.memory_space<vmem_shared>>)
    %dma_wait3A_285 = arith.constant 0 : i32
    %dma_wait3A_286 = arith.constant 0 : i32
    %dma_wait3A_287 = tpu.memref_slice %arg15[%dma_wait3A_285, %dma_wait3A_286] : memref<40x128xf32, #tpu.memory_space<vmem>> -> memref<24x128xf32, #tpu.memory_space<vmem>>
    %dma_wait3A_288 = arith.constant 0 : i32
    %dma_wait3A_289 = tpu.memref_slice %arg28[%multiple_of3A_167, %dma_wait3A_288] : memref<10000x128xf32, #tpu.memory_space<vmem_shared>> -> memref<24x128xf32, #tpu.memory_space<vmem_shared>>
    %dma_wait3A_290 = arith.constant 0 : i32
    %dma_wait3A_291 = tpu.memref_slice %arg28[%multiple_of3A_167, %dma_wait3A_290] : memref<10000x128xf32, #tpu.memory_space<vmem_shared>> -> memref<24x128xf32, #tpu.memory_space<vmem_shared>>
    %dma_wait3A_292 = arith.constant 0 : i32
    %dma_wait3A_293 = arith.constant 0 : i32
    %dma_wait3A_294 = tpu.memref_slice %arg15[%dma_wait3A_292, %dma_wait3A_293] : memref<40x128xf32, #tpu.memory_space<vmem>> -> memref<24x128xf32, #tpu.memory_space<vmem>>
    tpu.wait_dma2 semaphore(%arg25 : memref<!tpu.dma_semaphore, #tpu.memory_space<semaphore_mem>>) src(%dma_wait3A_294 : memref<24x128xf32, #tpu.memory_space<vmem>>) dst(%dma_wait3A_291 : memref<24x128xf32, #tpu.memory_space<vmem_shared>>)
    %dma_wait3A_295 = arith.constant 0 : i32
    %dma_wait3A_296 = arith.constant 0 : i32
    %dma_wait3A_297 = tpu.memref_slice %arg4[%add3A, %dma_wait3A_295, %dma_wait3A_296] : memref<32x250x40xi32, #tpu.memory_space<hbm>> -> memref<1x250x40xi32, #tpu.memory_space<hbm>>
    %dma_wait3A_298 = tpu.memref_squeeze %dma_wait3A_297 : memref<1x250x40xi32, #tpu.memory_space<hbm>> -> memref<250x40xi32, #tpu.memory_space<hbm>>
    %dma_wait3A_299 = arith.constant 0 : i32
    %dma_wait3A_300 = arith.constant 0 : i32
    %dma_wait3A_301 = tpu.memref_slice %arg4[%add3A, %dma_wait3A_299, %dma_wait3A_300] : memref<32x250x40xi32, #tpu.memory_space<hbm>> -> memref<1x250x40xi32, #tpu.memory_space<hbm>>
    %dma_wait3A_302 = tpu.memref_squeeze %dma_wait3A_301 : memref<1x250x40xi32, #tpu.memory_space<hbm>> -> memref<250x40xi32, #tpu.memory_space<hbm>>
    tpu.wait_dma2 semaphore(%arg29 : memref<!tpu.dma_semaphore, #tpu.memory_space<semaphore_mem>>) src(%dma_wait3A_302 : memref<250x40xi32, #tpu.memory_space<hbm>>) dst(%arg9 : memref<250x40xi32, #tpu.memory_space<vmem>>)
    %barrier3A = arith.constant 0 : index
    tpu.barrier barrier_id(%barrier3A)
    %dma_start3A_303 = arith.constant 5 : i32
    %dma_start3A_304 = arith.constant 0 : i32
    %dma_start3A_305 = tpu.memref_slice %arg8[%dma_start3A_303, %dma_start3A_304] : memref<250x40xi32, #tpu.memory_space<vmem>> -> memref<1x40xi32, #tpu.memory_space<vmem>>
    %dma_start3A_306 = tpu.memref_squeeze %dma_start3A_305 : memref<1x40xi32, #tpu.memory_space<vmem>> -> memref<40xi32, #tpu.memory_space<vmem>>
    %dma_start3A_307 = arith.constant 0 : i32
    %dma_start3A_308 = arith.constant 0 : i32
    %dma_start3A_309 = tpu.memref_slice %arg2[%dma_start3A_307, %dma_start3A_308] : memref<10000x128xf32, #tpu.memory_space<hbm>> -> memref<10000x128xf32, #tpu.memory_space<hbm>>
    tpu.enqueue_indirect_dma source(%dma_start3A_309 : memref<10000x128xf32, #tpu.memory_space<hbm>>) target(%arg15 : memref<40x128xf32, #tpu.memory_space<vmem>>) offsets(%dma_start3A_306 : memref<40xi32, #tpu.memory_space<vmem>>) semaphore(%arg21 : memref<!tpu.dma_semaphore, #tpu.memory_space<semaphore_mem>>)
    %scan3A = arith.constant 0 : i32
    %scan3A_310 = arith.constant 0 : i32
    %scan3A_311 = arith.constant 41 : i32
    %scan3A_312 = arith.addi %scan3A_310, %scan3A_311 : i32
    %scan3A_313 = arith.constant 1 : i32
    scf.for %scan3A_424 = %scan3A_310 to %scan3A_312 step %scan3A_313  : i32 {
      %mul3A_425 = arith.constant 6 : i32
      %mul3A_426 = arith.muli %scan3A_424, %mul3A_425 : i32
      %add3A_427 = arith.constant 0 : i32
      %add3A_428 = arith.addi %mul3A_426, %add3A_427 : i32
      %dma_wait3A_429 = arith.constant 0 : i32
      %dma_wait3A_430 = tpu.memref_slice %arg8[%add3A_428, %dma_wait3A_429] : memref<250x40xi32, #tpu.memory_space<vmem>> -> memref<1x40xi32, #tpu.memory_space<vmem>>
      %dma_wait3A_431 = tpu.memref_squeeze %dma_wait3A_430 : memref<1x40xi32, #tpu.memory_space<vmem>> -> memref<40xi32, #tpu.memory_space<vmem>>
      %dma_wait3A_432 = arith.constant 0 : i32
      %dma_wait3A_433 = arith.constant 0 : i32
      %dma_wait3A_434 = tpu.memref_slice %arg2[%dma_wait3A_432, %dma_wait3A_433] : memref<10000x128xf32, #tpu.memory_space<hbm>> -> memref<10000x128xf32, #tpu.memory_space<hbm>>
      tpu.wait_indirect_dma semaphore(%arg16 : memref<!tpu.dma_semaphore, #tpu.memory_space<semaphore_mem>>) src(%dma_wait3A_434 : memref<10000x128xf32, #tpu.memory_space<hbm>>) dst(%arg10 : memref<40x128xf32, #tpu.memory_space<vmem>>)
      %dma_start3A_435 = arith.constant 0 : i32
      %dma_start3A_436 = tpu.memref_slice %arg9[%add3A_428, %dma_start3A_435] : memref<250x40xi32, #tpu.memory_space<vmem>> -> memref<1x40xi32, #tpu.memory_space<vmem>>
      %dma_start3A_437 = tpu.memref_squeeze %dma_start3A_436 : memref<1x40xi32, #tpu.memory_space<vmem>> -> memref<40xi32, #tpu.memory_space<vmem>>
      %dma_start3A_438 = arith.constant 0 : i32
      %dma_start3A_439 = arith.constant 0 : i32
      %dma_start3A_440 = tpu.memref_slice %arg28[%dma_start3A_438, %dma_start3A_439] : memref<10000x128xf32, #tpu.memory_space<vmem_shared>> -> memref<10000x128xf32, #tpu.memory_space<vmem_shared>>
      tpu.enqueue_indirect_dma source(%arg10 : memref<40x128xf32, #tpu.memory_space<vmem>>) target(%dma_start3A_440 : memref<10000x128xf32, #tpu.memory_space<vmem_shared>>) offsets(%dma_start3A_437 : memref<40xi32, #tpu.memory_space<vmem>>) semaphore(%arg22 : memref<!tpu.dma_semaphore, #tpu.memory_space<semaphore_mem>>) {add = true}
      %add3A_441 = arith.constant 1 : i32
      %add3A_442 = arith.addi %mul3A_426, %add3A_441 : i32
      %dma_wait3A_443 = arith.constant 0 : i32
      %dma_wait3A_444 = tpu.memref_slice %arg8[%add3A_442, %dma_wait3A_443] : memref<250x40xi32, #tpu.memory_space<vmem>> -> memref<1x40xi32, #tpu.memory_space<vmem>>
      %dma_wait3A_445 = tpu.memref_squeeze %dma_wait3A_444 : memref<1x40xi32, #tpu.memory_space<vmem>> -> memref<40xi32, #tpu.memory_space<vmem>>
      %dma_wait3A_446 = arith.constant 0 : i32
      %dma_wait3A_447 = arith.constant 0 : i32
      %dma_wait3A_448 = tpu.memref_slice %arg2[%dma_wait3A_446, %dma_wait3A_447] : memref<10000x128xf32, #tpu.memory_space<hbm>> -> memref<10000x128xf32, #tpu.memory_space<hbm>>
      tpu.wait_indirect_dma semaphore(%arg17 : memref<!tpu.dma_semaphore, #tpu.memory_space<semaphore_mem>>) src(%dma_wait3A_448 : memref<10000x128xf32, #tpu.memory_space<hbm>>) dst(%arg11 : memref<40x128xf32, #tpu.memory_space<vmem>>)
      %dma_start3A_449 = arith.constant 0 : i32
      %dma_start3A_450 = tpu.memref_slice %arg9[%add3A_442, %dma_start3A_449] : memref<250x40xi32, #tpu.memory_space<vmem>> -> memref<1x40xi32, #tpu.memory_space<vmem>>
      %dma_start3A_451 = tpu.memref_squeeze %dma_start3A_450 : memref<1x40xi32, #tpu.memory_space<vmem>> -> memref<40xi32, #tpu.memory_space<vmem>>
      %dma_start3A_452 = arith.constant 0 : i32
      %dma_start3A_453 = arith.constant 0 : i32
      %dma_start3A_454 = tpu.memref_slice %arg28[%dma_start3A_452, %dma_start3A_453] : memref<10000x128xf32, #tpu.memory_space<vmem_shared>> -> memref<10000x128xf32, #tpu.memory_space<vmem_shared>>
      tpu.enqueue_indirect_dma source(%arg11 : memref<40x128xf32, #tpu.memory_space<vmem>>) target(%dma_start3A_454 : memref<10000x128xf32, #tpu.memory_space<vmem_shared>>) offsets(%dma_start3A_451 : memref<40xi32, #tpu.memory_space<vmem>>) semaphore(%arg23 : memref<!tpu.dma_semaphore, #tpu.memory_space<semaphore_mem>>) {add = true}
      %add3A_455 = arith.constant 2 : i32
      %add3A_456 = arith.addi %mul3A_426, %add3A_455 : i32
      %dma_wait3A_457 = arith.constant 0 : i32
      %dma_wait3A_458 = tpu.memref_slice %arg8[%add3A_456, %dma_wait3A_457] : memref<250x40xi32, #tpu.memory_space<vmem>> -> memref<1x40xi32, #tpu.memory_space<vmem>>
      %dma_wait3A_459 = tpu.memref_squeeze %dma_wait3A_458 : memref<1x40xi32, #tpu.memory_space<vmem>> -> memref<40xi32, #tpu.memory_space<vmem>>
      %dma_wait3A_460 = arith.constant 0 : i32
      %dma_wait3A_461 = arith.constant 0 : i32
      %dma_wait3A_462 = tpu.memref_slice %arg2[%dma_wait3A_460, %dma_wait3A_461] : memref<10000x128xf32, #tpu.memory_space<hbm>> -> memref<10000x128xf32, #tpu.memory_space<hbm>>
      tpu.wait_indirect_dma semaphore(%arg18 : memref<!tpu.dma_semaphore, #tpu.memory_space<semaphore_mem>>) src(%dma_wait3A_462 : memref<10000x128xf32, #tpu.memory_space<hbm>>) dst(%arg12 : memref<40x128xf32, #tpu.memory_space<vmem>>)
      %dma_start3A_463 = arith.constant 0 : i32
      %dma_start3A_464 = tpu.memref_slice %arg9[%add3A_456, %dma_start3A_463] : memref<250x40xi32, #tpu.memory_space<vmem>> -> memref<1x40xi32, #tpu.memory_space<vmem>>
      %dma_start3A_465 = tpu.memref_squeeze %dma_start3A_464 : memref<1x40xi32, #tpu.memory_space<vmem>> -> memref<40xi32, #tpu.memory_space<vmem>>
      %dma_start3A_466 = arith.constant 0 : i32
      %dma_start3A_467 = arith.constant 0 : i32
      %dma_start3A_468 = tpu.memref_slice %arg28[%dma_start3A_466, %dma_start3A_467] : memref<10000x128xf32, #tpu.memory_space<vmem_shared>> -> memref<10000x128xf32, #tpu.memory_space<vmem_shared>>
      tpu.enqueue_indirect_dma source(%arg12 : memref<40x128xf32, #tpu.memory_space<vmem>>) target(%dma_start3A_468 : memref<10000x128xf32, #tpu.memory_space<vmem_shared>>) offsets(%dma_start3A_465 : memref<40xi32, #tpu.memory_space<vmem>>) semaphore(%arg24 : memref<!tpu.dma_semaphore, #tpu.memory_space<semaphore_mem>>) {add = true}
      %add3A_469 = arith.constant 3 : i32
      %add3A_470 = arith.addi %mul3A_426, %add3A_469 : i32
      %dma_wait3A_471 = arith.constant 0 : i32
      %dma_wait3A_472 = tpu.memref_slice %arg8[%add3A_470, %dma_wait3A_471] : memref<250x40xi32, #tpu.memory_space<vmem>> -> memref<1x40xi32, #tpu.memory_space<vmem>>
      %dma_wait3A_473 = tpu.memref_squeeze %dma_wait3A_472 : memref<1x40xi32, #tpu.memory_space<vmem>> -> memref<40xi32, #tpu.memory_space<vmem>>
      %dma_wait3A_474 = arith.constant 0 : i32
      %dma_wait3A_475 = arith.constant 0 : i32
      %dma_wait3A_476 = tpu.memref_slice %arg2[%dma_wait3A_474, %dma_wait3A_475] : memref<10000x128xf32, #tpu.memory_space<hbm>> -> memref<10000x128xf32, #tpu.memory_space<hbm>>
      tpu.wait_indirect_dma semaphore(%arg19 : memref<!tpu.dma_semaphore, #tpu.memory_space<semaphore_mem>>) src(%dma_wait3A_476 : memref<10000x128xf32, #tpu.memory_space<hbm>>) dst(%arg13 : memref<40x128xf32, #tpu.memory_space<vmem>>)
      %dma_start3A_477 = arith.constant 0 : i32
      %dma_start3A_478 = tpu.memref_slice %arg9[%add3A_470, %dma_start3A_477] : memref<250x40xi32, #tpu.memory_space<vmem>> -> memref<1x40xi32, #tpu.memory_space<vmem>>
      %dma_start3A_479 = tpu.memref_squeeze %dma_start3A_478 : memref<1x40xi32, #tpu.memory_space<vmem>> -> memref<40xi32, #tpu.memory_space<vmem>>
      %dma_start3A_480 = arith.constant 0 : i32
      %dma_start3A_481 = arith.constant 0 : i32
      %dma_start3A_482 = tpu.memref_slice %arg28[%dma_start3A_480, %dma_start3A_481] : memref<10000x128xf32, #tpu.memory_space<vmem_shared>> -> memref<10000x128xf32, #tpu.memory_space<vmem_shared>>
      tpu.enqueue_indirect_dma source(%arg13 : memref<40x128xf32, #tpu.memory_space<vmem>>) target(%dma_start3A_482 : memref<10000x128xf32, #tpu.memory_space<vmem_shared>>) offsets(%dma_start3A_479 : memref<40xi32, #tpu.memory_space<vmem>>) semaphore(%arg25 : memref<!tpu.dma_semaphore, #tpu.memory_space<semaphore_mem>>) {add = true}
      %add3A_483 = arith.constant 4 : i32
      %add3A_484 = arith.addi %mul3A_426, %add3A_483 : i32
      %dma_wait3A_485 = arith.constant 0 : i32
      %dma_wait3A_486 = tpu.memref_slice %arg8[%add3A_484, %dma_wait3A_485] : memref<250x40xi32, #tpu.memory_space<vmem>> -> memref<1x40xi32, #tpu.memory_space<vmem>>
      %dma_wait3A_487 = tpu.memref_squeeze %dma_wait3A_486 : memref<1x40xi32, #tpu.memory_space<vmem>> -> memref<40xi32, #tpu.memory_space<vmem>>
      %dma_wait3A_488 = arith.constant 0 : i32
      %dma_wait3A_489 = arith.constant 0 : i32
      %dma_wait3A_490 = tpu.memref_slice %arg2[%dma_wait3A_488, %dma_wait3A_489] : memref<10000x128xf32, #tpu.memory_space<hbm>> -> memref<10000x128xf32, #tpu.memory_space<hbm>>
      tpu.wait_indirect_dma semaphore(%arg20 : memref<!tpu.dma_semaphore, #tpu.memory_space<semaphore_mem>>) src(%dma_wait3A_490 : memref<10000x128xf32, #tpu.memory_space<hbm>>) dst(%arg14 : memref<40x128xf32, #tpu.memory_space<vmem>>)
      %dma_start3A_491 = arith.constant 0 : i32
      %dma_start3A_492 = tpu.memref_slice %arg9[%add3A_484, %dma_start3A_491] : memref<250x40xi32, #tpu.memory_space<vmem>> -> memref<1x40xi32, #tpu.memory_space<vmem>>
      %dma_start3A_493 = tpu.memref_squeeze %dma_start3A_492 : memref<1x40xi32, #tpu.memory_space<vmem>> -> memref<40xi32, #tpu.memory_space<vmem>>
      %dma_start3A_494 = arith.constant 0 : i32
      %dma_start3A_495 = arith.constant 0 : i32
      %dma_start3A_496 = tpu.memref_slice %arg28[%dma_start3A_494, %dma_start3A_495] : memref<10000x128xf32, #tpu.memory_space<vmem_shared>> -> memref<10000x128xf32, #tpu.memory_space<vmem_shared>>
      tpu.enqueue_indirect_dma source(%arg14 : memref<40x128xf32, #tpu.memory_space<vmem>>) target(%dma_start3A_496 : memref<10000x128xf32, #tpu.memory_space<vmem_shared>>) offsets(%dma_start3A_493 : memref<40xi32, #tpu.memory_space<vmem>>) semaphore(%arg26 : memref<!tpu.dma_semaphore, #tpu.memory_space<semaphore_mem>>) {add = true}
      %add3A_497 = arith.constant 5 : i32
      %add3A_498 = arith.addi %mul3A_426, %add3A_497 : i32
      %dma_wait3A_499 = arith.constant 0 : i32
      %dma_wait3A_500 = tpu.memref_slice %arg8[%add3A_498, %dma_wait3A_499] : memref<250x40xi32, #tpu.memory_space<vmem>> -> memref<1x40xi32, #tpu.memory_space<vmem>>
      %dma_wait3A_501 = tpu.memref_squeeze %dma_wait3A_500 : memref<1x40xi32, #tpu.memory_space<vmem>> -> memref<40xi32, #tpu.memory_space<vmem>>
      %dma_wait3A_502 = arith.constant 0 : i32
      %dma_wait3A_503 = arith.constant 0 : i32
      %dma_wait3A_504 = tpu.memref_slice %arg2[%dma_wait3A_502, %dma_wait3A_503] : memref<10000x128xf32, #tpu.memory_space<hbm>> -> memref<10000x128xf32, #tpu.memory_space<hbm>>
      tpu.wait_indirect_dma semaphore(%arg21 : memref<!tpu.dma_semaphore, #tpu.memory_space<semaphore_mem>>) src(%dma_wait3A_504 : memref<10000x128xf32, #tpu.memory_space<hbm>>) dst(%arg15 : memref<40x128xf32, #tpu.memory_space<vmem>>)
      %dma_start3A_505 = arith.constant 0 : i32
      %dma_start3A_506 = tpu.memref_slice %arg9[%add3A_498, %dma_start3A_505] : memref<250x40xi32, #tpu.memory_space<vmem>> -> memref<1x40xi32, #tpu.memory_space<vmem>>
      %dma_start3A_507 = tpu.memref_squeeze %dma_start3A_506 : memref<1x40xi32, #tpu.memory_space<vmem>> -> memref<40xi32, #tpu.memory_space<vmem>>
      %dma_start3A_508 = arith.constant 0 : i32
      %dma_start3A_509 = arith.constant 0 : i32
      %dma_start3A_510 = tpu.memref_slice %arg28[%dma_start3A_508, %dma_start3A_509] : memref<10000x128xf32, #tpu.memory_space<vmem_shared>> -> memref<10000x128xf32, #tpu.memory_space<vmem_shared>>
      tpu.enqueue_indirect_dma source(%arg15 : memref<40x128xf32, #tpu.memory_space<vmem>>) target(%dma_start3A_510 : memref<10000x128xf32, #tpu.memory_space<vmem_shared>>) offsets(%dma_start3A_507 : memref<40xi32, #tpu.memory_space<vmem>>) semaphore(%arg27 : memref<!tpu.dma_semaphore, #tpu.memory_space<semaphore_mem>>) {add = true}
      %add3A_511 = arith.constant 0 : i32
      %add3A_512 = arith.addi %mul3A_426, %add3A_511 : i32
      %add3A_513 = arith.constant 6 : i32
      %add3A_514 = arith.addi %add3A_512, %add3A_513 : i32
      %lt3A = arith.constant 250 : i32
      %lt3A_515 = arith.cmpi slt, %add3A_514, %lt3A : i32
      %convert_element_type3A_516 = arith.extui %lt3A_515 : i1 to i32
      %cond3A_517 = arith.constant 0 : i32
      %cond3A_518 = arith.cmpi ne, %convert_element_type3A_516, %cond3A_517 : i32
      scf.if %cond3A_518 {
        %add3A_564 = arith.constant 0 : i32
        %add3A_565 = arith.addi %mul3A_426, %add3A_564 : i32
        %dma_wait3A_566 = arith.constant 0 : i32
        %dma_wait3A_567 = tpu.memref_slice %arg9[%add3A_565, %dma_wait3A_566] : memref<250x40xi32, #tpu.memory_space<vmem>> -> memref<1x40xi32, #tpu.memory_space<vmem>>
        %dma_wait3A_568 = tpu.memref_squeeze %dma_wait3A_567 : memref<1x40xi32, #tpu.memory_space<vmem>> -> memref<40xi32, #tpu.memory_space<vmem>>
        %dma_wait3A_569 = arith.constant 0 : i32
        %dma_wait3A_570 = arith.constant 0 : i32
        %dma_wait3A_571 = tpu.memref_slice %arg28[%dma_wait3A_569, %dma_wait3A_570] : memref<10000x128xf32, #tpu.memory_space<vmem_shared>> -> memref<10000x128xf32, #tpu.memory_space<vmem_shared>>
        tpu.wait_indirect_dma semaphore(%arg22 : memref<!tpu.dma_semaphore, #tpu.memory_space<semaphore_mem>>) src(%arg10 : memref<40x128xf32, #tpu.memory_space<vmem>>) dst(%dma_wait3A_571 : memref<10000x128xf32, #tpu.memory_space<vmem_shared>>)
        %dma_start3A_572 = arith.constant 0 : i32
        %dma_start3A_573 = tpu.memref_slice %arg8[%add3A_514, %dma_start3A_572] : memref<250x40xi32, #tpu.memory_space<vmem>> -> memref<1x40xi32, #tpu.memory_space<vmem>>
        %dma_start3A_574 = tpu.memref_squeeze %dma_start3A_573 : memref<1x40xi32, #tpu.memory_space<vmem>> -> memref<40xi32, #tpu.memory_space<vmem>>
        %dma_start3A_575 = arith.constant 0 : i32
        %dma_start3A_576 = arith.constant 0 : i32
        %dma_start3A_577 = tpu.memref_slice %arg2[%dma_start3A_575, %dma_start3A_576] : memref<10000x128xf32, #tpu.memory_space<hbm>> -> memref<10000x128xf32, #tpu.memory_space<hbm>>
        tpu.enqueue_indirect_dma source(%dma_start3A_577 : memref<10000x128xf32, #tpu.memory_space<hbm>>) target(%arg10 : memref<40x128xf32, #tpu.memory_space<vmem>>) offsets(%dma_start3A_574 : memref<40xi32, #tpu.memory_space<vmem>>) semaphore(%arg16 : memref<!tpu.dma_semaphore, #tpu.memory_space<semaphore_mem>>)
      } else {
      }
      %add3A_519 = arith.constant 1 : i32
      %add3A_520 = arith.addi %mul3A_426, %add3A_519 : i32
      %add3A_521 = arith.constant 6 : i32
      %add3A_522 = arith.addi %add3A_520, %add3A_521 : i32
      %lt3A_523 = arith.constant 250 : i32
      %lt3A_524 = arith.cmpi slt, %add3A_522, %lt3A_523 : i32
      %convert_element_type3A_525 = arith.extui %lt3A_524 : i1 to i32
      %cond3A_526 = arith.constant 0 : i32
      %cond3A_527 = arith.cmpi ne, %convert_element_type3A_525, %cond3A_526 : i32
      scf.if %cond3A_527 {
        %add3A_564 = arith.constant 1 : i32
        %add3A_565 = arith.addi %mul3A_426, %add3A_564 : i32
        %dma_wait3A_566 = arith.constant 0 : i32
        %dma_wait3A_567 = tpu.memref_slice %arg9[%add3A_565, %dma_wait3A_566] : memref<250x40xi32, #tpu.memory_space<vmem>> -> memref<1x40xi32, #tpu.memory_space<vmem>>
        %dma_wait3A_568 = tpu.memref_squeeze %dma_wait3A_567 : memref<1x40xi32, #tpu.memory_space<vmem>> -> memref<40xi32, #tpu.memory_space<vmem>>
        %dma_wait3A_569 = arith.constant 0 : i32
        %dma_wait3A_570 = arith.constant 0 : i32
        %dma_wait3A_571 = tpu.memref_slice %arg28[%dma_wait3A_569, %dma_wait3A_570] : memref<10000x128xf32, #tpu.memory_space<vmem_shared>> -> memref<10000x128xf32, #tpu.memory_space<vmem_shared>>
        tpu.wait_indirect_dma semaphore(%arg23 : memref<!tpu.dma_semaphore, #tpu.memory_space<semaphore_mem>>) src(%arg11 : memref<40x128xf32, #tpu.memory_space<vmem>>) dst(%dma_wait3A_571 : memref<10000x128xf32, #tpu.memory_space<vmem_shared>>)
        %dma_start3A_572 = arith.constant 0 : i32
        %dma_start3A_573 = tpu.memref_slice %arg8[%add3A_522, %dma_start3A_572] : memref<250x40xi32, #tpu.memory_space<vmem>> -> memref<1x40xi32, #tpu.memory_space<vmem>>
        %dma_start3A_574 = tpu.memref_squeeze %dma_start3A_573 : memref<1x40xi32, #tpu.memory_space<vmem>> -> memref<40xi32, #tpu.memory_space<vmem>>
        %dma_start3A_575 = arith.constant 0 : i32
        %dma_start3A_576 = arith.constant 0 : i32
        %dma_start3A_577 = tpu.memref_slice %arg2[%dma_start3A_575, %dma_start3A_576] : memref<10000x128xf32, #tpu.memory_space<hbm>> -> memref<10000x128xf32, #tpu.memory_space<hbm>>
        tpu.enqueue_indirect_dma source(%dma_start3A_577 : memref<10000x128xf32, #tpu.memory_space<hbm>>) target(%arg11 : memref<40x128xf32, #tpu.memory_space<vmem>>) offsets(%dma_start3A_574 : memref<40xi32, #tpu.memory_space<vmem>>) semaphore(%arg17 : memref<!tpu.dma_semaphore, #tpu.memory_space<semaphore_mem>>)
      } else {
      }
      %add3A_528 = arith.constant 2 : i32
      %add3A_529 = arith.addi %mul3A_426, %add3A_528 : i32
      %add3A_530 = arith.constant 6 : i32
      %add3A_531 = arith.addi %add3A_529, %add3A_530 : i32
      %lt3A_532 = arith.constant 250 : i32
      %lt3A_533 = arith.cmpi slt, %add3A_531, %lt3A_532 : i32
      %convert_element_type3A_534 = arith.extui %lt3A_533 : i1 to i32
      %cond3A_535 = arith.constant 0 : i32
      %cond3A_536 = arith.cmpi ne, %convert_element_type3A_534, %cond3A_535 : i32
      scf.if %cond3A_536 {
        %add3A_564 = arith.constant 2 : i32
        %add3A_565 = arith.addi %mul3A_426, %add3A_564 : i32
        %dma_wait3A_566 = arith.constant 0 : i32
        %dma_wait3A_567 = tpu.memref_slice %arg9[%add3A_565, %dma_wait3A_566] : memref<250x40xi32, #tpu.memory_space<vmem>> -> memref<1x40xi32, #tpu.memory_space<vmem>>
        %dma_wait3A_568 = tpu.memref_squeeze %dma_wait3A_567 : memref<1x40xi32, #tpu.memory_space<vmem>> -> memref<40xi32, #tpu.memory_space<vmem>>
        %dma_wait3A_569 = arith.constant 0 : i32
        %dma_wait3A_570 = arith.constant 0 : i32
        %dma_wait3A_571 = tpu.memref_slice %arg28[%dma_wait3A_569, %dma_wait3A_570] : memref<10000x128xf32, #tpu.memory_space<vmem_shared>> -> memref<10000x128xf32, #tpu.memory_space<vmem_shared>>
        tpu.wait_indirect_dma semaphore(%arg24 : memref<!tpu.dma_semaphore, #tpu.memory_space<semaphore_mem>>) src(%arg12 : memref<40x128xf32, #tpu.memory_space<vmem>>) dst(%dma_wait3A_571 : memref<10000x128xf32, #tpu.memory_space<vmem_shared>>)
        %dma_start3A_572 = arith.constant 0 : i32
        %dma_start3A_573 = tpu.memref_slice %arg8[%add3A_531, %dma_start3A_572] : memref<250x40xi32, #tpu.memory_space<vmem>> -> memref<1x40xi32, #tpu.memory_space<vmem>>
        %dma_start3A_574 = tpu.memref_squeeze %dma_start3A_573 : memref<1x40xi32, #tpu.memory_space<vmem>> -> memref<40xi32, #tpu.memory_space<vmem>>
        %dma_start3A_575 = arith.constant 0 : i32
        %dma_start3A_576 = arith.constant 0 : i32
        %dma_start3A_577 = tpu.memref_slice %arg2[%dma_start3A_575, %dma_start3A_576] : memref<10000x128xf32, #tpu.memory_space<hbm>> -> memref<10000x128xf32, #tpu.memory_space<hbm>>
        tpu.enqueue_indirect_dma source(%dma_start3A_577 : memref<10000x128xf32, #tpu.memory_space<hbm>>) target(%arg12 : memref<40x128xf32, #tpu.memory_space<vmem>>) offsets(%dma_start3A_574 : memref<40xi32, #tpu.memory_space<vmem>>) semaphore(%arg18 : memref<!tpu.dma_semaphore, #tpu.memory_space<semaphore_mem>>)
      } else {
      }
      %add3A_537 = arith.constant 3 : i32
      %add3A_538 = arith.addi %mul3A_426, %add3A_537 : i32
      %add3A_539 = arith.constant 6 : i32
      %add3A_540 = arith.addi %add3A_538, %add3A_539 : i32
      %lt3A_541 = arith.constant 250 : i32
      %lt3A_542 = arith.cmpi slt, %add3A_540, %lt3A_541 : i32
      %convert_element_type3A_543 = arith.extui %lt3A_542 : i1 to i32
      %cond3A_544 = arith.constant 0 : i32
      %cond3A_545 = arith.cmpi ne, %convert_element_type3A_543, %cond3A_544 : i32
      scf.if %cond3A_545 {
        %add3A_564 = arith.constant 3 : i32
        %add3A_565 = arith.addi %mul3A_426, %add3A_564 : i32
        %dma_wait3A_566 = arith.constant 0 : i32
        %dma_wait3A_567 = tpu.memref_slice %arg9[%add3A_565, %dma_wait3A_566] : memref<250x40xi32, #tpu.memory_space<vmem>> -> memref<1x40xi32, #tpu.memory_space<vmem>>
        %dma_wait3A_568 = tpu.memref_squeeze %dma_wait3A_567 : memref<1x40xi32, #tpu.memory_space<vmem>> -> memref<40xi32, #tpu.memory_space<vmem>>
        %dma_wait3A_569 = arith.constant 0 : i32
        %dma_wait3A_570 = arith.constant 0 : i32
        %dma_wait3A_571 = tpu.memref_slice %arg28[%dma_wait3A_569, %dma_wait3A_570] : memref<10000x128xf32, #tpu.memory_space<vmem_shared>> -> memref<10000x128xf32, #tpu.memory_space<vmem_shared>>
        tpu.wait_indirect_dma semaphore(%arg25 : memref<!tpu.dma_semaphore, #tpu.memory_space<semaphore_mem>>) src(%arg13 : memref<40x128xf32, #tpu.memory_space<vmem>>) dst(%dma_wait3A_571 : memref<10000x128xf32, #tpu.memory_space<vmem_shared>>)
        %dma_start3A_572 = arith.constant 0 : i32
        %dma_start3A_573 = tpu.memref_slice %arg8[%add3A_540, %dma_start3A_572] : memref<250x40xi32, #tpu.memory_space<vmem>> -> memref<1x40xi32, #tpu.memory_space<vmem>>
        %dma_start3A_574 = tpu.memref_squeeze %dma_start3A_573 : memref<1x40xi32, #tpu.memory_space<vmem>> -> memref<40xi32, #tpu.memory_space<vmem>>
        %dma_start3A_575 = arith.constant 0 : i32
        %dma_start3A_576 = arith.constant 0 : i32
        %dma_start3A_577 = tpu.memref_slice %arg2[%dma_start3A_575, %dma_start3A_576] : memref<10000x128xf32, #tpu.memory_space<hbm>> -> memref<10000x128xf32, #tpu.memory_space<hbm>>
        tpu.enqueue_indirect_dma source(%dma_start3A_577 : memref<10000x128xf32, #tpu.memory_space<hbm>>) target(%arg13 : memref<40x128xf32, #tpu.memory_space<vmem>>) offsets(%dma_start3A_574 : memref<40xi32, #tpu.memory_space<vmem>>) semaphore(%arg19 : memref<!tpu.dma_semaphore, #tpu.memory_space<semaphore_mem>>)
      } else {
      }
      %add3A_546 = arith.constant 4 : i32
      %add3A_547 = arith.addi %mul3A_426, %add3A_546 : i32
      %add3A_548 = arith.constant 6 : i32
      %add3A_549 = arith.addi %add3A_547, %add3A_548 : i32
      %lt3A_550 = arith.constant 250 : i32
      %lt3A_551 = arith.cmpi slt, %add3A_549, %lt3A_550 : i32
      %convert_element_type3A_552 = arith.extui %lt3A_551 : i1 to i32
      %cond3A_553 = arith.constant 0 : i32
      %cond3A_554 = arith.cmpi ne, %convert_element_type3A_552, %cond3A_553 : i32
      scf.if %cond3A_554 {
        %add3A_564 = arith.constant 4 : i32
        %add3A_565 = arith.addi %mul3A_426, %add3A_564 : i32
        %dma_wait3A_566 = arith.constant 0 : i32
        %dma_wait3A_567 = tpu.memref_slice %arg9[%add3A_565, %dma_wait3A_566] : memref<250x40xi32, #tpu.memory_space<vmem>> -> memref<1x40xi32, #tpu.memory_space<vmem>>
        %dma_wait3A_568 = tpu.memref_squeeze %dma_wait3A_567 : memref<1x40xi32, #tpu.memory_space<vmem>> -> memref<40xi32, #tpu.memory_space<vmem>>
        %dma_wait3A_569 = arith.constant 0 : i32
        %dma_wait3A_570 = arith.constant 0 : i32
        %dma_wait3A_571 = tpu.memref_slice %arg28[%dma_wait3A_569, %dma_wait3A_570] : memref<10000x128xf32, #tpu.memory_space<vmem_shared>> -> memref<10000x128xf32, #tpu.memory_space<vmem_shared>>
        tpu.wait_indirect_dma semaphore(%arg26 : memref<!tpu.dma_semaphore, #tpu.memory_space<semaphore_mem>>) src(%arg14 : memref<40x128xf32, #tpu.memory_space<vmem>>) dst(%dma_wait3A_571 : memref<10000x128xf32, #tpu.memory_space<vmem_shared>>)
        %dma_start3A_572 = arith.constant 0 : i32
        %dma_start3A_573 = tpu.memref_slice %arg8[%add3A_549, %dma_start3A_572] : memref<250x40xi32, #tpu.memory_space<vmem>> -> memref<1x40xi32, #tpu.memory_space<vmem>>
        %dma_start3A_574 = tpu.memref_squeeze %dma_start3A_573 : memref<1x40xi32, #tpu.memory_space<vmem>> -> memref<40xi32, #tpu.memory_space<vmem>>
        %dma_start3A_575 = arith.constant 0 : i32
        %dma_start3A_576 = arith.constant 0 : i32
        %dma_start3A_577 = tpu.memref_slice %arg2[%dma_start3A_575, %dma_start3A_576] : memref<10000x128xf32, #tpu.memory_space<hbm>> -> memref<10000x128xf32, #tpu.memory_space<hbm>>
        tpu.enqueue_indirect_dma source(%dma_start3A_577 : memref<10000x128xf32, #tpu.memory_space<hbm>>) target(%arg14 : memref<40x128xf32, #tpu.memory_space<vmem>>) offsets(%dma_start3A_574 : memref<40xi32, #tpu.memory_space<vmem>>) semaphore(%arg20 : memref<!tpu.dma_semaphore, #tpu.memory_space<semaphore_mem>>)
      } else {
      }
      %add3A_555 = arith.constant 5 : i32
      %add3A_556 = arith.addi %mul3A_426, %add3A_555 : i32
      %add3A_557 = arith.constant 6 : i32
      %add3A_558 = arith.addi %add3A_556, %add3A_557 : i32
      %lt3A_559 = arith.constant 250 : i32
      %lt3A_560 = arith.cmpi slt, %add3A_558, %lt3A_559 : i32
      %convert_element_type3A_561 = arith.extui %lt3A_560 : i1 to i32
      %cond3A_562 = arith.constant 0 : i32
      %cond3A_563 = arith.cmpi ne, %convert_element_type3A_561, %cond3A_562 : i32
      scf.if %cond3A_563 {
        %add3A_564 = arith.constant 5 : i32
        %add3A_565 = arith.addi %mul3A_426, %add3A_564 : i32
        %dma_wait3A_566 = arith.constant 0 : i32
        %dma_wait3A_567 = tpu.memref_slice %arg9[%add3A_565, %dma_wait3A_566] : memref<250x40xi32, #tpu.memory_space<vmem>> -> memref<1x40xi32, #tpu.memory_space<vmem>>
        %dma_wait3A_568 = tpu.memref_squeeze %dma_wait3A_567 : memref<1x40xi32, #tpu.memory_space<vmem>> -> memref<40xi32, #tpu.memory_space<vmem>>
        %dma_wait3A_569 = arith.constant 0 : i32
        %dma_wait3A_570 = arith.constant 0 : i32
        %dma_wait3A_571 = tpu.memref_slice %arg28[%dma_wait3A_569, %dma_wait3A_570] : memref<10000x128xf32, #tpu.memory_space<vmem_shared>> -> memref<10000x128xf32, #tpu.memory_space<vmem_shared>>
        tpu.wait_indirect_dma semaphore(%arg27 : memref<!tpu.dma_semaphore, #tpu.memory_space<semaphore_mem>>) src(%arg15 : memref<40x128xf32, #tpu.memory_space<vmem>>) dst(%dma_wait3A_571 : memref<10000x128xf32, #tpu.memory_space<vmem_shared>>)
        %dma_start3A_572 = arith.constant 0 : i32
        %dma_start3A_573 = tpu.memref_slice %arg8[%add3A_558, %dma_start3A_572] : memref<250x40xi32, #tpu.memory_space<vmem>> -> memref<1x40xi32, #tpu.memory_space<vmem>>
        %dma_start3A_574 = tpu.memref_squeeze %dma_start3A_573 : memref<1x40xi32, #tpu.memory_space<vmem>> -> memref<40xi32, #tpu.memory_space<vmem>>
        %dma_start3A_575 = arith.constant 0 : i32
        %dma_start3A_576 = arith.constant 0 : i32
        %dma_start3A_577 = tpu.memref_slice %arg2[%dma_start3A_575, %dma_start3A_576] : memref<10000x128xf32, #tpu.memory_space<hbm>> -> memref<10000x128xf32, #tpu.memory_space<hbm>>
        tpu.enqueue_indirect_dma source(%dma_start3A_577 : memref<10000x128xf32, #tpu.memory_space<hbm>>) target(%arg15 : memref<40x128xf32, #tpu.memory_space<vmem>>) offsets(%dma_start3A_574 : memref<40xi32, #tpu.memory_space<vmem>>) semaphore(%arg21 : memref<!tpu.dma_semaphore, #tpu.memory_space<semaphore_mem>>)
      } else {
      }
    }
    %scan3A_314 = arith.constant 41 : i32
    %dma_wait3A_315 = arith.constant 246 : i32
    %dma_wait3A_316 = arith.constant 0 : i32
    %dma_wait3A_317 = tpu.memref_slice %arg8[%dma_wait3A_315, %dma_wait3A_316] : memref<250x40xi32, #tpu.memory_space<vmem>> -> memref<1x40xi32, #tpu.memory_space<vmem>>
    %dma_wait3A_318 = tpu.memref_squeeze %dma_wait3A_317 : memref<1x40xi32, #tpu.memory_space<vmem>> -> memref<40xi32, #tpu.memory_space<vmem>>
    %dma_wait3A_319 = arith.constant 0 : i32
    %dma_wait3A_320 = arith.constant 0 : i32
    %dma_wait3A_321 = tpu.memref_slice %arg2[%dma_wait3A_319, %dma_wait3A_320] : memref<10000x128xf32, #tpu.memory_space<hbm>> -> memref<10000x128xf32, #tpu.memory_space<hbm>>
    tpu.wait_indirect_dma semaphore(%arg16 : memref<!tpu.dma_semaphore, #tpu.memory_space<semaphore_mem>>) src(%dma_wait3A_321 : memref<10000x128xf32, #tpu.memory_space<hbm>>) dst(%arg10 : memref<40x128xf32, #tpu.memory_space<vmem>>)
    %dma_start3A_322 = arith.constant 246 : i32
    %dma_start3A_323 = arith.constant 0 : i32
    %dma_start3A_324 = tpu.memref_slice %arg9[%dma_start3A_322, %dma_start3A_323] : memref<250x40xi32, #tpu.memory_space<vmem>> -> memref<1x40xi32, #tpu.memory_space<vmem>>
    %dma_start3A_325 = tpu.memref_squeeze %dma_start3A_324 : memref<1x40xi32, #tpu.memory_space<vmem>> -> memref<40xi32, #tpu.memory_space<vmem>>
    %dma_start3A_326 = arith.constant 0 : i32
    %dma_start3A_327 = arith.constant 0 : i32
    %dma_start3A_328 = tpu.memref_slice %arg28[%dma_start3A_326, %dma_start3A_327] : memref<10000x128xf32, #tpu.memory_space<vmem_shared>> -> memref<10000x128xf32, #tpu.memory_space<vmem_shared>>
    tpu.enqueue_indirect_dma source(%arg10 : memref<40x128xf32, #tpu.memory_space<vmem>>) target(%dma_start3A_328 : memref<10000x128xf32, #tpu.memory_space<vmem_shared>>) offsets(%dma_start3A_325 : memref<40xi32, #tpu.memory_space<vmem>>) semaphore(%arg22 : memref<!tpu.dma_semaphore, #tpu.memory_space<semaphore_mem>>) {add = true}
    %dma_wait3A_329 = arith.constant 247 : i32
    %dma_wait3A_330 = arith.constant 0 : i32
    %dma_wait3A_331 = tpu.memref_slice %arg8[%dma_wait3A_329, %dma_wait3A_330] : memref<250x40xi32, #tpu.memory_space<vmem>> -> memref<1x40xi32, #tpu.memory_space<vmem>>
    %dma_wait3A_332 = tpu.memref_squeeze %dma_wait3A_331 : memref<1x40xi32, #tpu.memory_space<vmem>> -> memref<40xi32, #tpu.memory_space<vmem>>
    %dma_wait3A_333 = arith.constant 0 : i32
    %dma_wait3A_334 = arith.constant 0 : i32
    %dma_wait3A_335 = tpu.memref_slice %arg2[%dma_wait3A_333, %dma_wait3A_334] : memref<10000x128xf32, #tpu.memory_space<hbm>> -> memref<10000x128xf32, #tpu.memory_space<hbm>>
    tpu.wait_indirect_dma semaphore(%arg17 : memref<!tpu.dma_semaphore, #tpu.memory_space<semaphore_mem>>) src(%dma_wait3A_335 : memref<10000x128xf32, #tpu.memory_space<hbm>>) dst(%arg11 : memref<40x128xf32, #tpu.memory_space<vmem>>)
    %dma_start3A_336 = arith.constant 247 : i32
    %dma_start3A_337 = arith.constant 0 : i32
    %dma_start3A_338 = tpu.memref_slice %arg9[%dma_start3A_336, %dma_start3A_337] : memref<250x40xi32, #tpu.memory_space<vmem>> -> memref<1x40xi32, #tpu.memory_space<vmem>>
    %dma_start3A_339 = tpu.memref_squeeze %dma_start3A_338 : memref<1x40xi32, #tpu.memory_space<vmem>> -> memref<40xi32, #tpu.memory_space<vmem>>
    %dma_start3A_340 = arith.constant 0 : i32
    %dma_start3A_341 = arith.constant 0 : i32
    %dma_start3A_342 = tpu.memref_slice %arg28[%dma_start3A_340, %dma_start3A_341] : memref<10000x128xf32, #tpu.memory_space<vmem_shared>> -> memref<10000x128xf32, #tpu.memory_space<vmem_shared>>
    tpu.enqueue_indirect_dma source(%arg11 : memref<40x128xf32, #tpu.memory_space<vmem>>) target(%dma_start3A_342 : memref<10000x128xf32, #tpu.memory_space<vmem_shared>>) offsets(%dma_start3A_339 : memref<40xi32, #tpu.memory_space<vmem>>) semaphore(%arg23 : memref<!tpu.dma_semaphore, #tpu.memory_space<semaphore_mem>>) {add = true}
    %dma_wait3A_343 = arith.constant 248 : i32
    %dma_wait3A_344 = arith.constant 0 : i32
    %dma_wait3A_345 = tpu.memref_slice %arg8[%dma_wait3A_343, %dma_wait3A_344] : memref<250x40xi32, #tpu.memory_space<vmem>> -> memref<1x40xi32, #tpu.memory_space<vmem>>
    %dma_wait3A_346 = tpu.memref_squeeze %dma_wait3A_345 : memref<1x40xi32, #tpu.memory_space<vmem>> -> memref<40xi32, #tpu.memory_space<vmem>>
    %dma_wait3A_347 = arith.constant 0 : i32
    %dma_wait3A_348 = arith.constant 0 : i32
    %dma_wait3A_349 = tpu.memref_slice %arg2[%dma_wait3A_347, %dma_wait3A_348] : memref<10000x128xf32, #tpu.memory_space<hbm>> -> memref<10000x128xf32, #tpu.memory_space<hbm>>
    tpu.wait_indirect_dma semaphore(%arg18 : memref<!tpu.dma_semaphore, #tpu.memory_space<semaphore_mem>>) src(%dma_wait3A_349 : memref<10000x128xf32, #tpu.memory_space<hbm>>) dst(%arg12 : memref<40x128xf32, #tpu.memory_space<vmem>>)
    %dma_start3A_350 = arith.constant 248 : i32
    %dma_start3A_351 = arith.constant 0 : i32
    %dma_start3A_352 = tpu.memref_slice %arg9[%dma_start3A_350, %dma_start3A_351] : memref<250x40xi32, #tpu.memory_space<vmem>> -> memref<1x40xi32, #tpu.memory_space<vmem>>
    %dma_start3A_353 = tpu.memref_squeeze %dma_start3A_352 : memref<1x40xi32, #tpu.memory_space<vmem>> -> memref<40xi32, #tpu.memory_space<vmem>>
    %dma_start3A_354 = arith.constant 0 : i32
    %dma_start3A_355 = arith.constant 0 : i32
    %dma_start3A_356 = tpu.memref_slice %arg28[%dma_start3A_354, %dma_start3A_355] : memref<10000x128xf32, #tpu.memory_space<vmem_shared>> -> memref<10000x128xf32, #tpu.memory_space<vmem_shared>>
    tpu.enqueue_indirect_dma source(%arg12 : memref<40x128xf32, #tpu.memory_space<vmem>>) target(%dma_start3A_356 : memref<10000x128xf32, #tpu.memory_space<vmem_shared>>) offsets(%dma_start3A_353 : memref<40xi32, #tpu.memory_space<vmem>>) semaphore(%arg24 : memref<!tpu.dma_semaphore, #tpu.memory_space<semaphore_mem>>) {add = true}
    %dma_wait3A_357 = arith.constant 249 : i32
    %dma_wait3A_358 = arith.constant 0 : i32
    %dma_wait3A_359 = tpu.memref_slice %arg8[%dma_wait3A_357, %dma_wait3A_358] : memref<250x40xi32, #tpu.memory_space<vmem>> -> memref<1x40xi32, #tpu.memory_space<vmem>>
    %dma_wait3A_360 = tpu.memref_squeeze %dma_wait3A_359 : memref<1x40xi32, #tpu.memory_space<vmem>> -> memref<40xi32, #tpu.memory_space<vmem>>
    %dma_wait3A_361 = arith.constant 0 : i32
    %dma_wait3A_362 = arith.constant 0 : i32
    %dma_wait3A_363 = tpu.memref_slice %arg2[%dma_wait3A_361, %dma_wait3A_362] : memref<10000x128xf32, #tpu.memory_space<hbm>> -> memref<10000x128xf32, #tpu.memory_space<hbm>>
    tpu.wait_indirect_dma semaphore(%arg19 : memref<!tpu.dma_semaphore, #tpu.memory_space<semaphore_mem>>) src(%dma_wait3A_363 : memref<10000x128xf32, #tpu.memory_space<hbm>>) dst(%arg13 : memref<40x128xf32, #tpu.memory_space<vmem>>)
    %dma_start3A_364 = arith.constant 249 : i32
    %dma_start3A_365 = arith.constant 0 : i32
    %dma_start3A_366 = tpu.memref_slice %arg9[%dma_start3A_364, %dma_start3A_365] : memref<250x40xi32, #tpu.memory_space<vmem>> -> memref<1x40xi32, #tpu.memory_space<vmem>>
    %dma_start3A_367 = tpu.memref_squeeze %dma_start3A_366 : memref<1x40xi32, #tpu.memory_space<vmem>> -> memref<40xi32, #tpu.memory_space<vmem>>
    %dma_start3A_368 = arith.constant 0 : i32
    %dma_start3A_369 = arith.constant 0 : i32
    %dma_start3A_370 = tpu.memref_slice %arg28[%dma_start3A_368, %dma_start3A_369] : memref<10000x128xf32, #tpu.memory_space<vmem_shared>> -> memref<10000x128xf32, #tpu.memory_space<vmem_shared>>
    tpu.enqueue_indirect_dma source(%arg13 : memref<40x128xf32, #tpu.memory_space<vmem>>) target(%dma_start3A_370 : memref<10000x128xf32, #tpu.memory_space<vmem_shared>>) offsets(%dma_start3A_367 : memref<40xi32, #tpu.memory_space<vmem>>) semaphore(%arg25 : memref<!tpu.dma_semaphore, #tpu.memory_space<semaphore_mem>>) {add = true}
    %dma_wait3A_371 = arith.constant 244 : i32
    %dma_wait3A_372 = arith.constant 0 : i32
    %dma_wait3A_373 = tpu.memref_slice %arg9[%dma_wait3A_371, %dma_wait3A_372] : memref<250x40xi32, #tpu.memory_space<vmem>> -> memref<1x40xi32, #tpu.memory_space<vmem>>
    %dma_wait3A_374 = tpu.memref_squeeze %dma_wait3A_373 : memref<1x40xi32, #tpu.memory_space<vmem>> -> memref<40xi32, #tpu.memory_space<vmem>>
    %dma_wait3A_375 = arith.constant 0 : i32
    %dma_wait3A_376 = arith.constant 0 : i32
    %dma_wait3A_377 = tpu.memref_slice %arg28[%dma_wait3A_375, %dma_wait3A_376] : memref<10000x128xf32, #tpu.memory_space<vmem_shared>> -> memref<10000x128xf32, #tpu.memory_space<vmem_shared>>
    tpu.wait_indirect_dma semaphore(%arg26 : memref<!tpu.dma_semaphore, #tpu.memory_space<semaphore_mem>>) src(%arg14 : memref<40x128xf32, #tpu.memory_space<vmem>>) dst(%dma_wait3A_377 : memref<10000x128xf32, #tpu.memory_space<vmem_shared>>)
    %dma_wait3A_378 = arith.constant 245 : i32
    %dma_wait3A_379 = arith.constant 0 : i32
    %dma_wait3A_380 = tpu.memref_slice %arg9[%dma_wait3A_378, %dma_wait3A_379] : memref<250x40xi32, #tpu.memory_space<vmem>> -> memref<1x40xi32, #tpu.memory_space<vmem>>
    %dma_wait3A_381 = tpu.memref_squeeze %dma_wait3A_380 : memref<1x40xi32, #tpu.memory_space<vmem>> -> memref<40xi32, #tpu.memory_space<vmem>>
    %dma_wait3A_382 = arith.constant 0 : i32
    %dma_wait3A_383 = arith.constant 0 : i32
    %dma_wait3A_384 = tpu.memref_slice %arg28[%dma_wait3A_382, %dma_wait3A_383] : memref<10000x128xf32, #tpu.memory_space<vmem_shared>> -> memref<10000x128xf32, #tpu.memory_space<vmem_shared>>
    tpu.wait_indirect_dma semaphore(%arg27 : memref<!tpu.dma_semaphore, #tpu.memory_space<semaphore_mem>>) src(%arg15 : memref<40x128xf32, #tpu.memory_space<vmem>>) dst(%dma_wait3A_384 : memref<10000x128xf32, #tpu.memory_space<vmem_shared>>)
    %dma_wait3A_385 = arith.constant 246 : i32
    %dma_wait3A_386 = arith.constant 0 : i32
    %dma_wait3A_387 = tpu.memref_slice %arg9[%dma_wait3A_385, %dma_wait3A_386] : memref<250x40xi32, #tpu.memory_space<vmem>> -> memref<1x40xi32, #tpu.memory_space<vmem>>
    %dma_wait3A_388 = tpu.memref_squeeze %dma_wait3A_387 : memref<1x40xi32, #tpu.memory_space<vmem>> -> memref<40xi32, #tpu.memory_space<vmem>>
    %dma_wait3A_389 = arith.constant 0 : i32
    %dma_wait3A_390 = arith.constant 0 : i32
    %dma_wait3A_391 = tpu.memref_slice %arg28[%dma_wait3A_389, %dma_wait3A_390] : memref<10000x128xf32, #tpu.memory_space<vmem_shared>> -> memref<10000x128xf32, #tpu.memory_space<vmem_shared>>
    tpu.wait_indirect_dma semaphore(%arg22 : memref<!tpu.dma_semaphore, #tpu.memory_space<semaphore_mem>>) src(%arg10 : memref<40x128xf32, #tpu.memory_space<vmem>>) dst(%dma_wait3A_391 : memref<10000x128xf32, #tpu.memory_space<vmem_shared>>)
    %dma_wait3A_392 = arith.constant 247 : i32
    %dma_wait3A_393 = arith.constant 0 : i32
    %dma_wait3A_394 = tpu.memref_slice %arg9[%dma_wait3A_392, %dma_wait3A_393] : memref<250x40xi32, #tpu.memory_space<vmem>> -> memref<1x40xi32, #tpu.memory_space<vmem>>
    %dma_wait3A_395 = tpu.memref_squeeze %dma_wait3A_394 : memref<1x40xi32, #tpu.memory_space<vmem>> -> memref<40xi32, #tpu.memory_space<vmem>>
    %dma_wait3A_396 = arith.constant 0 : i32
    %dma_wait3A_397 = arith.constant 0 : i32
    %dma_wait3A_398 = tpu.memref_slice %arg28[%dma_wait3A_396, %dma_wait3A_397] : memref<10000x128xf32, #tpu.memory_space<vmem_shared>> -> memref<10000x128xf32, #tpu.memory_space<vmem_shared>>
    tpu.wait_indirect_dma semaphore(%arg23 : memref<!tpu.dma_semaphore, #tpu.memory_space<semaphore_mem>>) src(%arg11 : memref<40x128xf32, #tpu.memory_space<vmem>>) dst(%dma_wait3A_398 : memref<10000x128xf32, #tpu.memory_space<vmem_shared>>)
    %dma_wait3A_399 = arith.constant 248 : i32
    %dma_wait3A_400 = arith.constant 0 : i32
    %dma_wait3A_401 = tpu.memref_slice %arg9[%dma_wait3A_399, %dma_wait3A_400] : memref<250x40xi32, #tpu.memory_space<vmem>> -> memref<1x40xi32, #tpu.memory_space<vmem>>
    %dma_wait3A_402 = tpu.memref_squeeze %dma_wait3A_401 : memref<1x40xi32, #tpu.memory_space<vmem>> -> memref<40xi32, #tpu.memory_space<vmem>>
    %dma_wait3A_403 = arith.constant 0 : i32
    %dma_wait3A_404 = arith.constant 0 : i32
    %dma_wait3A_405 = tpu.memref_slice %arg28[%dma_wait3A_403, %dma_wait3A_404] : memref<10000x128xf32, #tpu.memory_space<vmem_shared>> -> memref<10000x128xf32, #tpu.memory_space<vmem_shared>>
    tpu.wait_indirect_dma semaphore(%arg24 : memref<!tpu.dma_semaphore, #tpu.memory_space<semaphore_mem>>) src(%arg12 : memref<40x128xf32, #tpu.memory_space<vmem>>) dst(%dma_wait3A_405 : memref<10000x128xf32, #tpu.memory_space<vmem_shared>>)
    %dma_wait3A_406 = arith.constant 249 : i32
    %dma_wait3A_407 = arith.constant 0 : i32
    %dma_wait3A_408 = tpu.memref_slice %arg9[%dma_wait3A_406, %dma_wait3A_407] : memref<250x40xi32, #tpu.memory_space<vmem>> -> memref<1x40xi32, #tpu.memory_space<vmem>>
    %dma_wait3A_409 = tpu.memref_squeeze %dma_wait3A_408 : memref<1x40xi32, #tpu.memory_space<vmem>> -> memref<40xi32, #tpu.memory_space<vmem>>
    %dma_wait3A_410 = arith.constant 0 : i32
    %dma_wait3A_411 = arith.constant 0 : i32
    %dma_wait3A_412 = tpu.memref_slice %arg28[%dma_wait3A_410, %dma_wait3A_411] : memref<10000x128xf32, #tpu.memory_space<vmem_shared>> -> memref<10000x128xf32, #tpu.memory_space<vmem_shared>>
    tpu.wait_indirect_dma semaphore(%arg25 : memref<!tpu.dma_semaphore, #tpu.memory_space<semaphore_mem>>) src(%arg13 : memref<40x128xf32, #tpu.memory_space<vmem>>) dst(%dma_wait3A_412 : memref<10000x128xf32, #tpu.memory_space<vmem_shared>>)
    %barrier3A_413 = arith.constant 0 : index
    tpu.barrier barrier_id(%barrier3A_413)
    %eq3A_414 = arith.constant 0 : i32
    %eq3A_415 = arith.cmpi eq, %arg0, %eq3A_414 : i32
    %convert_element_type3A_416 = arith.extui %eq3A_415 : i1 to i32
    %cond3A_417 = arith.constant 0 : i32
    %cond3A_418 = arith.cmpi ne, %convert_element_type3A_416, %cond3A_417 : i32
    scf.if %cond3A_418 {
      %lt3A = arith.constant 15 : i32
      %lt3A_424 = arith.cmpi slt, %arg1, %lt3A : i32
      %convert_element_type3A_425 = arith.extui %lt3A_424 : i1 to i32
      %cond3A_426 = arith.constant 0 : i32
      %cond3A_427 = arith.cmpi ne, %convert_element_type3A_425, %cond3A_426 : i32
      scf.if %cond3A_427 {
        "tpu.region"() ({
          %run_scoped3A = tpu.sem_alloc : memref<!tpu.dma_semaphore, #tpu.memory_space<semaphore_mem>>
          %dma_start3A_433 = arith.constant 0 : i32
          %dma_start3A_434 = tpu.memref_slice %arg6[%multiple_of3A, %dma_start3A_433] : memref<10000x128xf32, #tpu.memory_space<hbm>> -> memref<624x128xf32, #tpu.memory_space<hbm>>
          %dma_start3A_435 = arith.constant 0 : i32
          %dma_start3A_436 = tpu.memref_slice %arg28[%multiple_of3A, %dma_start3A_435] : memref<10000x128xf32, #tpu.memory_space<vmem_shared>> -> memref<624x128xf32, #tpu.memory_space<vmem_shared>>
          tpu.enqueue_dma source(%dma_start3A_436 : memref<624x128xf32, #tpu.memory_space<vmem_shared>>) target(%dma_start3A_434 : memref<624x128xf32, #tpu.memory_space<hbm>>) target_semaphore(%run_scoped3A : memref<!tpu.dma_semaphore, #tpu.memory_space<semaphore_mem>>)
          %dma_wait3A_437 = arith.constant 0 : i32
          %dma_wait3A_438 = tpu.memref_slice %arg6[%multiple_of3A, %dma_wait3A_437] : memref<10000x128xf32, #tpu.memory_space<hbm>> -> memref<624x128xf32, #tpu.memory_space<hbm>>
          %dma_wait3A_439 = arith.constant 0 : i32
          %dma_wait3A_440 = tpu.memref_slice %arg28[%multiple_of3A, %dma_wait3A_439] : memref<10000x128xf32, #tpu.memory_space<vmem_shared>> -> memref<624x128xf32, #tpu.memory_space<vmem_shared>>
          tpu.wait_dma2 semaphore(%run_scoped3A : memref<!tpu.dma_semaphore, #tpu.memory_space<semaphore_mem>>) src(%dma_wait3A_440 : memref<624x128xf32, #tpu.memory_space<vmem_shared>>) dst(%dma_wait3A_438 : memref<624x128xf32, #tpu.memory_space<hbm>>)
          tpu.yield
        }) : () -> ()
      } else {
      }
      %eq3A_428 = arith.constant 15 : i32
      %eq3A_429 = arith.cmpi eq, %arg1, %eq3A_428 : i32
      %convert_element_type3A_430 = arith.extui %eq3A_429 : i1 to i32
      %cond3A_431 = arith.constant 0 : i32
      %cond3A_432 = arith.cmpi ne, %convert_element_type3A_430, %cond3A_431 : i32
      scf.if %cond3A_432 {
        "tpu.region"() ({
          %run_scoped3A = tpu.sem_alloc : memref<!tpu.dma_semaphore, #tpu.memory_space<semaphore_mem>>
          %dma_start3A_433 = arith.constant 0 : i32
          %dma_start3A_434 = tpu.memref_slice %arg6[%multiple_of3A, %dma_start3A_433] : memref<10000x128xf32, #tpu.memory_space<hbm>> -> memref<640x128xf32, #tpu.memory_space<hbm>>
          %dma_start3A_435 = arith.constant 0 : i32
          %dma_start3A_436 = tpu.memref_slice %arg28[%multiple_of3A, %dma_start3A_435] : memref<10000x128xf32, #tpu.memory_space<vmem_shared>> -> memref<640x128xf32, #tpu.memory_space<vmem_shared>>
          tpu.enqueue_dma source(%dma_start3A_436 : memref<640x128xf32, #tpu.memory_space<vmem_shared>>) target(%dma_start3A_434 : memref<640x128xf32, #tpu.memory_space<hbm>>) target_semaphore(%run_scoped3A : memref<!tpu.dma_semaphore, #tpu.memory_space<semaphore_mem>>)
          %dma_wait3A_437 = arith.constant 0 : i32
          %dma_wait3A_438 = tpu.memref_slice %arg6[%multiple_of3A, %dma_wait3A_437] : memref<10000x128xf32, #tpu.memory_space<hbm>> -> memref<640x128xf32, #tpu.memory_space<hbm>>
          %dma_wait3A_439 = arith.constant 0 : i32
          %dma_wait3A_440 = tpu.memref_slice %arg28[%multiple_of3A, %dma_wait3A_439] : memref<10000x128xf32, #tpu.memory_space<vmem_shared>> -> memref<640x128xf32, #tpu.memory_space<vmem_shared>>
          tpu.wait_dma2 semaphore(%run_scoped3A : memref<!tpu.dma_semaphore, #tpu.memory_space<semaphore_mem>>) src(%dma_wait3A_440 : memref<640x128xf32, #tpu.memory_space<vmem_shared>>) dst(%dma_wait3A_438 : memref<640x128xf32, #tpu.memory_space<hbm>>)
          tpu.yield
        }) : () -> ()
      } else {
      }
    } else {
    }
    %eq3A_419 = arith.constant 1 : i32
    %eq3A_420 = arith.cmpi eq, %arg0, %eq3A_419 : i32
    %convert_element_type3A_421 = arith.extui %eq3A_420 : i1 to i32
    %cond3A_422 = arith.constant 0 : i32
    %cond3A_423 = arith.cmpi ne, %convert_element_type3A_421, %cond3A_422 : i32
    scf.if %cond3A_423 {
      %lt3A = arith.constant 15 : i32
      %lt3A_424 = arith.cmpi slt, %arg1, %lt3A : i32
      %convert_element_type3A_425 = arith.extui %lt3A_424 : i1 to i32
      %cond3A_426 = arith.constant 0 : i32
      %cond3A_427 = arith.cmpi ne, %convert_element_type3A_425, %cond3A_426 : i32
      scf.if %cond3A_427 {
        "tpu.region"() ({
          %run_scoped3A = tpu.sem_alloc : memref<!tpu.dma_semaphore, #tpu.memory_space<semaphore_mem>>
          %dma_start3A_433 = arith.constant 0 : i32
          %dma_start3A_434 = tpu.memref_slice %arg7[%multiple_of3A, %dma_start3A_433] : memref<10000x128xf32, #tpu.memory_space<hbm>> -> memref<624x128xf32, #tpu.memory_space<hbm>>
          %dma_start3A_435 = arith.constant 0 : i32
          %dma_start3A_436 = tpu.memref_slice %arg28[%multiple_of3A, %dma_start3A_435] : memref<10000x128xf32, #tpu.memory_space<vmem_shared>> -> memref<624x128xf32, #tpu.memory_space<vmem_shared>>
          tpu.enqueue_dma source(%dma_start3A_436 : memref<624x128xf32, #tpu.memory_space<vmem_shared>>) target(%dma_start3A_434 : memref<624x128xf32, #tpu.memory_space<hbm>>) target_semaphore(%run_scoped3A : memref<!tpu.dma_semaphore, #tpu.memory_space<semaphore_mem>>)
          %dma_wait3A_437 = arith.constant 0 : i32
          %dma_wait3A_438 = tpu.memref_slice %arg7[%multiple_of3A, %dma_wait3A_437] : memref<10000x128xf32, #tpu.memory_space<hbm>> -> memref<624x128xf32, #tpu.memory_space<hbm>>
          %dma_wait3A_439 = arith.constant 0 : i32
          %dma_wait3A_440 = tpu.memref_slice %arg28[%multiple_of3A, %dma_wait3A_439] : memref<10000x128xf32, #tpu.memory_space<vmem_shared>> -> memref<624x128xf32, #tpu.memory_space<vmem_shared>>
          tpu.wait_dma2 semaphore(%run_scoped3A : memref<!tpu.dma_semaphore, #tpu.memory_space<semaphore_mem>>) src(%dma_wait3A_440 : memref<624x128xf32, #tpu.memory_space<vmem_shared>>) dst(%dma_wait3A_438 : memref<624x128xf32, #tpu.memory_space<hbm>>)
          tpu.yield
        }) : () -> ()
      } else {
      }
      %eq3A_428 = arith.constant 15 : i32
      %eq3A_429 = arith.cmpi eq, %arg1, %eq3A_428 : i32
      %convert_element_type3A_430 = arith.extui %eq3A_429 : i1 to i32
      %cond3A_431 = arith.constant 0 : i32
      %cond3A_432 = arith.cmpi ne, %convert_element_type3A_430, %cond3A_431 : i32
      scf.if %cond3A_432 {
        "tpu.region"() ({
          %run_scoped3A = tpu.sem_alloc : memref<!tpu.dma_semaphore, #tpu.memory_space<semaphore_mem>>
          %dma_start3A_433 = arith.constant 0 : i32
          %dma_start3A_434 = tpu.memref_slice %arg7[%multiple_of3A, %dma_start3A_433] : memref<10000x128xf32, #tpu.memory_space<hbm>> -> memref<640x128xf32, #tpu.memory_space<hbm>>
          %dma_start3A_435 = arith.constant 0 : i32
          %dma_start3A_436 = tpu.memref_slice %arg28[%multiple_of3A, %dma_start3A_435] : memref<10000x128xf32, #tpu.memory_space<vmem_shared>> -> memref<640x128xf32, #tpu.memory_space<vmem_shared>>
          tpu.enqueue_dma source(%dma_start3A_436 : memref<640x128xf32, #tpu.memory_space<vmem_shared>>) target(%dma_start3A_434 : memref<640x128xf32, #tpu.memory_space<hbm>>) target_semaphore(%run_scoped3A : memref<!tpu.dma_semaphore, #tpu.memory_space<semaphore_mem>>)
          %dma_wait3A_437 = arith.constant 0 : i32
          %dma_wait3A_438 = tpu.memref_slice %arg7[%multiple_of3A, %dma_wait3A_437] : memref<10000x128xf32, #tpu.memory_space<hbm>> -> memref<640x128xf32, #tpu.memory_space<hbm>>
          %dma_wait3A_439 = arith.constant 0 : i32
          %dma_wait3A_440 = tpu.memref_slice %arg28[%multiple_of3A, %dma_wait3A_439] : memref<10000x128xf32, #tpu.memory_space<vmem_shared>> -> memref<640x128xf32, #tpu.memory_space<vmem_shared>>
          tpu.wait_dma2 semaphore(%run_scoped3A : memref<!tpu.dma_semaphore, #tpu.memory_space<semaphore_mem>>) src(%dma_wait3A_440 : memref<640x128xf32, #tpu.memory_space<vmem_shared>>) dst(%dma_wait3A_438 : memref<640x128xf32, #tpu.memory_space<hbm>>)
          tpu.yield
        }) : () -> ()
      } else {
      }
    } else {
    }
    return
  }
}

module attributes {stable_mosaic.version = 14 : i64} {
  func.func @body(%arg0: i32, %arg1: memref<10000x128xf32, #tpu.memory_space<vmem>>, %arg2: memref<10000x128xf32, #tpu.memory_space<vmem>>, %arg3: memref<128x128xf32, #tpu.memory_space<vmem>>, %arg4: memref<1x128xf32, #tpu.memory_space<vmem>>, %arg5: memref<10000x128xf32, #tpu.memory_space<vmem>>) attributes {dimension_semantics = [#tpu.dimension_semantics<arbitrary>], iteration_bounds = array<i64: 1>, scalar_prefetch = 0 : i64, scratch_operands = 0 : i64, tpu.core_type = #tpu.core_type<tc>, window_params = [{transform_indices = @transform_0, window_bounds = array<i64: 10000, 128>}, {transform_indices = @transform_1, window_bounds = array<i64: 10000, 128>}, {pipeline_mode = #tpu.pipeline_mode<synchronous>, transform_indices = @transform_2, window_bounds = array<i64: 128, 128>}, {pipeline_mode = #tpu.pipeline_mode<synchronous>, transform_indices = @transform_3, window_bounds = array<i64: 1, 128>}, {transform_indices = @transform_4, window_bounds = array<i64: 10000, 128>}]} {
    %get3A = arith.constant 0 : index
    %get3A_0 = arith.constant 0 : index
    %get3A_1 = vector.load %arg1[%get3A, %get3A_0] : memref<10000x128xf32, #tpu.memory_space<vmem>>, vector<10000x128xf32>
    %get3A_2 = arith.constant 0 : index
    %get3A_3 = arith.constant 0 : index
    %get3A_4 = vector.load %arg2[%get3A_2, %get3A_3] : memref<10000x128xf32, #tpu.memory_space<vmem>>, vector<10000x128xf32>
    %add3A = arith.addf %get3A_1, %get3A_4 : vector<10000x128xf32>
    %get3A_5 = arith.constant 0 : index
    %get3A_6 = arith.constant 0 : index
    %get3A_7 = vector.load %arg3[%get3A_5, %get3A_6] : memref<128x128xf32, #tpu.memory_space<vmem>>, vector<128x128xf32>
    %dot_general3A = arith.constant dense<0.000000e+00> : vector<10000x128xf32>
    %dot_general3A_8 = tpu.matmul %add3A, %get3A_7, %dot_general3A {dimension_numbers = #tpu.dot_dimension_numbers<[1], [0], [0], [1], [0, 0, 1, 1], [], []>, transpose_lhs_hint = false} : vector<10000x128xf32>, vector<128x128xf32>, vector<10000x128xf32> -> vector<10000x128xf32>
    %get3A_9 = arith.constant 0 : index
    %get3A_10 = arith.constant 0 : index
    %get3A_11 = vector.load %arg4[%get3A_9, %get3A_10] : memref<1x128xf32, #tpu.memory_space<vmem>>, vector<1x128xf32>
    %add3A_12 = vector.broadcast %get3A_11 : vector<1x128xf32> to vector<10000x128xf32>
    %add3A_13 = arith.addf %dot_general3A_8, %add3A_12 : vector<10000x128xf32>
    %swap3A = arith.constant 0 : index
    %swap3A_14 = arith.constant 0 : index
    %swap3A_15 = vector.load %arg5[%swap3A, %swap3A_14] : memref<10000x128xf32, #tpu.memory_space<vmem>>, vector<10000x128xf32>
    tpu.vector_store %arg5[%swap3A, %swap3A_14], %add3A_13 {strides = array<i32>} : memref<10000x128xf32, #tpu.memory_space<vmem>>, vector<10000x128xf32>,
    return
  }
  func.func @transform_0(%arg0: i32) -> (i32, i32) {
    %c0_i32 = arith.constant 0 : i32
    %c0_i32_0 = arith.constant 0 : i32
    return %arg0, %c0_i32 : i32, i32
  }
  func.func @transform_1(%arg0: i32) -> (i32, i32) {
    %c0_i32 = arith.constant 0 : i32
    %c0_i32_0 = arith.constant 0 : i32
    return %arg0, %c0_i32 : i32, i32
  }
  func.func @transform_2(%arg0: i32) -> (i32, i32) {
    %c0_i32 = arith.constant 0 : i32
    %c0_i32_0 = arith.constant 0 : i32
    %c0_i32_1 = arith.constant 0 : i32
    return %c0_i32, %c0_i32_0 : i32, i32
  }
  func.func @transform_3(%arg0: i32) -> (i32, i32) {
    %c0_i32 = arith.constant 0 : i32
    %c0_i32_0 = arith.constant 0 : i32
    %c0_i32_1 = arith.constant 0 : i32
    return %c0_i32, %c0_i32_0 : i32, i32
  }
  func.func @transform_4(%arg0: i32) -> (i32, i32) {
    %c0_i32 = arith.constant 0 : i32
    %c0_i32_0 = arith.constant 0 : i32
    return %arg0, %c0_i32 : i32, i32
  }
}

module attributes {stable_mosaic.version = 14 : i64} {
  func.func @body(%arg0: i32, %arg1: memref<10000x128xf32, #tpu.memory_space<vmem>>, %arg2: memref<10000x128xf32, #tpu.memory_space<vmem>>, %arg3: memref<128x128xf32, #tpu.memory_space<vmem>>, %arg4: memref<1x128xf32, #tpu.memory_space<vmem>>, %arg5: memref<10000x128xf32, #tpu.memory_space<vmem>>) attributes {dimension_semantics = [#tpu.dimension_semantics<arbitrary>], iteration_bounds = array<i64: 1>, scalar_prefetch = 0 : i64, scratch_operands = 0 : i64, tpu.core_type = #tpu.core_type<tc>, window_params = [{transform_indices = @transform_0, window_bounds = array<i64: 10000, 128>}, {transform_indices = @transform_1, window_bounds = array<i64: 10000, 128>}, {pipeline_mode = #tpu.pipeline_mode<synchronous>, transform_indices = @transform_2, window_bounds = array<i64: 128, 128>}, {pipeline_mode = #tpu.pipeline_mode<synchronous>, transform_indices = @transform_3, window_bounds = array<i64: 1, 128>}, {transform_indices = @transform_4, window_bounds = array<i64: 10000, 128>}]} {
    %get3A = arith.constant 0 : index
    %get3A_0 = arith.constant 0 : index
    %get3A_1 = vector.load %arg1[%get3A, %get3A_0] : memref<10000x128xf32, #tpu.memory_space<vmem>>, vector<10000x128xf32>
    %get3A_2 = arith.constant 0 : index
    %get3A_3 = arith.constant 0 : index
    %get3A_4 = vector.load %arg2[%get3A_2, %get3A_3] : memref<10000x128xf32, #tpu.memory_space<vmem>>, vector<10000x128xf32>
    %add3A = arith.addf %get3A_1, %get3A_4 : vector<10000x128xf32>
    %get3A_5 = arith.constant 0 : index
    %get3A_6 = arith.constant 0 : index
    %get3A_7 = vector.load %arg3[%get3A_5, %get3A_6] : memref<128x128xf32, #tpu.memory_space<vmem>>, vector<128x128xf32>
    %dot_general3A = arith.constant dense<0.000000e+00> : vector<10000x128xf32>
    %dot_general3A_8 = tpu.matmul %add3A, %get3A_7, %dot_general3A {dimension_numbers = #tpu.dot_dimension_numbers<[1], [0], [0], [1], [0, 0, 1, 1], [], []>, transpose_lhs_hint = false} : vector<10000x128xf32>, vector<128x128xf32>, vector<10000x128xf32> -> vector<10000x128xf32>
    %get3A_9 = arith.constant 0 : index
    %get3A_10 = arith.constant 0 : index
    %get3A_11 = vector.load %arg4[%get3A_9, %get3A_10] : memref<1x128xf32, #tpu.memory_space<vmem>>, vector<1x128xf32>
    %add3A_12 = vector.broadcast %get3A_11 : vector<1x128xf32> to vector<10000x128xf32>
    %add3A_13 = arith.addf %dot_general3A_8, %add3A_12 : vector<10000x128xf32>
    %max3A = arith.constant 0.000000e+00 : f32
    %max3A_14 = vector.broadcast %max3A : f32 to vector<10000x128xf32>
    %max3A_15 = arith.maximumf %add3A_13, %max3A_14 : vector<10000x128xf32>
    %swap3A = arith.constant 0 : index
    %swap3A_16 = arith.constant 0 : index
    %swap3A_17 = vector.load %arg5[%swap3A, %swap3A_16] : memref<10000x128xf32, #tpu.memory_space<vmem>>, vector<10000x128xf32>
    tpu.vector_store %arg5[%swap3A, %swap3A_16], %max3A_15 {strides = array<i32>} : memref<10000x128xf32, #tpu.memory_space<vmem>>, vector<10000x128xf32>,
    return
  }
  func.func @transform_0(%arg0: i32) -> (i32, i32) {
    %c0_i32 = arith.constant 0 : i32
    %c0_i32_0 = arith.constant 0 : i32
    return %arg0, %c0_i32 : i32, i32
  }
  func.func @transform_1(%arg0: i32) -> (i32, i32) {
    %c0_i32 = arith.constant 0 : i32
    %c0_i32_0 = arith.constant 0 : i32
    return %arg0, %c0_i32 : i32, i32
  }
  func.func @transform_2(%arg0: i32) -> (i32, i32) {
    %c0_i32 = arith.constant 0 : i32
    %c0_i32_0 = arith.constant 0 : i32
    %c0_i32_1 = arith.constant 0 : i32
    return %c0_i32, %c0_i32_0 : i32, i32
  }
  func.func @transform_3(%arg0: i32) -> (i32, i32) {
    %c0_i32 = arith.constant 0 : i32
    %c0_i32_0 = arith.constant 0 : i32
    %c0_i32_1 = arith.constant 0 : i32
    return %c0_i32, %c0_i32_0 : i32, i32
  }
  func.func @transform_4(%arg0: i32) -> (i32, i32) {
    %c0_i32 = arith.constant 0 : i32
    %c0_i32_0 = arith.constant 0 : i32
    return %arg0, %c0_i32 : i32, i32
  }
}

</mosaic_0001>

<sc_bundles>
// kernel: kernel.6.cloned.1.call-start
scs
__scs_entry_jumppad:
0x0: {  	(pc) =	sbr.rel $0x88, $3  }
0x1: {  	(tag) =	ssettag $0x0;
	lr =	simm.s32 $0x1  }
0x2: {  	[smem:$0x3F9B] =	sst lr;
	_ =	strace $0xD0000000  }
0x3: {  	_ = 	snop  }
0x4: {  	_ = 	snop  }
0x5: {  	_ = 	snop  }
0x6: {  	_ = 	snop  }
0x7: {  	_ = 	snop  }
__scs_overlays_trampoline_lowered:
0x8: {  	[smem:$0x3FAA] =	sst s0  }
0x9: {  	[smem:$0x3FAB] =	sst s1  }
0xa: {  	[smem:$0x3FAC] =	sst s2  }
0xb: {  	[smem:$0x3FAD] =	sst s3  }
0xc: {  	[smem:$0x3FAE] =	sst s4  }
0xd: {  	[smem:$0x3FAF] =	sst s5  }
0xe: {  	[smem:$0x3FB0] =	sst s6  }
0xf: {  	[smem:$0x3FB1] =	sst s7  }
0x10: {  	[smem:$0x3FB2] =	sst s8  }
0x11: {  	[smem:$0x3FB3] =	sst s9;
	s0 =	simm.s32 @!p0 $0x0  }
0x12: {  	s1 =	sld [smem:$0x3F99];
	s0 =	simm.s32 @p0 $0x1  }
0x13: {  	[smem:$0x3FB4] =	sst s0;
	s0 =	simm.s32 @!p1 $0x0  }
0x14: {  	s2 =	sld [smem:$0x3F98];
	s0 =	simm.s32 @p1 $0x1  }
0x15: {  	[smem:$0x3FB5] =	sst s0;
	s0 =	simm.s32 @!p2 $0x0  }
0x16: {  	s3 =	sld [smem:$0x3FDB];
	s0 =	simm.s32 @p2 $0x1  }
0x17: {  	s4 =	simm.s32 $0x1BF5;
	[smem:$0x3FB7] =	sst s0  }
0x18: {  	s0 =	sld [smem:$0x3F9A];
	_ =	swait.ge [sflag:s4], $0x0  }
0x19: {  	s7 =	sld [smem:$0x3F9B]  }
0x1a: {  	s8 =	sadd.s32 $0xFFFFE003, lr  }
0x1b: {  	s9 =	sadd.s32 $0xFFFFFEF7, lr;
	s5 =	simm.s32 $0xFFFFFFFF;
	p2 =	slt.u32 s8, $0xFFFFF086  }
0x1c: {  	p1 =	slt.u32 s9, $0xF7A;
	s5 =	simm.s32 @!p2 $0x0  }
0x1d: {  	s5 =	simm.s32 @p1 $0x1;
	p0 =	seq.s32 s7, s2  }
0x1e: {  	s7 =	smul.u32 @!p0 $0xF7A, s2;
	p2 =	seq.s32 @!p0 s5, $0x0  }
0x1f: {  	s9 =	smul.u32 $0xF7A, s1;
	s8 =	simm.s32 @!p0 $0x1BF5;
	p2 =	por !p2, p0  }
0x20: {  	[sflag:s8] =	ssyncset.s32 @!p0 $0xFFFFF086;
	s6 =	sadd.s32 @!p0 s3, s7;
	s7 =	simm.s32 @!p0 $0x108  }
0x21: {  	s3 =	sadd.s32 s3, s9;
	s6 =	sadd.s32 @!p0 $0x88, s6;
	s7 =	simm.s32 @p2 $0x1082  }
0x22: {  	[simem:s7], [sflag:s8] =	dma.local @!p0 [hbm:s6], $0xF7A  }
0x23: {  	s9 =	sor.u32 $0xD0000000, s2;
	s6 =	simm.s32 $0x108;
	_ =	swait.ge @!p0 [sflag:s8], $0x0  }
0x24: {  	s3 =	sadd.s32 $0x88, s3;
	s6 =	simm.s32 @!p1 $0x1082;
	[sflag:s4] =	ssyncset.s32 $0xFFFFF086  }
0x25: {  	[simem:s6], [sflag:s4] =	dma.local [hbm:s3], $0xF7A  }
0x26: {  	[smem:$0x3F9B] =	sst s1;
	(tag) =	ssettag s2;
	_ =	strace s9  }
0x27: {  	s1 =	sld [smem:$0x3FAB]  }
0x28: {  	s2 =	sld [smem:$0x3FAC]  }
0x29: {  	s4 =	sld [smem:$0x3FAE]  }
0x2a: {  	p0 =	seq.s32 s5, $0x0;
	s5 =	sld [smem:$0x3FAF]  }
0x2b: {  	s6 =	sld [smem:$0x3FB0]  }
0x2c: {  	s7 =	sld [smem:$0x3FB1]  }
0x2d: {  	s3 =	simm.s32 $0x108;
	s8 =	sld [smem:$0x3FB2]  }
0x2e: {  	s3 =	simm.s32 @!p0 $0x1082;
	s9 =	sld [smem:$0x3FB3]  }
0x2f: {  	lr =	sadd.s32 s0, s3;
	s0 =	sld [smem:$0x3FAA]  }
0x30: {  	s3 =	sld [smem:$0x3FAD]  }
0x31: {  	[smem:$0x3FB6] =	sst s10  }
0x32: {  	s10 =	sld [smem:$0x3FB4];
	_ =	sdelay $0x3  }
0x33: {  	p0 =	seq.s32 s10, $0x1;
	s10 =	sld [smem:$0x3FB6];
	_ =	sdelay $0x3  }
0x34: {  	[smem:$0x3FB6] =	sst s10  }
0x35: {  	s10 =	sld [smem:$0x3FB5];
	_ =	sdelay $0x3  }
0x36: {  	p1 =	seq.s32 s10, $0x1;
	s10 =	sld [smem:$0x3FB6];
	_ =	sdelay $0x3  }
0x37: {  	[smem:$0x3FB6] =	sst s10  }
0x38: {  	s10 =	sld [smem:$0x3FB7]  }
0x39: {  	_ = 	snop;
	(pc) =	sbr.ind lr, $3  }
0x3a: {  	_ = 	snop  }
0x3b: {  	_ = 	snop  }
0x3c: {  	p2 =	seq.s32 s10, $0x1;
	s10 =	sld [smem:$0x3FB6]  }
0x3d: {  	_ =	shalt  }
0x3e: {  	_ =	shalt  }
0x3f: {  	_ =	shalt  }
0x40: {  	_ =	shalt  }
0x41: {  	_ =	shalt  }
0x42: {  	_ =	shalt  }
0x43: {  	_ =	shalt  }
0x44: {  	_ =	shalt  }
0x45: {  	_ =	shalt  }
0x46: {  	_ =	shalt  }
0x47: {  	_ =	shalt  }
0x48: {  	_ =	shalt  }
0x49: {  	_ =	shalt  }
0x4a: {  	_ =	shalt  }
0x4b: {  	_ =	shalt  }
0x4c: {  	_ =	shalt  }
0x4d: {  	_ =	shalt  }
0x4e: {  	_ =	shalt  }
0x4f: {  	_ =	shalt  }
0x50: {  	_ =	shalt  }
0x51: {  	_ =	shalt  }
0x52: {  	_ =	shalt  }
0x53: {  	_ =	shalt  }
0x54: {  	_ =	shalt  }
0x55: {  	_ =	shalt  }
0x56: {  	_ =	shalt  }
0x57: {  	_ =	shalt  }
0x58: {  	_ =	shalt  }
0x59: {  	_ =	shalt  }
0x5a: {  	_ =	shalt  }
0x5b: {  	_ =	shalt  }
0x5c: {  	_ =	shalt  }
0x5d: {  	_ =	shalt  }
0x5e: {  	_ =	shalt  }
0x5f: {  	_ =	shalt  }
0x60: {  	_ =	shalt  }
0x61: {  	_ =	shalt  }
0x62: {  	_ =	shalt  }
0x63: {  	_ =	shalt  }
0x64: {  	_ =	shalt  }
0x65: {  	_ =	shalt  }
0x66: {  	_ =	shalt  }
0x67: {  	_ =	shalt  }
0x68: {  	_ =	shalt  }
0x69: {  	_ =	shalt  }
0x6a: {  	_ =	shalt  }
0x6b: {  	_ =	shalt  }
0x6c: {  	_ =	shalt  }
0x6d: {  	_ =	shalt  }
0x6e: {  	_ =	shalt  }
0x6f: {  	_ =	shalt  }
0x70: {  	_ =	shalt  }
0x71: {  	_ =	shalt  }
0x72: {  	_ =	shalt  }
0x73: {  	_ =	shalt  }
0x74: {  	_ =	shalt  }
0x75: {  	_ =	shalt  }
0x76: {  	_ =	shalt  }
0x77: {  	_ =	shalt  }
0x78: {  	_ =	shalt  }
0x79: {  	_ =	shalt  }
0x7a: {  	_ =	shalt  }
0x7b: {  	_ =	shalt  }
0x7c: {  	_ =	shalt  }
0x7d: {  	_ =	shalt  }
0x7e: {  	_ =	shalt  }
0x7f: {  	_ =	shalt  }
0x80: {  	_ =	shalt  }
0x81: {  	_ =	shalt  }
0x82: {  	_ =	shalt  }
0x83: {  	_ =	shalt  }
0x84: {  	_ =	shalt  }
0x85: {  	_ =	shalt  }
0x86: {  	_ =	shalt  }
0x87: {  	_ =	shalt  }
.Lfunc_end0:
.L_simem_size_0:
called_computation_lowered:
.L_overlay_start_0:
0x88: {  	s2 =	sld [smem:$0x3FD9]  }
0x89: {  	s3 =	sld [smem:$0x3FFE];
	_ =	sdelay $0x1  }
0x8a: {  	s1 =	srdreg.scid  }
0x8b: {  	s0 =	sand.u32 $0x1, s1  }
0x8c: {  	s17 =	sshll.u32 s0, $0xA;
	s2 =	sadd.s32 s3, s2  }
0x8d: {  	s2 =	sadd.s32 s2, s17  }
0x8e: {  	[smem:$0x3FC2] =	sst s2  }
0x8f: {  	_ = 	snop  }
0x90: {  	s2 =	sld [smem:$0x3FC9]  }
0x91: {  	s18 =	sld [smem:$0x3FD0];
	(tm) =	ssettm $0x1  }
0x92: {  	s4 =	sld [smem:$0x3FFB];
	_ =	sdelay $0x3  }
0x93: {  	_ =	strace s4  }
0x94: {  	s4 =	sld [smem:$0x3FFC];
	_ =	sdelay $0x3  }
0x95: {  	_ =	strace s4  }
0x96: {  	s4 =	sld [smem:$0x3FFD];
	_ =	sdelay $0x3  }
0x97: {  	_ =	strace s4  }
0x98: {  	_ =	strace $0x8FFFFFFF  }
0x99: {  	s19 =	sld [smem:$0x3FDB];
	_ =	sdelay $0x1  }
0x9a: {  	s5 =	simm.s32 $_scs_section_size  }
0x9b: {  	s6 =	simm.s32 $_size__tile_overlayer_lowered;
	s7 =	simm.s32 $_tile_overlayer_lowered  }
0x9c: {  	s22 =	simm.s32 $0x1BFF;
	s21 =	sshll.u32 s7, $0x1;
	s4 =	sadd.s32 s5, s19  }
0x9d: {  	s8 =	simm.s32 $0x0;
	s20 =	sshll.u32 s6, $0x1;
	s6 =	sadd.s32 s21, s4  }
0x9e: {  	[timem:s8], [sflag:s22] =	dma.local [hbm:s6], s20  }
0x9f: {  	_ =	swait.ge [sflag:s22], s20  }
0xa0: {  	s5 =	ssub.s32 $0x0, s20;
	[sflag:s22] =	ssyncset.done $0x0  }
0xa1: {  	[sflag:s22] =	ssyncadd.s32 s5;
	_ =	sdelay $0x1  }
0xa2: {  	s23 =	simm.s32 $0x1B8B  }
0xa3: {  	_ =	swait.ge [sflag:s23], $0x1  }
0xa4: {  	[sflag:s23] =	ssyncset.done $0x0  }
0xa5: {  	s25 =	simm.s32 $0x1B8E;
	s24 =	sld [smem:$0x3FFE];
	[sflag:s23] =	ssyncadd.s32 $0xFFFFFFFF  }
0xa6: {  	s26 =	simm.s32 $execute0_lowered;
	[smem:$0x3FD2] =	sst s25  }
0xa7: {  	s6 =	sshll.u32 s26, $0x1;
	_ =	strace $0x80000046;
	[dreg:$0x1] =	wrdreg $0xFFFFFFFF  }
0xa8: {  	s28 =	simm.s32 $_size_execute0_lowered;
	s4 =	sadd.s32 s4, s6;
	[dreg:$0x0] =	wrdreg $0x0  }
0xa9: {  	s6 =	sshll.u32 s28, $0x1;
	[dreg:$0x2] =	wrdreg s4  }
0xaa: {  	[dreg:$0x3] =	wrdreg s6  }
0xab: {  	[dreg:$0x4] =	wrdreg $0xC0  }
0xac: {  	_ =	task [dreg:s8], $0x5FFFF  }
0xad: {  	[dreg:$0x1] =	wrdreg $0xFFFFFFFF  }
0xae: {  	[dreg:$0x0] =	wrdreg $0x60  }
0xaf: {  	[dreg:$0x2] =	wrdreg s2  }
0xb0: {  	[dreg:$0x3] =	wrdreg s24  }
0xb1: {  	[dreg:$0x4] =	wrdreg s18  }
0xb2: {  	[dreg:$0x5] =	wrdreg $0xC6200  }
0xb3: {  	[dreg:$0x6] =	wrdreg $0x9  }
0xb4: {  	_ =	task.clear_ibuf [dreg:s8], $0x7FFFF;
	_ =	strace $0x90000046  }
0xb5: {  	s29 =	simm.s32 $0x9;
	_ =	strace $0x80000048  }
0xb6: {  	_ =	swait.ge [sflag:s29], $0x1  }
0xb7: {  	[sflag:s29] =	ssyncadd.s32 $0xFFFFFFFF  }
0xb8: {  	_ =	strace $0x90000048  }
0xb9: {  	_ =	sfence  }
0xba: {  	s30 =	sld [smem:$0x0];
	_ =	sdelay $0x2  }
0xbb: {  	s31 =	sshll.u32 s1, $0xD;
	s1 =	sshrl.u32 s1, $0x2  }
0xbc: {  	s3 =	sand.u32 $0x4000, s31;
	s1 =	sadd.s32 s1, s30  }
0xbd: {  	s0 =	sor.u32 s3, s0;
	s1 =	sshll.u32 s1, $0x11  }
0xbe: {  	s0 =	sor.u32 s1, s0  }
0xbf: {  	s0 =	sadd.s32 $0x8F2B, s0  }
0xc0: {  	[sflag:s0] =	ssyncadd.remote.s32 $0x1  }
0xc1: {  	_ =	sfence.sel $0xFFFF  }
0xc2: {  	[dreg:$0x0] =	wrdreg $0xFFFFFFFF;
	(pc) =	sbr.abs _section_cstart, $3  }
0xc3: {  	[dreg:$0x1] =	wrdreg $0xFFFFFFFF  }
0xc4: {  	_ =	task.clear_ibuf [dreg:s8], $0x2FFFF;
	_ =	strace $0x9FFFFFFF  }
0xc5: {  	(tm) =	ssettm $0x7FFFFFFF  }
tec
execute0_lowered:
.L_overlay_start_1:
0x0: {  	(tag) =	ssettag $0x1  }
0x1: {  	s0 =	rddreg [dreg:$0x0]  }
0x2: {  	s1 =	srdreg.scid;
	s2 =	rddreg [dreg:$0x1]  }
0x3: {  	s5 =	rddreg [dreg:$0x2];
	s12 =	stileid.u32  }
0x4: {  	s3 =	rddreg [dreg:$0x3];
	s31 =	simm.s32 $0xE;
	s9 =	smul.u32 $0x4E000, s12  }
0x5: {  	s1 =	sand.u32 $0x1, s1;
	s7 =	smul.u32 $0x13800, s12;
	p0 =	sne.s32 s12, $0xF  }
0x6: {  	s30 =	sadd.s32 $0x138000, s3;
	s4 =	sshll.u32 s1, $0x4;
	s9 =	sshrl.u32 s9, $0x2  }
0x7: {  	s6 =	sor.u32 s12, s4;
	s4 =	simm.s32 $0x0;
	s26 =	sadd.s32 s9, s3  }
0x8: {  	s8 =	ssub.s32 $0x2, s1;
	[smem:$0x7FF] =	sst s4;
	s9 =	sadd.s32 $0x1400, s26  }
0x9: {  	_ =	strace $0x80000047;
	s28 =	sadd.s32 $0x2800, s26;
	[dreg:$0x7] =	wrdreg s9  }
0xa: {  	s11 =	sshrl.u32 s8, $0x1;
	s29 =	sadd.s32 $0x3C00, s26;
	[dreg:$0x8] =	wrdreg s28  }
0xb: {  	s8 =	ssub.s32 s8, s11;
	s11 =	sadd.s32 $0x5000, s26;
	[dreg:$0x9] =	wrdreg s29  }
0xc: {  	p4 =	seq.s32 s1, $0x1;
	s13 =	sadd.s32 $0x6400, s26;
	[dreg:$0xa] =	wrdreg s11  }
0xd: {  	s10 =	sshrl.u32 s7, $0x3;
	s14 =	sadd.s32 $0x7800, s26;
	[dreg:$0xb] =	wrdreg s13  }
0xe: {  	s7 =	sadd.s32 s7, s3;
	s15 =	sadd.s32 $0x8C00, s26;
	[dreg:$0xc] =	wrdreg s14  }
0xf: {  	p2 =	seq.s32 @p4 s12, $0xF;
	s16 =	sadd.s32 $0xA000, s26;
	[dreg:$0xd] =	wrdreg s15  }
0x10: {  	p5 =	seq.s32 @!p4 s12, $0xF;
	s17 =	sadd.s32 $0xB400, s26;
	[dreg:$0xe] =	wrdreg s16  }
0x11: {  	s12 =	simm.s32 $0x9E20;
	s18 =	sadd.s32 $0xC800, s26;
	[dreg:$0xf] =	wrdreg s17  }
0x12: {  	s6 =	smul.u32 $0x4E2, s6;
	s19 =	sadd.s32 $0xDC00, s26;
	[dreg:$0x10] =	wrdreg s18  }
0x13: {  	s24 =	sadd.s32 s10, s2;
	s20 =	sadd.s32 $0xF000, s26;
	[dreg:$0x11] =	wrdreg s19  }
0x14: {  	p1 =	por !p2, !p4;
	s21 =	sadd.s32 $0x10400, s26;
	[dreg:$0x12] =	wrdreg s20  }
0x15: {  	p2 =	por p2, !p4;
	s22 =	sadd.s32 $0x11800, s26;
	[dreg:$0x13] =	wrdreg s21  }
0x16: {  	p3 =	por !p5, p4;
	s23 =	sadd.s32 $0x12C00, s26;
	[dreg:$0x14] =	wrdreg s22  }
0x17: {  	p4 =	por p5, p4;
	s1 =	sadd.s32 $0x15A00, s24;
	[dreg:$0x15] =	wrdreg s23  }
0x18: {  	s26 =	sadd.s32 $0x15600, s2;
	s24 =	simm.s32 $0x0;
	[dreg:$0x18] =	wrdreg s1  }
0x19: {  	s6 =	sadd.s32 s6, s2;
	[dreg:$0x19] =	wrdreg s26;
	s28 =	sadd.s32 $0x3A300, s2  }
0x1a: {  	s29 =	smax.u32 s8, $0x1;
	s2 =	simm.s32 $0xB220;
	s8 =	simm.s32 $0x4E20  }
0x1b: {  	s9 =	simm.s32 $0x6220;
	s11 =	simm.s32 $0x8A20;
	s13 =	simm.s32 $0x7  }
0x1c: {  	s14 =	simm.s32 $0x8;
	s15 =	simm.s32 $0x9;
	s16 =	simm.s32 $0xA  }
0x1d: {  	s17 =	simm.s32 $0xB;
	s18 =	simm.s32 $0xC;
	s19 =	simm.s32 $0x1  }
0x1e: {  	s20 =	simm.s32 $0x2;
	s21 =	simm.s32 $0x3;
	[dreg:$0x1a] =	wrdreg s28  }
0x1f: {  	s22 =	simm.s32 $0x4;
	s25 =	sadd.s32 $0xB800, s6;
	[dreg:$0x1b] =	wrdreg s29  }
0x20: {  	s1 =	simm.s32 $0x5;
	s6 =	sadd.s32 $0x1A00, s6;
	[dreg:$0x5] =	wrdreg s25  }
0x21: {  	s23 =	simm.s32 $0x6;
	[dreg:$0x6] =	wrdreg s6;
	s25 =	sadd.s32 s5, s10  }
0x22: {  	s5 =	sadd.s32 $0x24900, s5;
	s6 =	simm.s32 $0x28;
	[dreg:$0x16] =	wrdreg s25  }
0x23: {  	s10 =	simm.s32 $0x7620;
	[dreg:$0x17] =	wrdreg s5;
	s5 =	simm.s32 $0xD  }
.LBB2_1:
0x24: {  	s25 =	rddreg [dreg:$0x5]  }
0x25: {  	[tilespmem:s4], [sflag:$0xD] =	stream.linear.gather [hbm4b:s25+s4], $0x2710, $0x38;
	[tilespmem:$0x1FEA0] =	vst v63  }
0x26: {  	s28 =	rddreg [dreg:$0x6];
	s26 =	simm.s32 $0x2710  }
0x27: {  	[tilespmem:s26], [sflag:$0xD] =	stream.linear.gather [hbm4b:s28+s4], $0x2710, $0x38;
	[tilespmem:$0x1FEA0] =	vst v63  }
0x28: {  	s29 =	rddreg [dreg:$0x19]  }
0x29: {  	[tilespmem:s2], [sflag:$0xE] =	stream.linear.gather [hbm4b:s29+s4], $0x1400, $0x38;
	[tilespmem:$0x1FEA0] =	vst v63  }
0x2a: {  	_ =	swait.ge [sflag:s31], $0x1400  }
0x2b: {  	[sflag:s31] =	ssyncset.done $0x0  }
0x2c: {  	[sflag:s31] =	ssyncadd.s32 $0xFFFFEC00  }
0x2d: {  	_ =	swait.ge [sflag:s5], $0x2710  }
0x2e: {  	[sflag:s5] =	ssyncset.done $0x0  }
0x2f: {  	[sflag:s5] =	ssyncadd.s32 $0xFFFFD8F0  }
0x30: {  	[tilespmem:s8], [sflag:$0x1] =	stream.indirect.gather [hbm4b:s0+s6], $0x80, s4, s6, $0xb8;
	[tilespmem:$0x1FEA0] =	vst v63  }
0x31: {  	_ = 	snop  }
0x32: {  	[tilespmem:s9], [sflag:$0x2] =	stream.indirect.gather [hbm4b:s0+s6], $0x80, s6, s6, $0xb8;
	[tilespmem:$0x1FEA0] =	vst v63  }
0x33: {  	s26 =	simm.s32 $0x50  }
0x34: {  	[tilespmem:s10], [sflag:$0x3] =	stream.indirect.gather [hbm4b:s0+s6], $0x80, s26, s6, $0xb8;
	[tilespmem:$0x1FEA0] =	vst v63  }
0x35: {  	s28 =	simm.s32 $0x78  }
0x36: {  	[tilespmem:s11], [sflag:$0x4] =	stream.indirect.gather [hbm4b:s0+s6], $0x80, s28, s6, $0xb8;
	[tilespmem:$0x1FEA0] =	vst v63  }
0x37: {  	s29 =	simm.s32 $0xA0  }
0x38: {  	[tilespmem:s12], [sflag:$0x5] =	stream.indirect.gather [hbm4b:s0+s6], $0x80, s29, s6, $0xb8;
	[tilespmem:$0x1FEA0] =	vst v63  }
0x39: {  	_ = 	snop  }
0x3a: {  	[spmem:s7] =	stream.linear.scatter [tilespmem:s2], [sflag:$0x7], $0x1400, $0x38;
	[tilespmem:$0x1FEA0] =	vst v63  }
0x3b: {  	s26 =	rddreg [dreg:$0x7]  }
0x3c: {  	[spmem:s26] =	stream.linear.scatter [tilespmem:s2], [sflag:$0x8], $0x1400, $0x38;
	[tilespmem:$0x1FEA0] =	vst v63  }
0x3d: {  	s28 =	rddreg [dreg:$0x8]  }
0x3e: {  	[spmem:s28] =	stream.linear.scatter [tilespmem:s2], [sflag:$0x9], $0x1400, $0x38;
	[tilespmem:$0x1FEA0] =	vst v63  }
0x3f: {  	s29 =	rddreg [dreg:$0x9]  }
0x40: {  	[spmem:s29] =	stream.linear.scatter [tilespmem:s2], [sflag:$0xA], $0x1400, $0x38;
	[tilespmem:$0x1FEA0] =	vst v63  }
0x41: {  	s26 =	rddreg [dreg:$0xa]  }
0x42: {  	[spmem:s26] =	stream.linear.scatter [tilespmem:s2], [sflag:$0xB], $0x1400, $0x38;
	[tilespmem:$0x1FEA0] =	vst v63  }
0x43: {  	s28 =	rddreg [dreg:$0xb]  }
0x44: {  	[spmem:s28] =	stream.linear.scatter [tilespmem:s2], [sflag:$0xC], $0x1400, $0x38;
	[tilespmem:$0x1FEA0] =	vst v63  }
0x45: {  	s29 =	rddreg [dreg:$0xc]  }
0x46: {  	[spmem:s29] =	stream.linear.scatter [tilespmem:s2], [sflag:$0x7], $0x1400, $0x38;
	[tilespmem:$0x1FEA0] =	vst v63  }
0x47: {  	s26 =	rddreg [dreg:$0xd]  }
0x48: {  	[spmem:s26] =	stream.linear.scatter [tilespmem:s2], [sflag:$0x8], $0x1400, $0x38;
	[tilespmem:$0x1FEA0] =	vst v63  }
0x49: {  	s28 =	rddreg [dreg:$0xe]  }
0x4a: {  	[spmem:s28] =	stream.linear.scatter [tilespmem:s2], [sflag:$0x9], $0x1400, $0x38;
	[tilespmem:$0x1FEA0] =	vst v63  }
0x4b: {  	s29 =	rddreg [dreg:$0xf]  }
0x4c: {  	[spmem:s29] =	stream.linear.scatter [tilespmem:s2], [sflag:$0xA], $0x1400, $0x38;
	[tilespmem:$0x1FEA0] =	vst v63  }
0x4d: {  	s26 =	rddreg [dreg:$0x10]  }
0x4e: {  	[spmem:s26] =	stream.linear.scatter [tilespmem:s2], [sflag:$0xB], $0x1400, $0x38;
	[tilespmem:$0x1FEA0] =	vst v63  }
0x4f: {  	s28 =	rddreg [dreg:$0x11]  }
0x50: {  	[spmem:s28] =	stream.linear.scatter [tilespmem:s2], [sflag:$0xC], $0x1400, $0x38;
	[tilespmem:$0x1FEA0] =	vst v63  }
0x51: {  	s29 =	rddreg [dreg:$0x12]  }
0x52: {  	[spmem:s29] =	stream.linear.scatter [tilespmem:s2], [sflag:$0x7], $0x1400, $0x38;
	[tilespmem:$0x1FEA0] =	vst v63  }
0x53: {  	s26 =	rddreg [dreg:$0x13]  }
0x54: {  	[spmem:s26] =	stream.linear.scatter [tilespmem:s2], [sflag:$0x8], $0x1400, $0x38;
	[tilespmem:$0x1FEA0] =	vst v63  }
0x55: {  	s28 =	rddreg [dreg:$0x14]  }
0x56: {  	[spmem:s28] =	stream.linear.scatter [tilespmem:s2], [sflag:$0x9], $0x1400, $0x38;
	[tilespmem:$0x1FEA0] =	vst v63  }
0x57: {  	s29 =	rddreg [dreg:$0x15]  }
0x58: {  	[spmem:s29] =	stream.linear.scatter [tilespmem:s2], [sflag:$0xA], $0xC00, $0x38;
	[tilespmem:$0x1FEA0] =	vst v63  }
0x59: {  	s25 =	simm.s32 @!p0 $0xB220  }
0x5a: {  	[spmem:s30] =	stream.linear.scatter @!p0 [tilespmem:s25], [sflag:$0xE], $0x800, $0x38;
	[tilespmem:$0x1FEA0] =	vst v63  }
0x5b: {  	s25 =	simm.s32 @!p0 $0xE  }
0x5c: {  	_ =	swait.ge @!p0 [sflag:s25], $0x800  }
0x5d: {  	[sflag:s25] =	ssyncset.done @!p0 $0x0  }
0x5e: {  	[sflag:s25] =	ssyncadd.s32 @!p0 $0xFFFFF800  }
0x5f: {  	_ =	swait.ge [sflag:s13], $0x1400  }
0x60: {  	[sflag:s13] =	ssyncset.done $0x0  }
0x61: {  	[sflag:s13] =	ssyncadd.s32 $0xFFFFEC00  }
0x62: {  	_ =	swait.ge [sflag:s14], $0x1400  }
0x63: {  	[sflag:s14] =	ssyncset.done $0x0  }
0x64: {  	[sflag:s14] =	ssyncadd.s32 $0xFFFFEC00  }
0x65: {  	_ =	swait.ge [sflag:s15], $0x1400  }
0x66: {  	[sflag:s15] =	ssyncset.done $0x0  }
0x67: {  	[sflag:s15] =	ssyncadd.s32 $0xFFFFEC00  }
0x68: {  	_ =	swait.ge [sflag:s16], $0x1400  }
0x69: {  	[sflag:s16] =	ssyncset.done $0x0  }
0x6a: {  	[sflag:s16] =	ssyncadd.s32 $0xFFFFEC00  }
0x6b: {  	_ =	swait.ge [sflag:s17], $0x1400  }
0x6c: {  	[sflag:s17] =	ssyncset.done $0x0  }
0x6d: {  	[sflag:s17] =	ssyncadd.s32 $0xFFFFEC00  }
0x6e: {  	_ =	swait.ge [sflag:s18], $0x1400  }
0x6f: {  	[sflag:s18] =	ssyncset.done $0x0  }
0x70: {  	[sflag:s18] =	ssyncadd.s32 $0xFFFFEC00  }
0x71: {  	_ =	swait.ge [sflag:s13], $0x1400  }
0x72: {  	[sflag:s13] =	ssyncset.done $0x0  }
0x73: {  	[sflag:s13] =	ssyncadd.s32 $0xFFFFEC00  }
0x74: {  	_ =	swait.ge [sflag:s14], $0x1400  }
0x75: {  	[sflag:s14] =	ssyncset.done $0x0  }
0x76: {  	[sflag:s14] =	ssyncadd.s32 $0xFFFFEC00  }
0x77: {  	_ =	swait.ge [sflag:s15], $0x1400  }
0x78: {  	[sflag:s15] =	ssyncset.done $0x0  }
0x79: {  	[sflag:s15] =	ssyncadd.s32 $0xFFFFEC00  }
0x7a: {  	_ =	swait.ge [sflag:s16], $0x1400  }
0x7b: {  	[sflag:s16] =	ssyncset.done $0x0  }
0x7c: {  	[sflag:s16] =	ssyncadd.s32 $0xFFFFEC00  }
0x7d: {  	_ =	swait.ge [sflag:s17], $0x1400  }
0x7e: {  	[sflag:s17] =	ssyncset.done $0x0  }
0x7f: {  	[sflag:s17] =	ssyncadd.s32 $0xFFFFEC00  }
0x80: {  	_ =	swait.ge [sflag:s18], $0x1400  }
0x81: {  	[sflag:s18] =	ssyncset.done $0x0  }
0x82: {  	[sflag:s18] =	ssyncadd.s32 $0xFFFFEC00  }
0x83: {  	_ =	swait.ge [sflag:s13], $0x1400  }
0x84: {  	[sflag:s13] =	ssyncset.done $0x0  }
0x85: {  	[sflag:s13] =	ssyncadd.s32 $0xFFFFEC00  }
0x86: {  	_ =	swait.ge [sflag:s14], $0x1400  }
0x87: {  	[sflag:s14] =	ssyncset.done $0x0  }
0x88: {  	[sflag:s14] =	ssyncadd.s32 $0xFFFFEC00  }
0x89: {  	_ =	swait.ge [sflag:s15], $0x1400  }
0x8a: {  	[sflag:s15] =	ssyncset.done $0x0  }
0x8b: {  	[sflag:s15] =	ssyncadd.s32 $0xFFFFEC00  }
0x8c: {  	_ =	swait.ge [sflag:s16], $0xC00  }
0x8d: {  	[sflag:s16] =	ssyncset.done $0x0  }
0x8e: {  	[sflag:s16] =	ssyncadd.s32 $0xFFFFF400  }
0x8f: {  	_ =	swait.ge [sflag:s5], $0x2710  }
0x90: {  	[sflag:s5] =	ssyncset.done $0x0  }
0x91: {  	[sflag:s5] =	ssyncadd.s32 $0xFFFFD8F0  }
0x92: {  	s26 =	simm.s32 $0xC8;
	[bflag:$0x0] =	sbarrier.arrive $0xFFFF  }
0x93: {  	[tilespmem:s2], [sflag:$0x6] =	stream.indirect.gather [hbm4b:s0+s6], $0x80, s26, s6, $0xb8;
	[tilespmem:$0x1FEA0] =	vst v63  }
0x94: {  	_ =	swait.ge [sflag:s19], $0x1400  }
0x95: {  	[sflag:s19] =	ssyncset.done $0x0  }
0x96: {  	s28 =	simm.s32 $0x2710;
	[sflag:s19] =	ssyncadd.s32 $0xFFFFEC00  }
0x97: {  	[spmem:s3] =	stream.indirect.scatter.add.f32 [tilespmem:s8], [sflag:$0x7], $0x80, s28, s6, $0xb8;
	[tilespmem:$0x1FEA0] =	vst v63  }
0x98: {  	_ =	swait.ge [sflag:s20], $0x1400  }
0x99: {  	[sflag:s20] =	ssyncset.done $0x0  }
0x9a: {  	s29 =	simm.s32 $0x2738;
	[sflag:s20] =	ssyncadd.s32 $0xFFFFEC00  }
0x9b: {  	[spmem:s3] =	stream.indirect.scatter.add.f32 [tilespmem:s9], [sflag:$0x8], $0x80, s29, s6, $0xb8;
	[tilespmem:$0x1FEA0] =	vst v63  }
0x9c: {  	_ =	swait.ge [sflag:s21], $0x1400  }
0x9d: {  	[sflag:s21] =	ssyncset.done $0x0  }
0x9e: {  	s26 =	simm.s32 $0x2760;
	[sflag:s21] =	ssyncadd.s32 $0xFFFFEC00  }
0x9f: {  	[spmem:s3] =	stream.indirect.scatter.add.f32 [tilespmem:s10], [sflag:$0x9], $0x80, s26, s6, $0xb8;
	[tilespmem:$0x1FEA0] =	vst v63  }
0xa0: {  	_ =	swait.ge [sflag:s22], $0x1400  }
0xa1: {  	[sflag:s22] =	ssyncset.done $0x0  }
0xa2: {  	s28 =	simm.s32 $0x2788;
	[sflag:s22] =	ssyncadd.s32 $0xFFFFEC00  }
0xa3: {  	[spmem:s3] =	stream.indirect.scatter.add.f32 [tilespmem:s11], [sflag:$0xA], $0x80, s28, s6, $0xb8;
	[tilespmem:$0x1FEA0] =	vst v63  }
0xa4: {  	_ =	swait.ge [sflag:s1], $0x1400  }
0xa5: {  	[sflag:s1] =	ssyncset.done $0x0  }
0xa6: {  	s29 =	simm.s32 $0x27B0;
	[sflag:s1] =	ssyncadd.s32 $0xFFFFEC00  }
0xa7: {  	[spmem:s3] =	stream.indirect.scatter.add.f32 [tilespmem:s12], [sflag:$0xB], $0x80, s29, s6, $0xb8;
	[tilespmem:$0x1FEA0] =	vst v63  }
0xa8: {  	_ =	swait.ge [sflag:s23], $0x1400  }
0xa9: {  	[sflag:s23] =	ssyncset.done $0x0  }
0xaa: {  	s26 =	simm.s32 $0x27D8;
	[sflag:s23] =	ssyncadd.s32 $0xFFFFEC00  }
0xab: {  	[spmem:s3] =	stream.indirect.scatter.add.f32 [tilespmem:s2], [sflag:$0xC], $0x80, s26, s6, $0xb8;
	[tilespmem:$0x1FEA0] =	vst v63  }
0xac: {  	_ =	swait.ge [sflag:s13], $0x1400  }
0xad: {  	[sflag:s13] =	ssyncset.done $0x0  }
0xae: {  	s28 =	simm.s32 $0xF0;
	[sflag:s13] =	ssyncadd.s32 $0xFFFFEC00  }
0xaf: {  	[tilespmem:s8], [sflag:$0x1] =	stream.indirect.gather [hbm4b:s0+s6], $0x80, s28, s6, $0xb8;
	[tilespmem:$0x1FEA0] =	vst v63  }
0xb0: {  	_ =	swait.ge [sflag:s14], $0x1400  }
0xb1: {  	[sflag:s14] =	ssyncset.done $0x0  }
0xb2: {  	s29 =	simm.s32 $0x118;
	[sflag:s14] =	ssyncadd.s32 $0xFFFFEC00  }
0xb3: {  	[tilespmem:s9], [sflag:$0x2] =	stream.indirect.gather [hbm4b:s0+s6], $0x80, s29, s6, $0xb8;
	[tilespmem:$0x1FEA0] =	vst v63  }
0xb4: {  	_ =	swait.ge [sflag:s15], $0x1400  }
0xb5: {  	[sflag:s15] =	ssyncset.done $0x0  }
0xb6: {  	s26 =	simm.s32 $0x140;
	[sflag:s15] =	ssyncadd.s32 $0xFFFFEC00  }
0xb7: {  	[tilespmem:s10], [sflag:$0x3] =	stream.indirect.gather [hbm4b:s0+s6], $0x80, s26, s6, $0xb8;
	[tilespmem:$0x1FEA0] =	vst v63  }
0xb8: {  	_ =	swait.ge [sflag:s16], $0x1400  }
0xb9: {  	[sflag:s16] =	ssyncset.done $0x0  }
0xba: {  	s28 =	simm.s32 $0x168;
	[sflag:s16] =	ssyncadd.s32 $0xFFFFEC00  }
0xbb: {  	[tilespmem:s11], [sflag:$0x4] =	stream.indirect.gather [hbm4b:s0+s6], $0x80, s28, s6, $0xb8;
	[tilespmem:$0x1FEA0] =	vst v63  }
0xbc: {  	_ =	swait.ge [sflag:s17], $0x1400  }
0xbd: {  	[sflag:s17] =	ssyncset.done $0x0  }
0xbe: {  	s29 =	simm.s32 $0x190;
	[sflag:s17] =	ssyncadd.s32 $0xFFFFEC00  }
0xbf: {  	[tilespmem:s12], [sflag:$0x5] =	stream.indirect.gather [hbm4b:s0+s6], $0x80, s29, s6, $0xb8;
	[tilespmem:$0x1FEA0] =	vst v63  }
0xc0: {  	_ =	swait.ge [sflag:s18], $0x1400  }
0xc1: {  	[sflag:s18] =	ssyncset.done $0x0  }
0xc2: {  	s25 =	simm.s32 $0x3C0;
	s26 =	simm.s32 $0x1B8;
	[sflag:s18] =	ssyncadd.s32 $0xFFFFEC00  }
.LBB2_2:
0xc3: {  	[tilespmem:s2], [sflag:$0x6] =	stream.indirect.gather [hbm4b:s0+s6], $0x80, s26, s6, $0xb8;
	[tilespmem:$0x1FEA0] =	vst v63  }
0xc4: {  	s26 =	smov.u32 s25  }
0xc5: {  	p5 =	sne.s32 s25, $0x9240;
	s25 =	sadd.s32 $0x3C0, s25;
	_ =	swait.ge [sflag:s19], $0x1400  }
0xc6: {  	s26 =	sshra.s32 s26, $0x2;
	[sflag:s19] =	ssyncset.done $0x0  }
0xc7: {  	s28 =	sadd.s32 $0x2710, s26;
	[sflag:s19] =	ssyncadd.s32 $0xFFFFEC00  }
0xc8: {  	[spmem:s3] =	stream.indirect.scatter.add.f32 [tilespmem:s8], [sflag:$0x7], $0x80, s28, s6, $0xb8;
	[tilespmem:$0x1FEA0] =	vst v63  }
0xc9: {  	_ =	swait.ge [sflag:s20], $0x1400  }
0xca: {  	[sflag:s20] =	ssyncset.done $0x0  }
0xcb: {  	s28 =	sadd.s32 $0x2738, s26;
	[sflag:s20] =	ssyncadd.s32 $0xFFFFEC00  }
0xcc: {  	[spmem:s3] =	stream.indirect.scatter.add.f32 [tilespmem:s9], [sflag:$0x8], $0x80, s28, s6, $0xb8;
	[tilespmem:$0x1FEA0] =	vst v63  }
0xcd: {  	_ =	swait.ge [sflag:s21], $0x1400  }
0xce: {  	[sflag:s21] =	ssyncset.done $0x0  }
0xcf: {  	s28 =	sadd.s32 $0x2760, s26;
	[sflag:s21] =	ssyncadd.s32 $0xFFFFEC00  }
0xd0: {  	[spmem:s3] =	stream.indirect.scatter.add.f32 [tilespmem:s10], [sflag:$0x9], $0x80, s28, s6, $0xb8;
	[tilespmem:$0x1FEA0] =	vst v63  }
0xd1: {  	_ =	swait.ge [sflag:s22], $0x1400  }
0xd2: {  	[sflag:s22] =	ssyncset.done $0x0  }
0xd3: {  	s28 =	sadd.s32 $0x2788, s26;
	[sflag:s22] =	ssyncadd.s32 $0xFFFFEC00  }
0xd4: {  	[spmem:s3] =	stream.indirect.scatter.add.f32 [tilespmem:s11], [sflag:$0xA], $0x80, s28, s6, $0xb8;
	[tilespmem:$0x1FEA0] =	vst v63  }
0xd5: {  	_ =	swait.ge [sflag:s1], $0x1400  }
0xd6: {  	[sflag:s1] =	ssyncset.done $0x0  }
0xd7: {  	s28 =	sadd.s32 $0x27B0, s26;
	[sflag:s1] =	ssyncadd.s32 $0xFFFFEC00  }
0xd8: {  	[spmem:s3] =	stream.indirect.scatter.add.f32 [tilespmem:s12], [sflag:$0xB], $0x80, s28, s6, $0xb8;
	[tilespmem:$0x1FEA0] =	vst v63  }
0xd9: {  	_ =	swait.ge [sflag:s23], $0x1400  }
0xda: {  	[sflag:s23] =	ssyncset.done $0x0  }
0xdb: {  	s28 =	sadd.s32 $0x27D8, s26;
	[sflag:s23] =	ssyncadd.s32 $0xFFFFEC00  }
0xdc: {  	[spmem:s3] =	stream.indirect.scatter.add.f32 [tilespmem:s2], [sflag:$0xC], $0x80, s28, s6, $0xb8;
	[tilespmem:$0x1FEA0] =	vst v63  }
0xdd: {  	_ =	swait.ge [sflag:s13], $0x1400  }
0xde: {  	[sflag:s13] =	ssyncset.done $0x0  }
0xdf: {  	s28 =	sadd.s32 $0xF0, s26;
	[sflag:s13] =	ssyncadd.s32 $0xFFFFEC00  }
0xe0: {  	[tilespmem:s8], [sflag:$0x1] =	stream.indirect.gather [hbm4b:s0+s6], $0x80, s28, s6, $0xb8;
	[tilespmem:$0x1FEA0] =	vst v63  }
0xe1: {  	_ =	swait.ge [sflag:s14], $0x1400  }
0xe2: {  	[sflag:s14] =	ssyncset.done $0x0  }
0xe3: {  	s28 =	sadd.s32 $0x118, s26;
	[sflag:s14] =	ssyncadd.s32 $0xFFFFEC00  }
0xe4: {  	[tilespmem:s9], [sflag:$0x2] =	stream.indirect.gather [hbm4b:s0+s6], $0x80, s28, s6, $0xb8;
	[tilespmem:$0x1FEA0] =	vst v63  }
0xe5: {  	_ =	swait.ge [sflag:s15], $0x1400  }
0xe6: {  	[sflag:s15] =	ssyncset.done $0x0  }
0xe7: {  	s28 =	sadd.s32 $0x140, s26;
	[sflag:s15] =	ssyncadd.s32 $0xFFFFEC00  }
0xe8: {  	[tilespmem:s10], [sflag:$0x3] =	stream.indirect.gather [hbm4b:s0+s6], $0x80, s28, s6, $0xb8;
	[tilespmem:$0x1FEA0] =	vst v63  }
0xe9: {  	_ =	swait.ge [sflag:s16], $0x1400  }
0xea: {  	[sflag:s16] =	ssyncset.done $0x0  }
0xeb: {  	s28 =	sadd.s32 $0x168, s26;
	[sflag:s16] =	ssyncadd.s32 $0xFFFFEC00  }
0xec: {  	[tilespmem:s11], [sflag:$0x4] =	stream.indirect.gather [hbm4b:s0+s6], $0x80, s28, s6, $0xb8;
	[tilespmem:$0x1FEA0] =	vst v63  }
0xed: {  	_ =	swait.ge [sflag:s17], $0x1400  }
0xee: {  	[sflag:s17] =	ssyncset.done $0x0  }
.Ltmp0:
0xef: {  	s28 =	sadd.s32 $0x190, s26;
	[sflag:s17] =	ssyncadd.s32 $0xFFFFEC00;
	(pc) =	sbr.rel @p5 .LBB2_2-.Ltmp0, $4  }
0xf0: {  	[tilespmem:s12], [sflag:$0x5] =	stream.indirect.gather [hbm4b:s0+s6], $0x80, s28, s6, $0xb8;
	[tilespmem:$0x1FEA0] =	vst v63  }
0xf1: {  	_ =	swait.ge [sflag:s18], $0x1400  }
0xf2: {  	[sflag:s18] =	ssyncset.done $0x0  }
0xf3: {  	s26 =	sadd.s32 $0x1B8, s26;
	[sflag:s18] =	ssyncadd.s32 $0xFFFFEC00  }
0xf4: {  	[tilespmem:s2], [sflag:$0x6] =	stream.indirect.gather [hbm4b:s0+s6], $0x80, s26, s6, $0xb8;
	[tilespmem:$0x1FEA0] =	vst v63  }
0xf5: {  	_ =	swait.ge [sflag:s19], $0x1400  }
0xf6: {  	[sflag:s19] =	ssyncset.done $0x0  }
0xf7: {  	s25 =	simm.s32 $0x4C90;
	[sflag:s19] =	ssyncadd.s32 $0xFFFFEC00  }
0xf8: {  	[spmem:s3] =	stream.indirect.scatter.add.f32 [tilespmem:s8], [sflag:$0x7], $0x80, s25, s6, $0xb8;
	[tilespmem:$0x1FEA0] =	vst v63  }
0xf9: {  	_ =	swait.ge [sflag:s20], $0x1400  }
0xfa: {  	[sflag:s20] =	ssyncset.done $0x0  }
0xfb: {  	s26 =	simm.s32 $0x4CB8;
	[sflag:s20] =	ssyncadd.s32 $0xFFFFEC00  }
0xfc: {  	[spmem:s3] =	stream.indirect.scatter.add.f32 [tilespmem:s9], [sflag:$0x8], $0x80, s26, s6, $0xb8;
	[tilespmem:$0x1FEA0] =	vst v63  }
0xfd: {  	_ =	swait.ge [sflag:s21], $0x1400  }
0xfe: {  	[sflag:s21] =	ssyncset.done $0x0  }
0xff: {  	s29 =	simm.s32 $0x4CE0;
	[sflag:s21] =	ssyncadd.s32 $0xFFFFEC00  }
0x100: {  	[spmem:s3] =	stream.indirect.scatter.add.f32 [tilespmem:s10], [sflag:$0x9], $0x80, s29, s6, $0xb8;
	[tilespmem:$0x1FEA0] =	vst v63  }
0x101: {  	_ =	swait.ge [sflag:s22], $0x1400  }
0x102: {  	[sflag:s22] =	ssyncset.done $0x0  }
0x103: {  	s26 =	simm.s32 $0x4D08;
	[sflag:s22] =	ssyncadd.s32 $0xFFFFEC00  }
0x104: {  	[spmem:s3] =	stream.indirect.scatter.add.f32 [tilespmem:s11], [sflag:$0xA], $0x80, s26, s6, $0xb8;
	[tilespmem:$0x1FEA0] =	vst v63  }
0x105: {  	_ =	swait.ge [sflag:s1], $0x1400  }
0x106: {  	[sflag:s1] =	ssyncset.done $0x0  }
0x107: {  	s29 =	simm.s32 $0x4D30;
	[sflag:s1] =	ssyncadd.s32 $0xFFFFEC00  }
0x108: {  	[spmem:s3] =	stream.indirect.scatter.add.f32 [tilespmem:s12], [sflag:$0xB], $0x80, s29, s6, $0xb8;
	[tilespmem:$0x1FEA0] =	vst v63  }
0x109: {  	_ =	swait.ge [sflag:s23], $0x1400  }
0x10a: {  	[sflag:s23] =	ssyncset.done $0x0  }
0x10b: {  	s26 =	simm.s32 $0x4D58;
	[sflag:s23] =	ssyncadd.s32 $0xFFFFEC00  }
0x10c: {  	[spmem:s3] =	stream.indirect.scatter.add.f32 [tilespmem:s2], [sflag:$0xC], $0x80, s26, s6, $0xb8;
	[tilespmem:$0x1FEA0] =	vst v63  }
0x10d: {  	_ =	swait.ge [sflag:s13], $0x1400  }
0x10e: {  	[sflag:s13] =	ssyncset.done $0x0  }
0x10f: {  	s29 =	simm.s32 $0x2670;
	[sflag:s13] =	ssyncadd.s32 $0xFFFFEC00  }
0x110: {  	[tilespmem:s8], [sflag:$0x1] =	stream.indirect.gather [hbm4b:s0+s6], $0x80, s29, s6, $0xb8;
	[tilespmem:$0x1FEA0] =	vst v63  }
0x111: {  	_ =	swait.ge [sflag:s14], $0x1400  }
0x112: {  	[sflag:s14] =	ssyncset.done $0x0  }
0x113: {  	s26 =	simm.s32 $0x2698;
	[sflag:s14] =	ssyncadd.s32 $0xFFFFEC00  }
0x114: {  	[tilespmem:s9], [sflag:$0x2] =	stream.indirect.gather [hbm4b:s0+s6], $0x80, s26, s6, $0xb8;
	[tilespmem:$0x1FEA0] =	vst v63  }
0x115: {  	_ =	swait.ge [sflag:s15], $0x1400  }
0x116: {  	[sflag:s15] =	ssyncset.done $0x0  }
0x117: {  	s29 =	simm.s32 $0x26C0;
	[sflag:s15] =	ssyncadd.s32 $0xFFFFEC00  }
0x118: {  	[tilespmem:s10], [sflag:$0x3] =	stream.indirect.gather [hbm4b:s0+s6], $0x80, s29, s6, $0xb8;
	[tilespmem:$0x1FEA0] =	vst v63  }
0x119: {  	_ =	swait.ge [sflag:s16], $0x1400  }
0x11a: {  	[sflag:s16] =	ssyncset.done $0x0  }
0x11b: {  	s26 =	simm.s32 $0x26E8;
	[sflag:s16] =	ssyncadd.s32 $0xFFFFEC00  }
0x11c: {  	[tilespmem:s11], [sflag:$0x4] =	stream.indirect.gather [hbm4b:s0+s6], $0x80, s26, s6, $0xb8;
	[tilespmem:$0x1FEA0] =	vst v63  }
0x11d: {  	_ =	swait.ge [sflag:s19], $0x1400  }
0x11e: {  	[sflag:s19] =	ssyncset.done $0x0  }
0x11f: {  	s29 =	simm.s32 $0x4D80;
	[sflag:s19] =	ssyncadd.s32 $0xFFFFEC00  }
0x120: {  	[spmem:s3] =	stream.indirect.scatter.add.f32 [tilespmem:s8], [sflag:$0x7], $0x80, s29, s6, $0xb8;
	[tilespmem:$0x1FEA0] =	vst v63  }
0x121: {  	_ =	swait.ge [sflag:s20], $0x1400  }
0x122: {  	[sflag:s20] =	ssyncset.done $0x0  }
0x123: {  	s26 =	simm.s32 $0x4DA8;
	[sflag:s20] =	ssyncadd.s32 $0xFFFFEC00  }
0x124: {  	[spmem:s3] =	stream.indirect.scatter.add.f32 [tilespmem:s9], [sflag:$0x8], $0x80, s26, s6, $0xb8;
	[tilespmem:$0x1FEA0] =	vst v63  }
0x125: {  	_ =	swait.ge [sflag:s21], $0x1400  }
0x126: {  	[sflag:s21] =	ssyncset.done $0x0  }
0x127: {  	s29 =	simm.s32 $0x4DD0;
	[sflag:s21] =	ssyncadd.s32 $0xFFFFEC00  }
0x128: {  	[spmem:s3] =	stream.indirect.scatter.add.f32 [tilespmem:s10], [sflag:$0x9], $0x80, s29, s6, $0xb8;
	[tilespmem:$0x1FEA0] =	vst v63  }
0x129: {  	_ =	swait.ge [sflag:s22], $0x1400  }
0x12a: {  	[sflag:s22] =	ssyncset.done $0x0  }
0x12b: {  	s26 =	simm.s32 $0x4DF8;
	[sflag:s22] =	ssyncadd.s32 $0xFFFFEC00  }
0x12c: {  	[spmem:s3] =	stream.indirect.scatter.add.f32 [tilespmem:s11], [sflag:$0xA], $0x80, s26, s6, $0xb8;
	[tilespmem:$0x1FEA0] =	vst v63  }
0x12d: {  	_ =	swait.ge [sflag:s17], $0x1400  }
0x12e: {  	[sflag:s17] =	ssyncset.done $0x0  }
0x12f: {  	[sflag:s17] =	ssyncadd.s32 $0xFFFFEC00  }
0x130: {  	_ =	swait.ge [sflag:s18], $0x1400  }
0x131: {  	[sflag:s18] =	ssyncset.done $0x0  }
0x132: {  	[sflag:s18] =	ssyncadd.s32 $0xFFFFEC00  }
0x133: {  	_ =	swait.ge [sflag:s13], $0x1400  }
0x134: {  	[sflag:s13] =	ssyncset.done $0x0  }
0x135: {  	[sflag:s13] =	ssyncadd.s32 $0xFFFFEC00  }
0x136: {  	_ =	swait.ge [sflag:s14], $0x1400  }
0x137: {  	[sflag:s14] =	ssyncset.done $0x0  }
0x138: {  	[sflag:s14] =	ssyncadd.s32 $0xFFFFEC00  }
0x139: {  	_ =	swait.ge [sflag:s15], $0x1400  }
0x13a: {  	[sflag:s15] =	ssyncset.done $0x0  }
0x13b: {  	[sflag:s15] =	ssyncadd.s32 $0xFFFFEC00  }
0x13c: {  	_ =	swait.ge [sflag:s16], $0x1400  }
0x13d: {  	[sflag:s16] =	ssyncset.done $0x0  }
0x13e: {  	[sflag:s16] =	ssyncadd.s32 $0xFFFFEC00  }
0x13f: {  	[bflag:$0x0] =	sbarrier.arrive $0xFFFF  }
0x140: {  	s25 =	sshrl.u32 @!p1 s7, $0x3;
	s26 =	simm.s32 @!p1 $0x1FCE;
	s28 =	rddreg [dreg:$0x1a]  }
0x141: {  	[hbm:s28], [sflag:s26] =	dma.local @!p1 [spmem:s25], $0x2800  }
0x142: {  	s25 =	simm.s32 @!p1 $0xE  }
0x143: {  	s29 =	stileid.u32;
	_ =	swait.ge @!p1 [sflag:s25], $0x2800  }
0x144: {  	s26 =	sshll.u32 @!p2 s29, $0x6;
	[sflag:s25] =	ssyncset.done @!p1 $0x0;
	s28 =	rddreg [dreg:$0x18]  }
0x145: {  	[sflag:s25] =	ssyncadd.s32 @!p1 $0xFFFFD800;
	s25 =	sor.u32 @!p2 $0x1C0E, s26;
	s26 =	sshrl.u32 @!p2 s7, $0x3  }
0x146: {  	[hbm:s28], [sflag:s25] =	dma.local @!p2 [spmem:s26], $0x2700  }
0x147: {  	s25 =	simm.s32 @!p2 $0xE  }
0x148: {  	_ =	swait.ge @!p2 [sflag:s25], $0x2700  }
0x149: {  	s26 =	simm.s32 @!p3 $0x1FCE;
	[sflag:s25] =	ssyncset.done @!p2 $0x0  }
0x14a: {  	s28 =	rddreg [dreg:$0x17];
	[sflag:s25] =	ssyncadd.s32 @!p2 $0xFFFFD900;
	s25 =	sshrl.u32 @!p3 s7, $0x3  }
0x14b: {  	[hbm:s28], [sflag:s26] =	dma.local @!p3 [spmem:s25], $0x2800  }
0x14c: {  	s25 =	simm.s32 @!p3 $0xE  }
0x14d: {  	_ =	swait.ge @!p3 [sflag:s25], $0x2800  }
0x14e: {  	s26 =	sshll.u32 @!p4 s29, $0x6;
	[sflag:s25] =	ssyncset.done @!p3 $0x0;
	s29 =	rddreg [dreg:$0x16]  }
0x14f: {  	[sflag:s25] =	ssyncadd.s32 @!p3 $0xFFFFD800;
	s25 =	sor.u32 @!p4 $0x1C0E, s26;
	s26 =	sshrl.u32 @!p4 s7, $0x3  }
0x150: {  	[hbm:s29], [sflag:s25] =	dma.local @!p4 [spmem:s26], $0x2700  }
0x151: {  	s25 =	simm.s32 @!p4 $0xE  }
0x152: {  	_ =	swait.ge @!p4 [sflag:s25], $0x2700  }
0x153: {  	s24 =	sadd.s32 $0x1, s24;
	s29 =	rddreg [dreg:$0x1b]  }
0x154: {  	p5 =	sne.s32 s24, s29  }
.Ltmp1:
0x155: {  	_ = 	snop;
	(pc) =	sbr.rel @p5 .LBB2_1-.Ltmp1, $3  }
0x156: {  	_ =	sdelay $0x1  }
0x157: {  	[sflag:s25] =	ssyncset.done @!p4 $0x0  }
0x158: {  	s28 =	stileid.u32;
	[sflag:s25] =	ssyncadd.s32 @!p4 $0xFFFFD900  }
0x159: {  	_ =	sfence.sel $0x180000  }
0x15a: {  	[bflag:$0x0] =	sbarrier.arrive $0xFFFF  }
0x15b: {  	_ =	strace $0x90000047  }
0x15c: {  	[bflag:$0x2] =	sbarrier.arrive $0xFFFF  }
0x15d: {  	p0 =	sne.s32 s28, $0x0;
	s0 =	rddreg [dreg:$0x4]  }
0x15e: {  	s0 =	sadd.s32 @!p0 $0x100000, s0  }
0x15f: {  	[sflag:s0] =	ssyncadd.tile.s32 @!p0 $0x1;
	_ =	shalt  }
.Lfunc_end2:
_tile_overlayer_lowered:
.L_overlay_start_2:
0x160: {  	(tag) =	ssettag $0x2  }
0x161: {  	s0 =	rddreg [dreg:$0x0];
	s2 =	stileid.u32  }
0x162: {  	s1 =	rddreg [dreg:$0x1];
	p0 =	sne.s32 s2, $0x0  }
0x163: {  	s3 =	rddreg [dreg:$0x2];
	[bflag:$0x3] =	sbarrier.arrive $0xFFFF;
	s2 =	simm.s32 @!p0 $0x1C0E  }
0x164: {  	[timem:s3], [sflag:s2] =	dma.local @!p0 [hbm:s0], s1  }
0x165: {  	s0 =	simm.s32 @!p0 $0xE  }
0x166: {  	_ =	swait.ge @!p0 [sflag:s0], s1  }
0x167: {  	s1 =	ssub.s32 @!p0 $0x0, s1;
	[sflag:s0] =	ssyncset.done @!p0 $0x0  }
0x168: {  	[sflag:s0] =	ssyncadd.s32 @!p0 s1  }
0x169: {  	[bflag:$0x3] =	sbarrier.arrive $0xFFFF  }
0x16a: {  	_ =	shalt  }

// kernel: kernel.9.cloned.1.call-start
scs
__scs_entry_jumppad:
0x0: {  	(pc) =	sbr.rel $0x88, $3  }
0x1: {  	(tag) =	ssettag $0x0;
	lr =	simm.s32 $0x1  }
0x2: {  	[smem:$0x3F9B] =	sst lr;
	_ =	strace $0xD0000000  }
0x3: {  	_ = 	snop  }
0x4: {  	_ = 	snop  }
0x5: {  	_ = 	snop  }
0x6: {  	_ = 	snop  }
0x7: {  	_ = 	snop  }
__scs_overlays_trampoline_lowered:
0x8: {  	[smem:$0x3FAA] =	sst s0  }
0x9: {  	[smem:$0x3FAB] =	sst s1  }
0xa: {  	[smem:$0x3FAC] =	sst s2  }
0xb: {  	[smem:$0x3FAD] =	sst s3  }
0xc: {  	[smem:$0x3FAE] =	sst s4  }
0xd: {  	[smem:$0x3FAF] =	sst s5  }
0xe: {  	[smem:$0x3FB0] =	sst s6  }
0xf: {  	[smem:$0x3FB1] =	sst s7  }
0x10: {  	[smem:$0x3FB2] =	sst s8  }
0x11: {  	[smem:$0x3FB3] =	sst s9;
	s0 =	simm.s32 @!p0 $0x0  }
0x12: {  	s1 =	sld [smem:$0x3F99];
	s0 =	simm.s32 @p0 $0x1  }
0x13: {  	[smem:$0x3FB4] =	sst s0;
	s0 =	simm.s32 @!p1 $0x0  }
0x14: {  	s2 =	sld [smem:$0x3F98];
	s0 =	simm.s32 @p1 $0x1  }
0x15: {  	[smem:$0x3FB5] =	sst s0;
	s0 =	simm.s32 @!p2 $0x0  }
0x16: {  	s3 =	sld [smem:$0x3FDB];
	s0 =	simm.s32 @p2 $0x1  }
0x17: {  	s4 =	simm.s32 $0x1BF5;
	[smem:$0x3FB7] =	sst s0  }
0x18: {  	s0 =	sld [smem:$0x3F9A];
	_ =	swait.ge [sflag:s4], $0x0  }
0x19: {  	s7 =	sld [smem:$0x3F9B]  }
0x1a: {  	s8 =	sadd.s32 $0xFFFFE003, lr  }
0x1b: {  	s9 =	sadd.s32 $0xFFFFFEF7, lr;
	s5 =	simm.s32 $0xFFFFFFFF;
	p2 =	slt.u32 s8, $0xFFFFF086  }
0x1c: {  	p1 =	slt.u32 s9, $0xF7A;
	s5 =	simm.s32 @!p2 $0x0  }
0x1d: {  	s5 =	simm.s32 @p1 $0x1;
	p0 =	seq.s32 s7, s2  }
0x1e: {  	s7 =	smul.u32 @!p0 $0xF7A, s2;
	p2 =	seq.s32 @!p0 s5, $0x0  }
0x1f: {  	s9 =	smul.u32 $0xF7A, s1;
	s8 =	simm.s32 @!p0 $0x1BF5;
	p2 =	por !p2, p0  }
0x20: {  	[sflag:s8] =	ssyncset.s32 @!p0 $0xFFFFF086;
	s6 =	sadd.s32 @!p0 s3, s7;
	s7 =	simm.s32 @!p0 $0x108  }
0x21: {  	s3 =	sadd.s32 s3, s9;
	s6 =	sadd.s32 @!p0 $0x88, s6;
	s7 =	simm.s32 @p2 $0x1082  }
0x22: {  	[simem:s7], [sflag:s8] =	dma.local @!p0 [hbm:s6], $0xF7A  }
0x23: {  	s9 =	sor.u32 $0xD0000000, s2;
	s6 =	simm.s32 $0x108;
	_ =	swait.ge @!p0 [sflag:s8], $0x0  }
0x24: {  	s3 =	sadd.s32 $0x88, s3;
	s6 =	simm.s32 @!p1 $0x1082;
	[sflag:s4] =	ssyncset.s32 $0xFFFFF086  }
0x25: {  	[simem:s6], [sflag:s4] =	dma.local [hbm:s3], $0xF7A  }
0x26: {  	[smem:$0x3F9B] =	sst s1;
	(tag) =	ssettag s2;
	_ =	strace s9  }
0x27: {  	s1 =	sld [smem:$0x3FAB]  }
0x28: {  	s2 =	sld [smem:$0x3FAC]  }
0x29: {  	s4 =	sld [smem:$0x3FAE]  }
0x2a: {  	p0 =	seq.s32 s5, $0x0;
	s5 =	sld [smem:$0x3FAF]  }
0x2b: {  	s6 =	sld [smem:$0x3FB0]  }
0x2c: {  	s7 =	sld [smem:$0x3FB1]  }
0x2d: {  	s3 =	simm.s32 $0x108;
	s8 =	sld [smem:$0x3FB2]  }
0x2e: {  	s3 =	simm.s32 @!p0 $0x1082;
	s9 =	sld [smem:$0x3FB3]  }
0x2f: {  	lr =	sadd.s32 s0, s3;
	s0 =	sld [smem:$0x3FAA]  }
0x30: {  	s3 =	sld [smem:$0x3FAD]  }
0x31: {  	[smem:$0x3FB6] =	sst s10  }
0x32: {  	s10 =	sld [smem:$0x3FB4];
	_ =	sdelay $0x3  }
0x33: {  	p0 =	seq.s32 s10, $0x1;
	s10 =	sld [smem:$0x3FB6];
	_ =	sdelay $0x3  }
0x34: {  	[smem:$0x3FB6] =	sst s10  }
0x35: {  	s10 =	sld [smem:$0x3FB5];
	_ =	sdelay $0x3  }
0x36: {  	p1 =	seq.s32 s10, $0x1;
	s10 =	sld [smem:$0x3FB6];
	_ =	sdelay $0x3  }
0x37: {  	[smem:$0x3FB6] =	sst s10  }
0x38: {  	s10 =	sld [smem:$0x3FB7]  }
0x39: {  	_ = 	snop;
	(pc) =	sbr.ind lr, $3  }
0x3a: {  	_ = 	snop  }
0x3b: {  	_ = 	snop  }
0x3c: {  	p2 =	seq.s32 s10, $0x1;
	s10 =	sld [smem:$0x3FB6]  }
0x3d: {  	_ =	shalt  }
0x3e: {  	_ =	shalt  }
0x3f: {  	_ =	shalt  }
0x40: {  	_ =	shalt  }
0x41: {  	_ =	shalt  }
0x42: {  	_ =	shalt  }
0x43: {  	_ =	shalt  }
0x44: {  	_ =	shalt  }
0x45: {  	_ =	shalt  }
0x46: {  	_ =	shalt  }
0x47: {  	_ =	shalt  }
0x48: {  	_ =	shalt  }
0x49: {  	_ =	shalt  }
0x4a: {  	_ =	shalt  }
0x4b: {  	_ =	shalt  }
0x4c: {  	_ =	shalt  }
0x4d: {  	_ =	shalt  }
0x4e: {  	_ =	shalt  }
0x4f: {  	_ =	shalt  }
0x50: {  	_ =	shalt  }
0x51: {  	_ =	shalt  }
0x52: {  	_ =	shalt  }
0x53: {  	_ =	shalt  }
0x54: {  	_ =	shalt  }
0x55: {  	_ =	shalt  }
0x56: {  	_ =	shalt  }
0x57: {  	_ =	shalt  }
0x58: {  	_ =	shalt  }
0x59: {  	_ =	shalt  }
0x5a: {  	_ =	shalt  }
0x5b: {  	_ =	shalt  }
0x5c: {  	_ =	shalt  }
0x5d: {  	_ =	shalt  }
0x5e: {  	_ =	shalt  }
0x5f: {  	_ =	shalt  }
0x60: {  	_ =	shalt  }
0x61: {  	_ =	shalt  }
0x62: {  	_ =	shalt  }
0x63: {  	_ =	shalt  }
0x64: {  	_ =	shalt  }
0x65: {  	_ =	shalt  }
0x66: {  	_ =	shalt  }
0x67: {  	_ =	shalt  }
0x68: {  	_ =	shalt  }
0x69: {  	_ =	shalt  }
0x6a: {  	_ =	shalt  }
0x6b: {  	_ =	shalt  }
0x6c: {  	_ =	shalt  }
0x6d: {  	_ =	shalt  }
0x6e: {  	_ =	shalt  }
0x6f: {  	_ =	shalt  }
0x70: {  	_ =	shalt  }
0x71: {  	_ =	shalt  }
0x72: {  	_ =	shalt  }
0x73: {  	_ =	shalt  }
0x74: {  	_ =	shalt  }
0x75: {  	_ =	shalt  }
0x76: {  	_ =	shalt  }
0x77: {  	_ =	shalt  }
0x78: {  	_ =	shalt  }
0x79: {  	_ =	shalt  }
0x7a: {  	_ =	shalt  }
0x7b: {  	_ =	shalt  }
0x7c: {  	_ =	shalt  }
0x7d: {  	_ =	shalt  }
0x7e: {  	_ =	shalt  }
0x7f: {  	_ =	shalt  }
0x80: {  	_ =	shalt  }
0x81: {  	_ =	shalt  }
0x82: {  	_ =	shalt  }
0x83: {  	_ =	shalt  }
0x84: {  	_ =	shalt  }
0x85: {  	_ =	shalt  }
0x86: {  	_ =	shalt  }
0x87: {  	_ =	shalt  }
.Lfunc_end0:
.L_simem_size_0:
called_computation.1_lowered:
.L_overlay_start_0:
0x88: {  	s2 =	sld [smem:$0x3FD9]  }
0x89: {  	s3 =	sld [smem:$0x3FFE];
	_ =	sdelay $0x1  }
0x8a: {  	s1 =	srdreg.scid  }
0x8b: {  	s0 =	sand.u32 $0x1, s1  }
0x8c: {  	s17 =	sshll.u32 s0, $0xA;
	s2 =	sadd.s32 s3, s2  }
0x8d: {  	s2 =	sadd.s32 s2, s17  }
0x8e: {  	[smem:$0x3FC2] =	sst s2  }
0x8f: {  	_ = 	snop  }
0x90: {  	s2 =	sld [smem:$0x3FD0];
	(tm) =	ssettm $0x1  }
0x91: {  	s18 =	sld [smem:$0x3FFB];
	_ =	sdelay $0x3  }
0x92: {  	_ =	strace s18  }
0x93: {  	s3 =	sld [smem:$0x3FFC];
	_ =	sdelay $0x3  }
0x94: {  	_ =	strace s3  }
0x95: {  	s3 =	sld [smem:$0x3FFD];
	_ =	sdelay $0x3  }
0x96: {  	_ =	strace s3  }
0x97: {  	_ =	strace $0x8FFFFFFF  }
0x98: {  	s19 =	sld [smem:$0x3FDB];
	_ =	sdelay $0x1  }
0x99: {  	s4 =	simm.s32 $_scs_section_size  }
0x9a: {  	s5 =	simm.s32 $_size__tile_overlayer_lowered;
	s6 =	simm.s32 $_tile_overlayer_lowered  }
0x9b: {  	s22 =	simm.s32 $0x1BFF;
	s21 =	sshll.u32 s6, $0x1;
	s3 =	sadd.s32 s4, s19  }
0x9c: {  	s7 =	simm.s32 $0x0;
	s20 =	sshll.u32 s5, $0x1;
	s5 =	sadd.s32 s21, s3  }
0x9d: {  	[timem:s7], [sflag:s22] =	dma.local [hbm:s5], s20  }
0x9e: {  	_ =	swait.ge [sflag:s22], s20  }
0x9f: {  	s4 =	ssub.s32 $0x0, s20;
	[sflag:s22] =	ssyncset.done $0x0  }
0xa0: {  	[sflag:s22] =	ssyncadd.s32 s4;
	_ =	sdelay $0x1  }
0xa1: {  	s23 =	simm.s32 $0x1B8B  }
0xa2: {  	_ =	swait.ge [sflag:s23], $0x1  }
0xa3: {  	[sflag:s23] =	ssyncset.done $0x0  }
0xa4: {  	s25 =	simm.s32 $0x1B8E;
	s24 =	sld [smem:$0x3FFE];
	[sflag:s23] =	ssyncadd.s32 $0xFFFFFFFF  }
0xa5: {  	s26 =	simm.s32 $execute0_lowered;
	[smem:$0x3FD2] =	sst s25  }
0xa6: {  	s5 =	sshll.u32 s26, $0x1;
	_ =	strace $0x80000049;
	[dreg:$0x1] =	wrdreg $0xFFFFFFFF  }
0xa7: {  	s28 =	simm.s32 $_size_execute0_lowered;
	s3 =	sadd.s32 s3, s5;
	[dreg:$0x0] =	wrdreg $0x0  }
0xa8: {  	s5 =	sshll.u32 s28, $0x1;
	[dreg:$0x2] =	wrdreg s3  }
0xa9: {  	[dreg:$0x3] =	wrdreg s5  }
0xaa: {  	[dreg:$0x4] =	wrdreg $0xC0  }
0xab: {  	_ =	task [dreg:s7], $0x5FFFF  }
0xac: {  	[dreg:$0x1] =	wrdreg $0xFFFFFFFF  }
0xad: {  	[dreg:$0x0] =	wrdreg $0x60  }
0xae: {  	[dreg:$0x2] =	wrdreg s2  }
0xaf: {  	[dreg:$0x3] =	wrdreg s24  }
0xb0: {  	[dreg:$0x4] =	wrdreg $0xC6200  }
0xb1: {  	[dreg:$0x5] =	wrdreg $0x9  }
0xb2: {  	_ =	task.clear_ibuf [dreg:s7], $0x6FFFF;
	_ =	strace $0x90000049  }
0xb3: {  	s29 =	simm.s32 $0x9;
	_ =	strace $0x8000004B  }
0xb4: {  	_ =	swait.ge [sflag:s29], $0x1  }
0xb5: {  	[sflag:s29] =	ssyncadd.s32 $0xFFFFFFFF  }
0xb6: {  	_ =	strace $0x9000004B  }
0xb7: {  	_ =	sfence  }
0xb8: {  	s30 =	sld [smem:$0x0];
	_ =	sdelay $0x2  }
0xb9: {  	s31 =	sshll.u32 s1, $0xD;
	s1 =	sshrl.u32 s1, $0x2  }
0xba: {  	s3 =	sand.u32 $0x4000, s31;
	s1 =	sadd.s32 s1, s30  }
0xbb: {  	s0 =	sor.u32 s3, s0;
	s1 =	sshll.u32 s1, $0x11  }
0xbc: {  	s0 =	sor.u32 s1, s0  }
0xbd: {  	s0 =	sadd.s32 $0x8F2B, s0  }
0xbe: {  	[sflag:s0] =	ssyncadd.remote.s32 $0x1  }
0xbf: {  	_ =	sfence.sel $0xFFFF  }
0xc0: {  	[dreg:$0x0] =	wrdreg $0xFFFFFFFF;
	(pc) =	sbr.abs _section_cstart, $3  }
0xc1: {  	[dreg:$0x1] =	wrdreg $0xFFFFFFFF  }
0xc2: {  	_ =	task.clear_ibuf [dreg:s7], $0x2FFFF;
	_ =	strace $0x9FFFFFFF  }
0xc3: {  	(tm) =	ssettm $0x7FFFFFFF  }
tec
execute0_lowered:
.L_overlay_start_1:
0x0: {  	(tag) =	ssettag $0x1  }
0x1: {  	s0 =	srdreg.scid;
	s1 =	rddreg [dreg:$0x0]  }
0x2: {  	s2 =	rddreg [dreg:$0x1];
	s11 =	stileid.u32  }
0x3: {  	s3 =	rddreg [dreg:$0x2];
	s31 =	simm.s32 $0xE;
	s8 =	smul.u32 $0x4E000, s11  }
0x4: {  	s0 =	sand.u32 $0x1, s0;
	s6 =	smul.u32 $0x13800, s11;
	p0 =	sne.s32 s11, $0xF  }
0x5: {  	s30 =	sadd.s32 $0x138000, s3;
	s4 =	sshll.u32 s0, $0x4;
	s23 =	sshrl.u32 s8, $0x2  }
0x6: {  	s5 =	sor.u32 s11, s4;
	s4 =	simm.s32 $0x0;
	s25 =	sadd.s32 s23, s3  }
0x7: {  	s7 =	ssub.s32 $0x2, s0;
	[smem:$0x7FF] =	sst s4;
	s26 =	sadd.s32 $0x1400, s25  }
0x8: {  	_ =	strace $0x8000004A;
	s28 =	sadd.s32 $0x2800, s25;
	[dreg:$0x6] =	wrdreg s26  }
0x9: {  	p4 =	seq.s32 s0, $0x1;
	s29 =	sadd.s32 $0x3C00, s25;
	[dreg:$0x7] =	wrdreg s28  }
0xa: {  	s0 =	simm.s32 $0x5;
	s8 =	sadd.s32 $0x5000, s25;
	[dreg:$0x8] =	wrdreg s29  }
0xb: {  	s9 =	sshrl.u32 s6, $0x3;
	s12 =	sadd.s32 $0x6400, s25;
	[dreg:$0x9] =	wrdreg s8  }
0xc: {  	s10 =	sshrl.u32 s7, $0x1;
	s13 =	sadd.s32 $0x7800, s25;
	[dreg:$0xa] =	wrdreg s12  }
0xd: {  	p2 =	seq.s32 @p4 s11, $0xF;
	s14 =	sadd.s32 $0x8C00, s25;
	[dreg:$0xb] =	wrdreg s13  }
0xe: {  	p5 =	seq.s32 @!p4 s11, $0xF;
	s15 =	sadd.s32 $0xA000, s25;
	[dreg:$0xc] =	wrdreg s14  }
0xf: {  	s11 =	simm.s32 $0x8A20;
	s16 =	sadd.s32 $0xB400, s25;
	[dreg:$0xd] =	wrdreg s15  }
0x10: {  	s5 =	smul.u32 $0x4E2, s5;
	s17 =	sadd.s32 $0xC800, s25;
	[dreg:$0xe] =	wrdreg s16  }
0x11: {  	s9 =	sadd.s32 s9, s2;
	s18 =	sadd.s32 $0xDC00, s25;
	[dreg:$0xf] =	wrdreg s17  }
0x12: {  	s10 =	ssub.s32 s7, s10;
	s19 =	sadd.s32 $0xF000, s25;
	[dreg:$0x10] =	wrdreg s18  }
0x13: {  	s7 =	sadd.s32 s6, s3;
	s20 =	sadd.s32 $0x10400, s25;
	[dreg:$0x11] =	wrdreg s19  }
0x14: {  	p1 =	por !p2, !p4;
	s21 =	sadd.s32 $0x11800, s25;
	[dreg:$0x12] =	wrdreg s20  }
0x15: {  	p2 =	por p2, !p4;
	s22 =	sadd.s32 $0x12C00, s25;
	[dreg:$0x13] =	wrdreg s21  }
0x16: {  	p3 =	por !p5, p4;
	s23 =	sadd.s32 $0x15A00, s9;
	[dreg:$0x14] =	wrdreg s22  }
0x17: {  	p4 =	por p5, p4;
	s25 =	sadd.s32 $0x15600, s2;
	[dreg:$0x15] =	wrdreg s23  }
0x18: {  	s6 =	simm.s32 $0x28;
	s5 =	sadd.s32 s5, s2;
	[dreg:$0x17] =	wrdreg s25  }
0x19: {  	s26 =	sadd.s32 $0x3A300, s2;
	s28 =	sadd.s32 $0x61500, s2;
	s29 =	smax.u32 s10, $0x1  }
0x1a: {  	s2 =	simm.s32 $0xB220;
	s8 =	simm.s32 $0x4E20;
	s10 =	simm.s32 $0x7620  }
0x1b: {  	s12 =	simm.s32 $0x9E20;
	s13 =	simm.s32 $0x7;
	s14 =	simm.s32 $0x8  }
0x1c: {  	s15 =	simm.s32 $0x9;
	s16 =	simm.s32 $0xA;
	s17 =	simm.s32 $0xB  }
0x1d: {  	s18 =	simm.s32 $0xC;
	s19 =	simm.s32 $0x1;
	[dreg:$0x18] =	wrdreg s26  }
0x1e: {  	s20 =	simm.s32 $0x2;
	s21 =	simm.s32 $0x3;
	[dreg:$0x19] =	wrdreg s28  }
0x1f: {  	s22 =	simm.s32 $0x4;
	s24 =	sadd.s32 $0xB800, s5;
	[dreg:$0x1a] =	wrdreg s29  }
0x20: {  	s23 =	simm.s32 $0x6;
	s5 =	sadd.s32 $0x1A00, s5;
	[dreg:$0x4] =	wrdreg s24  }
0x21: {  	[dreg:$0x5] =	wrdreg s5;
	s24 =	sadd.s32 $0x3CC00, s9;
	s5 =	simm.s32 $0xD  }
0x22: {  	s9 =	simm.s32 $0x6220;
	[dreg:$0x16] =	wrdreg s24;
	s24 =	simm.s32 $0x0  }
.LBB2_1:
0x23: {  	s25 =	rddreg [dreg:$0x4]  }
0x24: {  	[tilespmem:s4], [sflag:$0xD] =	stream.linear.gather [hbm4b:s25+s4], $0x2710, $0x38;
	[tilespmem:$0x1FEA0] =	vst v63  }
0x25: {  	s28 =	rddreg [dreg:$0x5];
	s26 =	simm.s32 $0x2710  }
0x26: {  	[tilespmem:s26], [sflag:$0xD] =	stream.linear.gather [hbm4b:s28+s4], $0x2710, $0x38;
	[tilespmem:$0x1FEA0] =	vst v63  }
0x27: {  	s29 =	rddreg [dreg:$0x17]  }
0x28: {  	[tilespmem:s2], [sflag:$0xE] =	stream.linear.gather [hbm4b:s29+s4], $0x1400, $0x38;
	[tilespmem:$0x1FEA0] =	vst v63  }
0x29: {  	_ =	swait.ge [sflag:s31], $0x1400  }
0x2a: {  	[sflag:s31] =	ssyncset.done $0x0  }
0x2b: {  	[sflag:s31] =	ssyncadd.s32 $0xFFFFEC00  }
0x2c: {  	_ =	swait.ge [sflag:s5], $0x2710  }
0x2d: {  	[sflag:s5] =	ssyncset.done $0x0  }
0x2e: {  	[sflag:s5] =	ssyncadd.s32 $0xFFFFD8F0  }
0x2f: {  	[tilespmem:s8], [sflag:$0x1] =	stream.indirect.gather [hbm4b:s1+s6], $0x80, s4, s6, $0xb8;
	[tilespmem:$0x1FEA0] =	vst v63  }
0x30: {  	_ = 	snop  }
0x31: {  	[tilespmem:s9], [sflag:$0x2] =	stream.indirect.gather [hbm4b:s1+s6], $0x80, s6, s6, $0xb8;
	[tilespmem:$0x1FEA0] =	vst v63  }
0x32: {  	s26 =	simm.s32 $0x50  }
0x33: {  	[tilespmem:s10], [sflag:$0x3] =	stream.indirect.gather [hbm4b:s1+s6], $0x80, s26, s6, $0xb8;
	[tilespmem:$0x1FEA0] =	vst v63  }
0x34: {  	s28 =	simm.s32 $0x78  }
0x35: {  	[tilespmem:s11], [sflag:$0x4] =	stream.indirect.gather [hbm4b:s1+s6], $0x80, s28, s6, $0xb8;
	[tilespmem:$0x1FEA0] =	vst v63  }
0x36: {  	s29 =	simm.s32 $0xA0  }
0x37: {  	[tilespmem:s12], [sflag:$0x5] =	stream.indirect.gather [hbm4b:s1+s6], $0x80, s29, s6, $0xb8;
	[tilespmem:$0x1FEA0] =	vst v63  }
0x38: {  	_ = 	snop  }
0x39: {  	[spmem:s7] =	stream.linear.scatter [tilespmem:s2], [sflag:$0x7], $0x1400, $0x38;
	[tilespmem:$0x1FEA0] =	vst v63  }
0x3a: {  	s26 =	rddreg [dreg:$0x6]  }
0x3b: {  	[spmem:s26] =	stream.linear.scatter [tilespmem:s2], [sflag:$0x8], $0x1400, $0x38;
	[tilespmem:$0x1FEA0] =	vst v63  }
0x3c: {  	s28 =	rddreg [dreg:$0x7]  }
0x3d: {  	[spmem:s28] =	stream.linear.scatter [tilespmem:s2], [sflag:$0x9], $0x1400, $0x38;
	[tilespmem:$0x1FEA0] =	vst v63  }
0x3e: {  	s29 =	rddreg [dreg:$0x8]  }
0x3f: {  	[spmem:s29] =	stream.linear.scatter [tilespmem:s2], [sflag:$0xA], $0x1400, $0x38;
	[tilespmem:$0x1FEA0] =	vst v63  }
0x40: {  	s26 =	rddreg [dreg:$0x9]  }
0x41: {  	[spmem:s26] =	stream.linear.scatter [tilespmem:s2], [sflag:$0xB], $0x1400, $0x38;
	[tilespmem:$0x1FEA0] =	vst v63  }
0x42: {  	s28 =	rddreg [dreg:$0xa]  }
0x43: {  	[spmem:s28] =	stream.linear.scatter [tilespmem:s2], [sflag:$0xC], $0x1400, $0x38;
	[tilespmem:$0x1FEA0] =	vst v63  }
0x44: {  	s29 =	rddreg [dreg:$0xb]  }
0x45: {  	[spmem:s29] =	stream.linear.scatter [tilespmem:s2], [sflag:$0x7], $0x1400, $0x38;
	[tilespmem:$0x1FEA0] =	vst v63  }
0x46: {  	s26 =	rddreg [dreg:$0xc]  }
0x47: {  	[spmem:s26] =	stream.linear.scatter [tilespmem:s2], [sflag:$0x8], $0x1400, $0x38;
	[tilespmem:$0x1FEA0] =	vst v63  }
0x48: {  	s28 =	rddreg [dreg:$0xd]  }
0x49: {  	[spmem:s28] =	stream.linear.scatter [tilespmem:s2], [sflag:$0x9], $0x1400, $0x38;
	[tilespmem:$0x1FEA0] =	vst v63  }
0x4a: {  	s29 =	rddreg [dreg:$0xe]  }
0x4b: {  	[spmem:s29] =	stream.linear.scatter [tilespmem:s2], [sflag:$0xA], $0x1400, $0x38;
	[tilespmem:$0x1FEA0] =	vst v63  }
0x4c: {  	s26 =	rddreg [dreg:$0xf]  }
0x4d: {  	[spmem:s26] =	stream.linear.scatter [tilespmem:s2], [sflag:$0xB], $0x1400, $0x38;
	[tilespmem:$0x1FEA0] =	vst v63  }
0x4e: {  	s28 =	rddreg [dreg:$0x10]  }
0x4f: {  	[spmem:s28] =	stream.linear.scatter [tilespmem:s2], [sflag:$0xC], $0x1400, $0x38;
	[tilespmem:$0x1FEA0] =	vst v63  }
0x50: {  	s29 =	rddreg [dreg:$0x11]  }
0x51: {  	[spmem:s29] =	stream.linear.scatter [tilespmem:s2], [sflag:$0x7], $0x1400, $0x38;
	[tilespmem:$0x1FEA0] =	vst v63  }
0x52: {  	s26 =	rddreg [dreg:$0x12]  }
0x53: {  	[spmem:s26] =	stream.linear.scatter [tilespmem:s2], [sflag:$0x8], $0x1400, $0x38;
	[tilespmem:$0x1FEA0] =	vst v63  }
0x54: {  	s28 =	rddreg [dreg:$0x13]  }
0x55: {  	[spmem:s28] =	stream.linear.scatter [tilespmem:s2], [sflag:$0x9], $0x1400, $0x38;
	[tilespmem:$0x1FEA0] =	vst v63  }
0x56: {  	s29 =	rddreg [dreg:$0x14]  }
0x57: {  	[spmem:s29] =	stream.linear.scatter [tilespmem:s2], [sflag:$0xA], $0xC00, $0x38;
	[tilespmem:$0x1FEA0] =	vst v63  }
0x58: {  	s25 =	simm.s32 @!p0 $0xB220  }
0x59: {  	[spmem:s30] =	stream.linear.scatter @!p0 [tilespmem:s25], [sflag:$0xE], $0x800, $0x38;
	[tilespmem:$0x1FEA0] =	vst v63  }
0x5a: {  	s25 =	simm.s32 @!p0 $0xE  }
0x5b: {  	_ =	swait.ge @!p0 [sflag:s25], $0x800  }
0x5c: {  	[sflag:s25] =	ssyncset.done @!p0 $0x0  }
0x5d: {  	[sflag:s25] =	ssyncadd.s32 @!p0 $0xFFFFF800  }
0x5e: {  	_ =	swait.ge [sflag:s13], $0x1400  }
0x5f: {  	[sflag:s13] =	ssyncset.done $0x0  }
0x60: {  	[sflag:s13] =	ssyncadd.s32 $0xFFFFEC00  }
0x61: {  	_ =	swait.ge [sflag:s14], $0x1400  }
0x62: {  	[sflag:s14] =	ssyncset.done $0x0  }
0x63: {  	[sflag:s14] =	ssyncadd.s32 $0xFFFFEC00  }
0x64: {  	_ =	swait.ge [sflag:s15], $0x1400  }
0x65: {  	[sflag:s15] =	ssyncset.done $0x0  }
0x66: {  	[sflag:s15] =	ssyncadd.s32 $0xFFFFEC00  }
0x67: {  	_ =	swait.ge [sflag:s16], $0x1400  }
0x68: {  	[sflag:s16] =	ssyncset.done $0x0  }
0x69: {  	[sflag:s16] =	ssyncadd.s32 $0xFFFFEC00  }
0x6a: {  	_ =	swait.ge [sflag:s17], $0x1400  }
0x6b: {  	[sflag:s17] =	ssyncset.done $0x0  }
0x6c: {  	[sflag:s17] =	ssyncadd.s32 $0xFFFFEC00  }
0x6d: {  	_ =	swait.ge [sflag:s18], $0x1400  }
0x6e: {  	[sflag:s18] =	ssyncset.done $0x0  }
0x6f: {  	[sflag:s18] =	ssyncadd.s32 $0xFFFFEC00  }
0x70: {  	_ =	swait.ge [sflag:s13], $0x1400  }
0x71: {  	[sflag:s13] =	ssyncset.done $0x0  }
0x72: {  	[sflag:s13] =	ssyncadd.s32 $0xFFFFEC00  }
0x73: {  	_ =	swait.ge [sflag:s14], $0x1400  }
0x74: {  	[sflag:s14] =	ssyncset.done $0x0  }
0x75: {  	[sflag:s14] =	ssyncadd.s32 $0xFFFFEC00  }
0x76: {  	_ =	swait.ge [sflag:s15], $0x1400  }
0x77: {  	[sflag:s15] =	ssyncset.done $0x0  }
0x78: {  	[sflag:s15] =	ssyncadd.s32 $0xFFFFEC00  }
0x79: {  	_ =	swait.ge [sflag:s16], $0x1400  }
0x7a: {  	[sflag:s16] =	ssyncset.done $0x0  }
0x7b: {  	[sflag:s16] =	ssyncadd.s32 $0xFFFFEC00  }
0x7c: {  	_ =	swait.ge [sflag:s17], $0x1400  }
0x7d: {  	[sflag:s17] =	ssyncset.done $0x0  }
0x7e: {  	[sflag:s17] =	ssyncadd.s32 $0xFFFFEC00  }
0x7f: {  	_ =	swait.ge [sflag:s18], $0x1400  }
0x80: {  	[sflag:s18] =	ssyncset.done $0x0  }
0x81: {  	[sflag:s18] =	ssyncadd.s32 $0xFFFFEC00  }
0x82: {  	_ =	swait.ge [sflag:s13], $0x1400  }
0x83: {  	[sflag:s13] =	ssyncset.done $0x0  }
0x84: {  	[sflag:s13] =	ssyncadd.s32 $0xFFFFEC00  }
0x85: {  	_ =	swait.ge [sflag:s14], $0x1400  }
0x86: {  	[sflag:s14] =	ssyncset.done $0x0  }
0x87: {  	[sflag:s14] =	ssyncadd.s32 $0xFFFFEC00  }
0x88: {  	_ =	swait.ge [sflag:s15], $0x1400  }
0x89: {  	[sflag:s15] =	ssyncset.done $0x0  }
0x8a: {  	[sflag:s15] =	ssyncadd.s32 $0xFFFFEC00  }
0x8b: {  	_ =	swait.ge [sflag:s16], $0xC00  }
0x8c: {  	[sflag:s16] =	ssyncset.done $0x0  }
0x8d: {  	[sflag:s16] =	ssyncadd.s32 $0xFFFFF400  }
0x8e: {  	_ =	swait.ge [sflag:s5], $0x2710  }
0x8f: {  	[sflag:s5] =	ssyncset.done $0x0  }
0x90: {  	[sflag:s5] =	ssyncadd.s32 $0xFFFFD8F0  }
0x91: {  	s26 =	simm.s32 $0xC8;
	[bflag:$0x0] =	sbarrier.arrive $0xFFFF  }
0x92: {  	[tilespmem:s2], [sflag:$0x6] =	stream.indirect.gather [hbm4b:s1+s6], $0x80, s26, s6, $0xb8;
	[tilespmem:$0x1FEA0] =	vst v63  }
0x93: {  	_ =	swait.ge [sflag:s19], $0x1400  }
0x94: {  	[sflag:s19] =	ssyncset.done $0x0  }
0x95: {  	s28 =	simm.s32 $0x2710;
	[sflag:s19] =	ssyncadd.s32 $0xFFFFEC00  }
0x96: {  	[spmem:s3] =	stream.indirect.scatter.add.f32 [tilespmem:s8], [sflag:$0x7], $0x80, s28, s6, $0xb8;
	[tilespmem:$0x1FEA0] =	vst v63  }
0x97: {  	_ =	swait.ge [sflag:s20], $0x1400  }
0x98: {  	[sflag:s20] =	ssyncset.done $0x0  }
0x99: {  	s29 =	simm.s32 $0x2738;
	[sflag:s20] =	ssyncadd.s32 $0xFFFFEC00  }
0x9a: {  	[spmem:s3] =	stream.indirect.scatter.add.f32 [tilespmem:s9], [sflag:$0x8], $0x80, s29, s6, $0xb8;
	[tilespmem:$0x1FEA0] =	vst v63  }
0x9b: {  	_ =	swait.ge [sflag:s21], $0x1400  }
0x9c: {  	[sflag:s21] =	ssyncset.done $0x0  }
0x9d: {  	s26 =	simm.s32 $0x2760;
	[sflag:s21] =	ssyncadd.s32 $0xFFFFEC00  }
0x9e: {  	[spmem:s3] =	stream.indirect.scatter.add.f32 [tilespmem:s10], [sflag:$0x9], $0x80, s26, s6, $0xb8;
	[tilespmem:$0x1FEA0] =	vst v63  }
0x9f: {  	_ =	swait.ge [sflag:s22], $0x1400  }
0xa0: {  	[sflag:s22] =	ssyncset.done $0x0  }
0xa1: {  	s28 =	simm.s32 $0x2788;
	[sflag:s22] =	ssyncadd.s32 $0xFFFFEC00  }
0xa2: {  	[spmem:s3] =	stream.indirect.scatter.add.f32 [tilespmem:s11], [sflag:$0xA], $0x80, s28, s6, $0xb8;
	[tilespmem:$0x1FEA0] =	vst v63  }
0xa3: {  	_ =	swait.ge [sflag:s0], $0x1400  }
0xa4: {  	[sflag:s0] =	ssyncset.done $0x0  }
0xa5: {  	s29 =	simm.s32 $0x27B0;
	[sflag:s0] =	ssyncadd.s32 $0xFFFFEC00  }
0xa6: {  	[spmem:s3] =	stream.indirect.scatter.add.f32 [tilespmem:s12], [sflag:$0xB], $0x80, s29, s6, $0xb8;
	[tilespmem:$0x1FEA0] =	vst v63  }
0xa7: {  	_ =	swait.ge [sflag:s23], $0x1400  }
0xa8: {  	[sflag:s23] =	ssyncset.done $0x0  }
0xa9: {  	s26 =	simm.s32 $0x27D8;
	[sflag:s23] =	ssyncadd.s32 $0xFFFFEC00  }
0xaa: {  	[spmem:s3] =	stream.indirect.scatter.add.f32 [tilespmem:s2], [sflag:$0xC], $0x80, s26, s6, $0xb8;
	[tilespmem:$0x1FEA0] =	vst v63  }
0xab: {  	_ =	swait.ge [sflag:s13], $0x1400  }
0xac: {  	[sflag:s13] =	ssyncset.done $0x0  }
0xad: {  	s28 =	simm.s32 $0xF0;
	[sflag:s13] =	ssyncadd.s32 $0xFFFFEC00  }
0xae: {  	[tilespmem:s8], [sflag:$0x1] =	stream.indirect.gather [hbm4b:s1+s6], $0x80, s28, s6, $0xb8;
	[tilespmem:$0x1FEA0] =	vst v63  }
0xaf: {  	_ =	swait.ge [sflag:s14], $0x1400  }
0xb0: {  	[sflag:s14] =	ssyncset.done $0x0  }
0xb1: {  	s29 =	simm.s32 $0x118;
	[sflag:s14] =	ssyncadd.s32 $0xFFFFEC00  }
0xb2: {  	[tilespmem:s9], [sflag:$0x2] =	stream.indirect.gather [hbm4b:s1+s6], $0x80, s29, s6, $0xb8;
	[tilespmem:$0x1FEA0] =	vst v63  }
0xb3: {  	_ =	swait.ge [sflag:s15], $0x1400  }
0xb4: {  	[sflag:s15] =	ssyncset.done $0x0  }
0xb5: {  	s26 =	simm.s32 $0x140;
	[sflag:s15] =	ssyncadd.s32 $0xFFFFEC00  }
0xb6: {  	[tilespmem:s10], [sflag:$0x3] =	stream.indirect.gather [hbm4b:s1+s6], $0x80, s26, s6, $0xb8;
	[tilespmem:$0x1FEA0] =	vst v63  }
0xb7: {  	_ =	swait.ge [sflag:s16], $0x1400  }
0xb8: {  	[sflag:s16] =	ssyncset.done $0x0  }
0xb9: {  	s28 =	simm.s32 $0x168;
	[sflag:s16] =	ssyncadd.s32 $0xFFFFEC00  }
0xba: {  	[tilespmem:s11], [sflag:$0x4] =	stream.indirect.gather [hbm4b:s1+s6], $0x80, s28, s6, $0xb8;
	[tilespmem:$0x1FEA0] =	vst v63  }
0xbb: {  	_ =	swait.ge [sflag:s17], $0x1400  }
0xbc: {  	[sflag:s17] =	ssyncset.done $0x0  }
0xbd: {  	s29 =	simm.s32 $0x190;
	[sflag:s17] =	ssyncadd.s32 $0xFFFFEC00  }
0xbe: {  	[tilespmem:s12], [sflag:$0x5] =	stream.indirect.gather [hbm4b:s1+s6], $0x80, s29, s6, $0xb8;
	[tilespmem:$0x1FEA0] =	vst v63  }
0xbf: {  	_ =	swait.ge [sflag:s18], $0x1400  }
0xc0: {  	[sflag:s18] =	ssyncset.done $0x0  }
0xc1: {  	s25 =	simm.s32 $0x3C0;
	s26 =	simm.s32 $0x1B8;
	[sflag:s18] =	ssyncadd.s32 $0xFFFFEC00  }
.LBB2_2:
0xc2: {  	[tilespmem:s2], [sflag:$0x6] =	stream.indirect.gather [hbm4b:s1+s6], $0x80, s26, s6, $0xb8;
	[tilespmem:$0x1FEA0] =	vst v63  }
0xc3: {  	s26 =	smov.u32 s25  }
0xc4: {  	p5 =	sne.s32 s25, $0x9240;
	s25 =	sadd.s32 $0x3C0, s25;
	_ =	swait.ge [sflag:s19], $0x1400  }
0xc5: {  	s26 =	sshra.s32 s26, $0x2;
	[sflag:s19] =	ssyncset.done $0x0  }
0xc6: {  	s28 =	sadd.s32 $0x2710, s26;
	[sflag:s19] =	ssyncadd.s32 $0xFFFFEC00  }
0xc7: {  	[spmem:s3] =	stream.indirect.scatter.add.f32 [tilespmem:s8], [sflag:$0x7], $0x80, s28, s6, $0xb8;
	[tilespmem:$0x1FEA0] =	vst v63  }
0xc8: {  	_ =	swait.ge [sflag:s20], $0x1400  }
0xc9: {  	[sflag:s20] =	ssyncset.done $0x0  }
0xca: {  	s28 =	sadd.s32 $0x2738, s26;
	[sflag:s20] =	ssyncadd.s32 $0xFFFFEC00  }
0xcb: {  	[spmem:s3] =	stream.indirect.scatter.add.f32 [tilespmem:s9], [sflag:$0x8], $0x80, s28, s6, $0xb8;
	[tilespmem:$0x1FEA0] =	vst v63  }
0xcc: {  	_ =	swait.ge [sflag:s21], $0x1400  }
0xcd: {  	[sflag:s21] =	ssyncset.done $0x0  }
0xce: {  	s28 =	sadd.s32 $0x2760, s26;
	[sflag:s21] =	ssyncadd.s32 $0xFFFFEC00  }
0xcf: {  	[spmem:s3] =	stream.indirect.scatter.add.f32 [tilespmem:s10], [sflag:$0x9], $0x80, s28, s6, $0xb8;
	[tilespmem:$0x1FEA0] =	vst v63  }
0xd0: {  	_ =	swait.ge [sflag:s22], $0x1400  }
0xd1: {  	[sflag:s22] =	ssyncset.done $0x0  }
0xd2: {  	s28 =	sadd.s32 $0x2788, s26;
	[sflag:s22] =	ssyncadd.s32 $0xFFFFEC00  }
0xd3: {  	[spmem:s3] =	stream.indirect.scatter.add.f32 [tilespmem:s11], [sflag:$0xA], $0x80, s28, s6, $0xb8;
	[tilespmem:$0x1FEA0] =	vst v63  }
0xd4: {  	_ =	swait.ge [sflag:s0], $0x1400  }
0xd5: {  	[sflag:s0] =	ssyncset.done $0x0  }
0xd6: {  	s28 =	sadd.s32 $0x27B0, s26;
	[sflag:s0] =	ssyncadd.s32 $0xFFFFEC00  }
0xd7: {  	[spmem:s3] =	stream.indirect.scatter.add.f32 [tilespmem:s12], [sflag:$0xB], $0x80, s28, s6, $0xb8;
	[tilespmem:$0x1FEA0] =	vst v63  }
0xd8: {  	_ =	swait.ge [sflag:s23], $0x1400  }
0xd9: {  	[sflag:s23] =	ssyncset.done $0x0  }
0xda: {  	s28 =	sadd.s32 $0x27D8, s26;
	[sflag:s23] =	ssyncadd.s32 $0xFFFFEC00  }
0xdb: {  	[spmem:s3] =	stream.indirect.scatter.add.f32 [tilespmem:s2], [sflag:$0xC], $0x80, s28, s6, $0xb8;
	[tilespmem:$0x1FEA0] =	vst v63  }
0xdc: {  	_ =	swait.ge [sflag:s13], $0x1400  }
0xdd: {  	[sflag:s13] =	ssyncset.done $0x0  }
0xde: {  	s28 =	sadd.s32 $0xF0, s26;
	[sflag:s13] =	ssyncadd.s32 $0xFFFFEC00  }
0xdf: {  	[tilespmem:s8], [sflag:$0x1] =	stream.indirect.gather [hbm4b:s1+s6], $0x80, s28, s6, $0xb8;
	[tilespmem:$0x1FEA0] =	vst v63  }
0xe0: {  	_ =	swait.ge [sflag:s14], $0x1400  }
0xe1: {  	[sflag:s14] =	ssyncset.done $0x0  }
0xe2: {  	s28 =	sadd.s32 $0x118, s26;
	[sflag:s14] =	ssyncadd.s32 $0xFFFFEC00  }
0xe3: {  	[tilespmem:s9], [sflag:$0x2] =	stream.indirect.gather [hbm4b:s1+s6], $0x80, s28, s6, $0xb8;
	[tilespmem:$0x1FEA0] =	vst v63  }
0xe4: {  	_ =	swait.ge [sflag:s15], $0x1400  }
0xe5: {  	[sflag:s15] =	ssyncset.done $0x0  }
0xe6: {  	s28 =	sadd.s32 $0x140, s26;
	[sflag:s15] =	ssyncadd.s32 $0xFFFFEC00  }
0xe7: {  	[tilespmem:s10], [sflag:$0x3] =	stream.indirect.gather [hbm4b:s1+s6], $0x80, s28, s6, $0xb8;
	[tilespmem:$0x1FEA0] =	vst v63  }
0xe8: {  	_ =	swait.ge [sflag:s16], $0x1400  }
0xe9: {  	[sflag:s16] =	ssyncset.done $0x0  }
0xea: {  	s28 =	sadd.s32 $0x168, s26;
	[sflag:s16] =	ssyncadd.s32 $0xFFFFEC00  }
0xeb: {  	[tilespmem:s11], [sflag:$0x4] =	stream.indirect.gather [hbm4b:s1+s6], $0x80, s28, s6, $0xb8;
	[tilespmem:$0x1FEA0] =	vst v63  }
0xec: {  	_ =	swait.ge [sflag:s17], $0x1400  }
0xed: {  	[sflag:s17] =	ssyncset.done $0x0  }
.Ltmp0:
0xee: {  	s28 =	sadd.s32 $0x190, s26;
	[sflag:s17] =	ssyncadd.s32 $0xFFFFEC00;
	(pc) =	sbr.rel @p5 .LBB2_2-.Ltmp0, $4  }
0xef: {  	[tilespmem:s12], [sflag:$0x5] =	stream.indirect.gather [hbm4b:s1+s6], $0x80, s28, s6, $0xb8;
	[tilespmem:$0x1FEA0] =	vst v63  }
0xf0: {  	_ =	swait.ge [sflag:s18], $0x1400  }
0xf1: {  	[sflag:s18] =	ssyncset.done $0x0  }
0xf2: {  	s26 =	sadd.s32 $0x1B8, s26;
	[sflag:s18] =	ssyncadd.s32 $0xFFFFEC00  }
0xf3: {  	[tilespmem:s2], [sflag:$0x6] =	stream.indirect.gather [hbm4b:s1+s6], $0x80, s26, s6, $0xb8;
	[tilespmem:$0x1FEA0] =	vst v63  }
0xf4: {  	_ =	swait.ge [sflag:s19], $0x1400  }
0xf5: {  	[sflag:s19] =	ssyncset.done $0x0  }
0xf6: {  	s25 =	simm.s32 $0x4C90;
	[sflag:s19] =	ssyncadd.s32 $0xFFFFEC00  }
0xf7: {  	[spmem:s3] =	stream.indirect.scatter.add.f32 [tilespmem:s8], [sflag:$0x7], $0x80, s25, s6, $0xb8;
	[tilespmem:$0x1FEA0] =	vst v63  }
0xf8: {  	_ =	swait.ge [sflag:s20], $0x1400  }
0xf9: {  	[sflag:s20] =	ssyncset.done $0x0  }
0xfa: {  	s26 =	simm.s32 $0x4CB8;
	[sflag:s20] =	ssyncadd.s32 $0xFFFFEC00  }
0xfb: {  	[spmem:s3] =	stream.indirect.scatter.add.f32 [tilespmem:s9], [sflag:$0x8], $0x80, s26, s6, $0xb8;
	[tilespmem:$0x1FEA0] =	vst v63  }
0xfc: {  	_ =	swait.ge [sflag:s21], $0x1400  }
0xfd: {  	[sflag:s21] =	ssyncset.done $0x0  }
0xfe: {  	s29 =	simm.s32 $0x4CE0;
	[sflag:s21] =	ssyncadd.s32 $0xFFFFEC00  }
0xff: {  	[spmem:s3] =	stream.indirect.scatter.add.f32 [tilespmem:s10], [sflag:$0x9], $0x80, s29, s6, $0xb8;
	[tilespmem:$0x1FEA0] =	vst v63  }
0x100: {  	_ =	swait.ge [sflag:s22], $0x1400  }
0x101: {  	[sflag:s22] =	ssyncset.done $0x0  }
0x102: {  	s26 =	simm.s32 $0x4D08;
	[sflag:s22] =	ssyncadd.s32 $0xFFFFEC00  }
0x103: {  	[spmem:s3] =	stream.indirect.scatter.add.f32 [tilespmem:s11], [sflag:$0xA], $0x80, s26, s6, $0xb8;
	[tilespmem:$0x1FEA0] =	vst v63  }
0x104: {  	_ =	swait.ge [sflag:s0], $0x1400  }
0x105: {  	[sflag:s0] =	ssyncset.done $0x0  }
0x106: {  	s29 =	simm.s32 $0x4D30;
	[sflag:s0] =	ssyncadd.s32 $0xFFFFEC00  }
0x107: {  	[spmem:s3] =	stream.indirect.scatter.add.f32 [tilespmem:s12], [sflag:$0xB], $0x80, s29, s6, $0xb8;
	[tilespmem:$0x1FEA0] =	vst v63  }
0x108: {  	_ =	swait.ge [sflag:s23], $0x1400  }
0x109: {  	[sflag:s23] =	ssyncset.done $0x0  }
0x10a: {  	s26 =	simm.s32 $0x4D58;
	[sflag:s23] =	ssyncadd.s32 $0xFFFFEC00  }
0x10b: {  	[spmem:s3] =	stream.indirect.scatter.add.f32 [tilespmem:s2], [sflag:$0xC], $0x80, s26, s6, $0xb8;
	[tilespmem:$0x1FEA0] =	vst v63  }
0x10c: {  	_ =	swait.ge [sflag:s13], $0x1400  }
0x10d: {  	[sflag:s13] =	ssyncset.done $0x0  }
0x10e: {  	s29 =	simm.s32 $0x2670;
	[sflag:s13] =	ssyncadd.s32 $0xFFFFEC00  }
0x10f: {  	[tilespmem:s8], [sflag:$0x1] =	stream.indirect.gather [hbm4b:s1+s6], $0x80, s29, s6, $0xb8;
	[tilespmem:$0x1FEA0] =	vst v63  }
0x110: {  	_ =	swait.ge [sflag:s14], $0x1400  }
0x111: {  	[sflag:s14] =	ssyncset.done $0x0  }
0x112: {  	s26 =	simm.s32 $0x2698;
	[sflag:s14] =	ssyncadd.s32 $0xFFFFEC00  }
0x113: {  	[tilespmem:s9], [sflag:$0x2] =	stream.indirect.gather [hbm4b:s1+s6], $0x80, s26, s6, $0xb8;
	[tilespmem:$0x1FEA0] =	vst v63  }
0x114: {  	_ =	swait.ge [sflag:s15], $0x1400  }
0x115: {  	[sflag:s15] =	ssyncset.done $0x0  }
0x116: {  	s29 =	simm.s32 $0x26C0;
	[sflag:s15] =	ssyncadd.s32 $0xFFFFEC00  }
0x117: {  	[tilespmem:s10], [sflag:$0x3] =	stream.indirect.gather [hbm4b:s1+s6], $0x80, s29, s6, $0xb8;
	[tilespmem:$0x1FEA0] =	vst v63  }
0x118: {  	_ =	swait.ge [sflag:s16], $0x1400  }
0x119: {  	[sflag:s16] =	ssyncset.done $0x0  }
0x11a: {  	s26 =	simm.s32 $0x26E8;
	[sflag:s16] =	ssyncadd.s32 $0xFFFFEC00  }
0x11b: {  	[tilespmem:s11], [sflag:$0x4] =	stream.indirect.gather [hbm4b:s1+s6], $0x80, s26, s6, $0xb8;
	[tilespmem:$0x1FEA0] =	vst v63  }
0x11c: {  	_ =	swait.ge [sflag:s19], $0x1400  }
0x11d: {  	[sflag:s19] =	ssyncset.done $0x0  }
0x11e: {  	s29 =	simm.s32 $0x4D80;
	[sflag:s19] =	ssyncadd.s32 $0xFFFFEC00  }
0x11f: {  	[spmem:s3] =	stream.indirect.scatter.add.f32 [tilespmem:s8], [sflag:$0x7], $0x80, s29, s6, $0xb8;
	[tilespmem:$0x1FEA0] =	vst v63  }
0x120: {  	_ =	swait.ge [sflag:s20], $0x1400  }
0x121: {  	[sflag:s20] =	ssyncset.done $0x0  }
0x122: {  	s26 =	simm.s32 $0x4DA8;
	[sflag:s20] =	ssyncadd.s32 $0xFFFFEC00  }
0x123: {  	[spmem:s3] =	stream.indirect.scatter.add.f32 [tilespmem:s9], [sflag:$0x8], $0x80, s26, s6, $0xb8;
	[tilespmem:$0x1FEA0] =	vst v63  }
0x124: {  	_ =	swait.ge [sflag:s21], $0x1400  }
0x125: {  	[sflag:s21] =	ssyncset.done $0x0  }
0x126: {  	s29 =	simm.s32 $0x4DD0;
	[sflag:s21] =	ssyncadd.s32 $0xFFFFEC00  }
0x127: {  	[spmem:s3] =	stream.indirect.scatter.add.f32 [tilespmem:s10], [sflag:$0x9], $0x80, s29, s6, $0xb8;
	[tilespmem:$0x1FEA0] =	vst v63  }
0x128: {  	_ =	swait.ge [sflag:s22], $0x1400  }
0x129: {  	[sflag:s22] =	ssyncset.done $0x0  }
0x12a: {  	s26 =	simm.s32 $0x4DF8;
	[sflag:s22] =	ssyncadd.s32 $0xFFFFEC00  }
0x12b: {  	[spmem:s3] =	stream.indirect.scatter.add.f32 [tilespmem:s11], [sflag:$0xA], $0x80, s26, s6, $0xb8;
	[tilespmem:$0x1FEA0] =	vst v63  }
0x12c: {  	_ =	swait.ge [sflag:s17], $0x1400  }
0x12d: {  	[sflag:s17] =	ssyncset.done $0x0  }
0x12e: {  	[sflag:s17] =	ssyncadd.s32 $0xFFFFEC00  }
0x12f: {  	_ =	swait.ge [sflag:s18], $0x1400  }
0x130: {  	[sflag:s18] =	ssyncset.done $0x0  }
0x131: {  	[sflag:s18] =	ssyncadd.s32 $0xFFFFEC00  }
0x132: {  	_ =	swait.ge [sflag:s13], $0x1400  }
0x133: {  	[sflag:s13] =	ssyncset.done $0x0  }
0x134: {  	[sflag:s13] =	ssyncadd.s32 $0xFFFFEC00  }
0x135: {  	_ =	swait.ge [sflag:s14], $0x1400  }
0x136: {  	[sflag:s14] =	ssyncset.done $0x0  }
0x137: {  	[sflag:s14] =	ssyncadd.s32 $0xFFFFEC00  }
0x138: {  	_ =	swait.ge [sflag:s15], $0x1400  }
0x139: {  	[sflag:s15] =	ssyncset.done $0x0  }
0x13a: {  	[sflag:s15] =	ssyncadd.s32 $0xFFFFEC00  }
0x13b: {  	_ =	swait.ge [sflag:s16], $0x1400  }
0x13c: {  	[sflag:s16] =	ssyncset.done $0x0  }
0x13d: {  	[sflag:s16] =	ssyncadd.s32 $0xFFFFEC00  }
0x13e: {  	[bflag:$0x0] =	sbarrier.arrive $0xFFFF  }
0x13f: {  	s25 =	sshrl.u32 @!p1 s7, $0x3;
	s26 =	simm.s32 @!p1 $0x1FCE;
	s28 =	rddreg [dreg:$0x19]  }
0x140: {  	[hbm:s28], [sflag:s26] =	dma.local @!p1 [spmem:s25], $0x2800  }
0x141: {  	s25 =	simm.s32 @!p1 $0xE  }
0x142: {  	s29 =	stileid.u32;
	_ =	swait.ge @!p1 [sflag:s25], $0x2800  }
0x143: {  	s26 =	sshll.u32 @!p2 s29, $0x6;
	[sflag:s25] =	ssyncset.done @!p1 $0x0;
	s28 =	rddreg [dreg:$0x16]  }
0x144: {  	[sflag:s25] =	ssyncadd.s32 @!p1 $0xFFFFD800;
	s25 =	sor.u32 @!p2 $0x1C0E, s26;
	s26 =	sshrl.u32 @!p2 s7, $0x3  }
0x145: {  	[hbm:s28], [sflag:s25] =	dma.local @!p2 [spmem:s26], $0x2700  }
0x146: {  	s25 =	simm.s32 @!p2 $0xE  }
0x147: {  	_ =	swait.ge @!p2 [sflag:s25], $0x2700  }
0x148: {  	s26 =	simm.s32 @!p3 $0x1FCE;
	[sflag:s25] =	ssyncset.done @!p2 $0x0  }
0x149: {  	s28 =	rddreg [dreg:$0x18];
	[sflag:s25] =	ssyncadd.s32 @!p2 $0xFFFFD900;
	s25 =	sshrl.u32 @!p3 s7, $0x3  }
0x14a: {  	[hbm:s28], [sflag:s26] =	dma.local @!p3 [spmem:s25], $0x2800  }
0x14b: {  	s25 =	simm.s32 @!p3 $0xE  }
0x14c: {  	_ =	swait.ge @!p3 [sflag:s25], $0x2800  }
0x14d: {  	s26 =	sshll.u32 @!p4 s29, $0x6;
	[sflag:s25] =	ssyncset.done @!p3 $0x0;
	s29 =	rddreg [dreg:$0x15]  }
0x14e: {  	[sflag:s25] =	ssyncadd.s32 @!p3 $0xFFFFD800;
	s25 =	sor.u32 @!p4 $0x1C0E, s26;
	s26 =	sshrl.u32 @!p4 s7, $0x3  }
0x14f: {  	[hbm:s29], [sflag:s25] =	dma.local @!p4 [spmem:s26], $0x2700  }
0x150: {  	s25 =	simm.s32 @!p4 $0xE  }
0x151: {  	_ =	swait.ge @!p4 [sflag:s25], $0x2700  }
0x152: {  	s24 =	sadd.s32 $0x1, s24;
	s29 =	rddreg [dreg:$0x1a]  }
0x153: {  	p5 =	sne.s32 s24, s29  }
.Ltmp1:
0x154: {  	_ = 	snop;
	(pc) =	sbr.rel @p5 .LBB2_1-.Ltmp1, $3  }
0x155: {  	_ =	sdelay $0x1  }
0x156: {  	[sflag:s25] =	ssyncset.done @!p4 $0x0  }
0x157: {  	s28 =	stileid.u32;
	[sflag:s25] =	ssyncadd.s32 @!p4 $0xFFFFD900  }
0x158: {  	_ =	sfence.sel $0x180000  }
0x159: {  	[bflag:$0x0] =	sbarrier.arrive $0xFFFF  }
0x15a: {  	_ =	strace $0x9000004A  }
0x15b: {  	[bflag:$0x2] =	sbarrier.arrive $0xFFFF  }
0x15c: {  	p0 =	sne.s32 s28, $0x0;
	s0 =	rddreg [dreg:$0x3]  }
0x15d: {  	s0 =	sadd.s32 @!p0 $0x100000, s0  }
0x15e: {  	[sflag:s0] =	ssyncadd.tile.s32 @!p0 $0x1;
	_ =	shalt  }
.Lfunc_end2:
_tile_overlayer_lowered:
.L_overlay_start_2:
0x15f: {  	(tag) =	ssettag $0x2  }
0x160: {  	s0 =	rddreg [dreg:$0x0];
	s2 =	stileid.u32  }
0x161: {  	s1 =	rddreg [dreg:$0x1];
	p0 =	sne.s32 s2, $0x0  }
0x162: {  	s3 =	rddreg [dreg:$0x2];
	[bflag:$0x3] =	sbarrier.arrive $0xFFFF;
	s2 =	simm.s32 @!p0 $0x1C0E  }
0x163: {  	[timem:s3], [sflag:s2] =	dma.local @!p0 [hbm:s0], s1  }
0x164: {  	s0 =	simm.s32 @!p0 $0xE  }
0x165: {  	_ =	swait.ge @!p0 [sflag:s0], s1  }
0x166: {  	s1 =	ssub.s32 @!p0 $0x0, s1;
	[sflag:s0] =	ssyncset.done @!p0 $0x0  }
0x167: {  	[sflag:s0] =	ssyncadd.s32 @!p0 s1  }
0x168: {  	[bflag:$0x3] =	sbarrier.arrive $0xFFFF  }
0x169: {  	_ =	shalt  }

</sc_bundles>
